<compile_context>
chip_gen: v7x
topology: tpu7x:2x2x1
jax: 0.10.2.dev20260603
libtpu: 0.0.44.dev20260713+nightly
codegen_flags: <defaults>
</compile_context>

<pallas_src>
import functools

import jax
import jax.numpy as jnp
from jax import lax
from jax.experimental import pallas as pl
from jax.experimental.pallas import tpu as pltpu
from jax.experimental.pallas import tpu_sc as plsc

N = 10000
E = 320000
D = 128

NC = 2
NS = 16
LANES = 16
NW = NC * NS

N_PAD = 10240
ROWS_S = N_PAD // NS
E_PAD = 327680
EW = E_PAD // NW
CHUNK = 128
NCHUNK = EW // CHUNK
ZROWS = 32
NB = NCHUNK // 2

_mesh = plsc.VectorSubcoreMesh(core_axis_name="c", subcore_axis_name="s",
                               num_cores=NC, num_subcores=NS)


@functools.partial(
    pl.kernel,
    out_type=jax.ShapeDtypeStruct((NC, N_PAD), jnp.int32),
    mesh=_mesh,
    scratch_types=[
        pltpu.VMEM((N_PAD,), jnp.int32),
        pltpu.VMEM((EW,), jnp.int32),
        pltpu.VMEM((NS, ROWS_S), jnp.int32),
        pltpu.VMEM((ROWS_S,), jnp.int32),
        pltpu.VMEM_SHARED((NS, N_PAD), jnp.int32),
    ],
    compiler_params=pltpu.CompilerParams(needs_layout_passes=False),
)
def _deg_kernel(dst_hbm, out_hbm, hist, dstbuf, redbuf, resbuf, stage):
    c = lax.axis_index("c")
    s = lax.axis_index("s")
    wid = s * NC + c

    zeros16 = jnp.zeros((LANES,), jnp.int32)
    ones16 = jnp.ones((LANES,), jnp.int32)

    def zero_body(i, carry):
        hist[pl.ds(i * LANES, LANES)] = zeros16
        return carry

    lax.fori_loop(0, N_PAD // LANES, zero_body, 0)

    pltpu.sync_copy(dst_hbm.at[pl.ds(wid * EW, EW)], dstbuf)

    def hist_body(i, carry):
        idx = dstbuf[pl.ds(i * LANES, LANES)]
        plsc.addupdate_scatter(hist, [idx], ones16)
        return carry

    lax.fori_loop(0, EW // LANES, hist_body, 0)

    pltpu.sync_copy(hist, stage.at[s])
    plsc.subcore_barrier()

    def fetch_body(i, carry):
        pltpu.sync_copy(stage.at[i, pl.ds(s * ROWS_S, ROWS_S)], redbuf.at[i])
        return carry

    lax.fori_loop(0, NS, fetch_body, 0)

    def reduce_body(i, carry):
        v = redbuf[0, pl.ds(i * LANES, LANES)]
        for j in range(1, NS):
            v = v + redbuf[j, pl.ds(i * LANES, LANES)]
        resbuf[pl.ds(i * LANES, LANES)] = v
        return carry

    lax.fori_loop(0, ROWS_S // LANES, reduce_body, 0)

    pltpu.sync_copy(resbuf, out_hbm.at[c, pl.ds(s * ROWS_S, ROWS_S)])


def _prescale_body(hist_ref, x_ref, o_ref):
    deg = (hist_ref[..., 0] + hist_ref[..., 1] + 1).astype(jnp.float32)
    dinv = lax.rsqrt(deg)
    o_ref[...] = x_ref[...] * dinv[:, None]


_B2 = 1024


def _prescale(hist_t, x_pad):
    return pl.pallas_call(
        _prescale_body,
        grid=(N_PAD // _B2,),
        in_specs=[
            pl.BlockSpec((_B2, 2), lambda i: (i, 0)),
            pl.BlockSpec((_B2, D), lambda i: (i, 0)),
        ],
        out_specs=pl.BlockSpec((_B2, D), lambda i: (i, 0)),
        out_shape=jax.ShapeDtypeStruct((N_PAD, D), jnp.float32),
    )(hist_t, x_pad)


@functools.partial(
    pl.kernel,
    out_type=jax.ShapeDtypeStruct((NC, N_PAD, D), jnp.float32),
    mesh=_mesh,
    scratch_types=[
        pltpu.VMEM((NB, CHUNK), jnp.int32),
        pltpu.VMEM((NB, CHUNK), jnp.int32),
        pltpu.VMEM((CHUNK, D), jnp.float32),
        pltpu.VMEM((CHUNK, D), jnp.float32),
        pltpu.VMEM((ZROWS, D), jnp.float32),
        pltpu.VMEM_SHARED((N_PAD, D), jnp.float32),
        pltpu.SemaphoreType.DMA,
        pltpu.SemaphoreType.DMA,
    ],
)
def _agg_kernel(x2_hbm, src_hbm, dst_hbm, out_hbm,
                sidx, didx, rows0, rows1, zbuf, acc_s, sem0, sem1):
    c = lax.axis_index("c")
    s = lax.axis_index("s")
    wid = s * NC + c

    zeros16 = jnp.zeros((LANES,), jnp.float32)

    def zero_body(i, carry):
        zbuf[i // (D // LANES), pl.ds((i % (D // LANES)) * LANES, LANES)] = zeros16
        return carry

    lax.fori_loop(0, ZROWS * (D // LANES), zero_body, 0)

    base_row = s * ROWS_S
    for t in range(ROWS_S // ZROWS):
        pltpu.sync_copy(zbuf, acc_s.at[pl.ds(base_row + t * ZROWS, ZROWS), :])
    plsc.subcore_barrier()

    @pl.when(c == 1)
    def _():
        for half in range(4):
            cbase = (s * 4 + half) * NB
            pltpu.sync_copy(src_hbm.at[pl.ds(cbase, NB), :], sidx)
            pltpu.sync_copy(dst_hbm.at[pl.ds(cbase, NB), :], didx)
            pltpu.async_copy(x2_hbm.at[sidx.at[0]], rows0, sem0)

            def pair_body(jj, carry):
                j = jj * 2
                pltpu.async_copy(x2_hbm.at[sidx.at[j + 1]], rows1, sem1)
                pltpu.make_async_copy(x2_hbm.at[sidx.at[j]], rows0, sem0).wait()
                pltpu.sync_copy(rows0, acc_s.at[didx.at[j]], add=True)

                @pl.when(j + 2 < NB)
                def _():
                    pltpu.async_copy(x2_hbm.at[sidx.at[j + 2]], rows0, sem0)

                pltpu.make_async_copy(x2_hbm.at[sidx.at[j + 1]], rows1,
                                      sem1).wait()
                pltpu.sync_copy(rows1, acc_s.at[didx.at[j + 1]], add=True)
                return carry

            lax.fori_loop(0, NB // 2, pair_body, 0)

    plsc.subcore_barrier()

    for t in range(ROWS_S // ZROWS):
        r0 = base_row + t * ZROWS
        pltpu.sync_copy(acc_s.at[pl.ds(r0, ZROWS), :], zbuf)
        pltpu.sync_copy(zbuf, out_hbm.at[c, pl.ds(r0, ZROWS), :])


def _out_body(hist_ref, a0_ref, a1_ref, x2_ref, w_ref, b_ref, a_ref, o_ref):
    deg = (hist_ref[..., 0] + hist_ref[..., 1] + 1).astype(jnp.float32)
    dinv = lax.rsqrt(deg)
    agg = (a0_ref[...] + a1_ref[...] + x2_ref[...]) * dinv[:, None]
    h = jnp.dot(agg, w_ref[...], preferred_element_type=jnp.float32)
    h = h + b_ref[...]
    o_ref[...] = jnp.where(h > 0, h, a_ref[...] * h)


_B4 = 512


def _finalize(hist_t, acc0, acc1, x2, W, b2, a2):
    return pl.pallas_call(
        _out_body,
        grid=(N_PAD // _B4,),
        in_specs=[
            pl.BlockSpec((_B4, 2), lambda i: (i, 0)),
            pl.BlockSpec((_B4, D), lambda i: (i, 0)),
            pl.BlockSpec((_B4, D), lambda i: (i, 0)),
            pl.BlockSpec((_B4, D), lambda i: (i, 0)),
            pl.BlockSpec((D, D), lambda i: (0, 0)),
            pl.BlockSpec((1, D), lambda i: (0, 0)),
            pl.BlockSpec((1, D), lambda i: (0, 0)),
        ],
        out_specs=pl.BlockSpec((_B4, D), lambda i: (i, 0)),
        out_shape=jax.ShapeDtypeStruct((N_PAD, D), jnp.float32),
    )(hist_t, acc0, acc1, x2, W, b2, a2)


def kernel(x, edge_index, edge_type, W, b, a):
    del edge_type
    src = edge_index[0].astype(jnp.int32)
    dst = edge_index[1].astype(jnp.int32)
    src_p = jnp.concatenate([src, jnp.full((E_PAD - E,), N, jnp.int32)])
    dst_p = jnp.concatenate([dst, jnp.full((E_PAD - E,), N_PAD - 1, jnp.int32)])
    src2d = src_p.reshape(NW * NCHUNK, CHUNK)
    dst2d = dst_p.reshape(NW * NCHUNK, CHUNK)
    x_pad = jnp.zeros((N_PAD, D), jnp.float32).at[:N].set(x)

    hist = _deg_kernel(dst_p)
    hist_t = hist.T
    x2 = _prescale(hist_t, x_pad)
    acc = _agg_kernel(x2, src2d, dst2d)
    out = _finalize(hist_t, acc[0], acc[1], x2, W,
                    b.reshape(1, D), a.reshape(1, D))
    return out[:N]

# --- scband reference (transcript-rebuilt; emitter-appended) ---
"""Pipeline reference for scband-gcnencoder-61881888801355 (READ-ONLY COPY).

The authoritative reference and input builder live on the scoring server;
editing this copy changes nothing except your own understanding.
"""

import jax, jax.numpy as jnp
import numpy as np

N_NODES = 10000
N_EDGES = 320000
D_IN = 128
D_OUT = 128


def setup_inputs(seed: int = 0) -> dict:
    key = jax.random.key(seed)
    k1, k2, k3, k4, k5 = jax.random.split(key, 5)
    x = jax.random.normal(k1, (N_NODES, D_IN), dtype=jnp.float32)
    edge_index = jax.random.randint(k2, (2, N_EDGES), 0, N_NODES, dtype=jnp.int64)
    edge_type = jax.random.randint(k3, (N_EDGES,), 0, 4, dtype=jnp.int64)
    # GCNConv linear weight (stored as [in, out] for x @ W) and bias
    W = jax.random.normal(k4, (D_IN, D_OUT), dtype=jnp.float32) * (1.0 / np.sqrt(D_IN))
    b = jnp.zeros((D_OUT,), dtype=jnp.float32)
    # PReLU per-channel slope, torch default init 0.25
    a = jnp.full((D_OUT,), 0.25, dtype=jnp.float32)
    return {"x": x, "edge_index": edge_index, "edge_type": edge_type, "W": W, "b": b, "a": a}


def reference(x, edge_index, edge_type, W, b, a):
    # GCNConv with add_self_loops=True, symmetric normalization (PyG gcn_norm)
    N = x.shape[0]
    src = edge_index[0]
    dst = edge_index[1]
    loop = jnp.arange(N, dtype=edge_index.dtype)
    src = jnp.concatenate([src, loop])
    dst = jnp.concatenate([dst, loop])
    # degree over destination nodes (edge weight = 1)
    deg = jnp.zeros((N,), dtype=x.dtype).at[dst].add(1.0)
    deg_inv_sqrt = jnp.where(deg > 0, jax.lax.rsqrt(deg), 0.0)
    norm = deg_inv_sqrt[src] * deg_inv_sqrt[dst]
    # linear transform then normalized scatter-add propagation
    h = x @ W
    msg = jnp.take(h, src, axis=0) * norm[:, None]
    out = jnp.zeros((N, h.shape[1]), dtype=x.dtype).at[dst].add(msg)
    out = out + b
    # PReLU (per-channel)
    out = jnp.where(out > 0, out, a[None, :] * out)
    return out

if __name__ == "__main__":
    import jax
    _d = setup_inputs()
    print(jax.jit(kernel)(*tuple(_d.values())))

</pallas_src>

<mosaic_0001>
#map = affine_map<(d0, d1) -> (0, 0)>
#map1 = affine_map<(d0, d1) -> (0, 0, 0)>
module attributes {stable_mosaic.version = 14 : i64} {
  func.func @_agg_kernel(%arg0: i32, %arg1: i32, %arg2: memref<10240x128xf32, #tpu.memory_space<hbm>>, %arg3: memref<2560x128xi32, #tpu.memory_space<hbm>>, %arg4: memref<2560x128xi32, #tpu.memory_space<hbm>>, %arg5: memref<2x10240x128xf32, #tpu.memory_space<hbm>>, %arg6: memref<40x128xi32, #tpu.memory_space<vmem>>, %arg7: memref<40x128xi32, #tpu.memory_space<vmem>>, %arg8: memref<128x128xf32, #tpu.memory_space<vmem>>, %arg9: memref<128x128xf32, #tpu.memory_space<vmem>>, %arg10: memref<32x128xf32, #tpu.memory_space<vmem>>, %arg11: memref<10240x128xf32, #tpu.memory_space<vmem_shared>>, %arg12: memref<!tpu.dma_semaphore, #tpu.memory_space<semaphore_mem>>, %arg13: memref<!tpu.dma_semaphore, #tpu.memory_space<semaphore_mem>>) attributes {dimension_semantics = [#tpu.dimension_semantics<core_parallel>, #tpu.dimension_semantics<subcore_parallel>], iteration_bounds = array<i64: 2, 16>, scalar_prefetch = 0 : i64, scratch_operands = 8 : i64, tpu.core_type = #tpu.core_type<sc_vector_subcore>, window_params = [{transform_indices = #map}, {transform_indices = #map}, {transform_indices = #map}, {transform_indices = #map1}]} {
    %mul3A = arith.constant 2 : i32
    %mul3A_0 = arith.muli %arg1, %mul3A : i32
    %add3A = arith.addi %mul3A_0, %arg0 : i32
    %broadcast_in_dim3A = arith.constant 0.000000e+00 : f32
    %broadcast_in_dim3A_1 = vector.broadcast %broadcast_in_dim3A : f32 to vector<16xf32>
    %scan3A = arith.constant 0 : i32
    %scan3A_2 = arith.constant 0 : i32
    %scan3A_3 = arith.constant 256 : i32
    %scan3A_4 = arith.addi %scan3A_2, %scan3A_3 : i32
    %scan3A_5 = arith.constant 1 : i32
    scf.for %scan3A_92 = %scan3A_2 to %scan3A_4 step %scan3A_5  : i32 {
      %jit3A = arith.constant 8 : i32
      %div3A = arith.divsi %scan3A_92, %jit3A : i32
      %sign3A = arith.constant 0 : i32
      %sign3A_93 = arith.cmpi sgt, %scan3A_92, %sign3A : i32
      %sign3A_94 = arith.extui %sign3A_93 : i1 to i32
      %sign3A_95 = arith.constant 0 : i32
      %sign3A_96 = arith.cmpi slt, %scan3A_92, %sign3A_95 : i32
      %sign3A_97 = arith.extui %sign3A_96 : i1 to i32
      %sign3A_98 = arith.subi %sign3A_94, %sign3A_97 : i32
      %sign3A_99 = arith.constant 0 : i32
      %sign3A_100 = arith.cmpi sgt, %jit3A, %sign3A_99 : i32
      %sign3A_101 = arith.extui %sign3A_100 : i1 to i32
      %sign3A_102 = arith.constant 0 : i32
      %sign3A_103 = arith.cmpi slt, %jit3A, %sign3A_102 : i32
      %sign3A_104 = arith.extui %sign3A_103 : i1 to i32
      %sign3A_105 = arith.subi %sign3A_101, %sign3A_104 : i32
      %ne3A = arith.cmpi ne, %sign3A_98, %sign3A_105 : i32
      %rem3A = arith.remsi %scan3A_92, %jit3A : i32
      %ne3A_106 = arith.constant 0 : i32
      %ne3A_107 = arith.cmpi ne, %rem3A, %ne3A_106 : i32
      %and3A = arith.andi %ne3A, %ne3A_107 : i1
      %sub3A = arith.constant 1 : i32
      %sub3A_108 = arith.subi %div3A, %sub3A : i32
      %select_n3A = arith.select %and3A, %sub3A_108, %div3A : i32
      %jit3A_109 = arith.constant 8 : i32
      %eq3A_110 = arith.constant 0 : i32
      %eq3A_111 = arith.cmpi eq, %jit3A_109, %eq3A_110 : i32
      %jit3A_112 = arith.constant 1 : i32
      %select_n3A_113 = arith.select %eq3A_111, %jit3A_112, %jit3A_109 : i32
      %rem3A_114 = arith.remsi %scan3A_92, %select_n3A_113 : i32
      %ne3A_115 = arith.constant 0 : i32
      %ne3A_116 = arith.cmpi ne, %rem3A_114, %ne3A_115 : i32
      %lt3A = arith.constant 0 : i32
      %lt3A_117 = arith.cmpi slt, %rem3A_114, %lt3A : i32
      %lt3A_118 = arith.constant 0 : i32
      %lt3A_119 = arith.cmpi slt, %select_n3A_113, %lt3A_118 : i32
      %ne3A_120 = arith.xori %lt3A_117, %lt3A_119 : i1
      %and3A_121 = arith.andi %ne3A_120, %ne3A_116 : i1
      %add3A_122 = arith.addi %rem3A_114, %select_n3A_113 : i32
      %select_n3A_123 = arith.select %and3A_121, %add3A_122, %rem3A_114 : i32
      %mul3A_124 = arith.constant 16 : i32
      %mul3A_125 = arith.muli %select_n3A_123, %mul3A_124 : i32
      %swap3A = arith.index_cast %select_n3A : i32 to index
      %swap3A_126 = arith.index_cast %mul3A_125 : i32 to index
      %swap3A_127 = tpu.vector_load %arg10[%swap3A, %swap3A_126] {strides = array<i32>} : memref<32x128xf32, #tpu.memory_space<vmem>>, vector<1x16xf32>,
      %swap3A_128 = vector.shape_cast %swap3A_127 : vector<1x16xf32> to vector<16xf32>
      %swap3A_129 = vector.shape_cast %broadcast_in_dim3A_1 : vector<16xf32> to vector<1x16xf32>
      tpu.vector_store %arg10[%swap3A, %swap3A_126], %swap3A_129 {strides = array<i32>} : memref<32x128xf32, #tpu.memory_space<vmem>>, vector<1x16xf32>,
    }
    %scan3A_6 = arith.constant 256 : i32
    %mul3A_7 = arith.constant 640 : i32
    %mul3A_8 = arith.muli %arg1, %mul3A_7 : i32
    %add3A_9 = arith.constant 0 : i32
    %add3A_10 = arith.addi %mul3A_8, %add3A_9 : i32
    "tpu.region"() ({
      %run_scoped3A = tpu.sem_alloc : memref<!tpu.dma_semaphore, #tpu.memory_space<semaphore_mem>>
      %dma_start3A = arith.constant 0 : i32
      %dma_start3A_92 = tpu.memref_slice %arg11[%add3A_10, %dma_start3A] : memref<10240x128xf32, #tpu.memory_space<vmem_shared>> -> memref<32x128xf32, #tpu.memory_space<vmem_shared>>
      %dma_start3A_93 = arith.constant 0 : i32
      %dma_start3A_94 = tpu.memref_slice %arg11[%add3A_10, %dma_start3A_93] : memref<10240x128xf32, #tpu.memory_space<vmem_shared>> -> memref<32x128xf32, #tpu.memory_space<vmem_shared>>
      tpu.enqueue_dma source(%arg10 : memref<32x128xf32, #tpu.memory_space<vmem>>) target(%dma_start3A_94 : memref<32x128xf32, #tpu.memory_space<vmem_shared>>) target_semaphore(%run_scoped3A : memref<!tpu.dma_semaphore, #tpu.memory_space<semaphore_mem>>)
      %dma_wait3A = arith.constant 0 : i32
      %dma_wait3A_95 = tpu.memref_slice %arg11[%add3A_10, %dma_wait3A] : memref<10240x128xf32, #tpu.memory_space<vmem_shared>> -> memref<32x128xf32, #tpu.memory_space<vmem_shared>>
      %dma_wait3A_96 = arith.constant 0 : i32
      %dma_wait3A_97 = tpu.memref_slice %arg11[%add3A_10, %dma_wait3A_96] : memref<10240x128xf32, #tpu.memory_space<vmem_shared>> -> memref<32x128xf32, #tpu.memory_space<vmem_shared>>
      tpu.wait_dma2 semaphore(%run_scoped3A : memref<!tpu.dma_semaphore, #tpu.memory_space<semaphore_mem>>) src(%arg10 : memref<32x128xf32, #tpu.memory_space<vmem>>) dst(%dma_wait3A_97 : memref<32x128xf32, #tpu.memory_space<vmem_shared>>)
      tpu.yield
    }) : () -> ()
    %add3A_11 = arith.constant 32 : i32
    %add3A_12 = arith.addi %mul3A_8, %add3A_11 : i32
    "tpu.region"() ({
      %run_scoped3A = tpu.sem_alloc : memref<!tpu.dma_semaphore, #tpu.memory_space<semaphore_mem>>
      %dma_start3A = arith.constant 0 : i32
      %dma_start3A_92 = tpu.memref_slice %arg11[%add3A_12, %dma_start3A] : memref<10240x128xf32, #tpu.memory_space<vmem_shared>> -> memref<32x128xf32, #tpu.memory_space<vmem_shared>>
      %dma_start3A_93 = arith.constant 0 : i32
      %dma_start3A_94 = tpu.memref_slice %arg11[%add3A_12, %dma_start3A_93] : memref<10240x128xf32, #tpu.memory_space<vmem_shared>> -> memref<32x128xf32, #tpu.memory_space<vmem_shared>>
      tpu.enqueue_dma source(%arg10 : memref<32x128xf32, #tpu.memory_space<vmem>>) target(%dma_start3A_94 : memref<32x128xf32, #tpu.memory_space<vmem_shared>>) target_semaphore(%run_scoped3A : memref<!tpu.dma_semaphore, #tpu.memory_space<semaphore_mem>>)
      %dma_wait3A = arith.constant 0 : i32
      %dma_wait3A_95 = tpu.memref_slice %arg11[%add3A_12, %dma_wait3A] : memref<10240x128xf32, #tpu.memory_space<vmem_shared>> -> memref<32x128xf32, #tpu.memory_space<vmem_shared>>
      %dma_wait3A_96 = arith.constant 0 : i32
      %dma_wait3A_97 = tpu.memref_slice %arg11[%add3A_12, %dma_wait3A_96] : memref<10240x128xf32, #tpu.memory_space<vmem_shared>> -> memref<32x128xf32, #tpu.memory_space<vmem_shared>>
      tpu.wait_dma2 semaphore(%run_scoped3A : memref<!tpu.dma_semaphore, #tpu.memory_space<semaphore_mem>>) src(%arg10 : memref<32x128xf32, #tpu.memory_space<vmem>>) dst(%dma_wait3A_97 : memref<32x128xf32, #tpu.memory_space<vmem_shared>>)
      tpu.yield
    }) : () -> ()
    %add3A_13 = arith.constant 64 : i32
    %add3A_14 = arith.addi %mul3A_8, %add3A_13 : i32
    "tpu.region"() ({
      %run_scoped3A = tpu.sem_alloc : memref<!tpu.dma_semaphore, #tpu.memory_space<semaphore_mem>>
      %dma_start3A = arith.constant 0 : i32
      %dma_start3A_92 = tpu.memref_slice %arg11[%add3A_14, %dma_start3A] : memref<10240x128xf32, #tpu.memory_space<vmem_shared>> -> memref<32x128xf32, #tpu.memory_space<vmem_shared>>
      %dma_start3A_93 = arith.constant 0 : i32
      %dma_start3A_94 = tpu.memref_slice %arg11[%add3A_14, %dma_start3A_93] : memref<10240x128xf32, #tpu.memory_space<vmem_shared>> -> memref<32x128xf32, #tpu.memory_space<vmem_shared>>
      tpu.enqueue_dma source(%arg10 : memref<32x128xf32, #tpu.memory_space<vmem>>) target(%dma_start3A_94 : memref<32x128xf32, #tpu.memory_space<vmem_shared>>) target_semaphore(%run_scoped3A : memref<!tpu.dma_semaphore, #tpu.memory_space<semaphore_mem>>)
      %dma_wait3A = arith.constant 0 : i32
      %dma_wait3A_95 = tpu.memref_slice %arg11[%add3A_14, %dma_wait3A] : memref<10240x128xf32, #tpu.memory_space<vmem_shared>> -> memref<32x128xf32, #tpu.memory_space<vmem_shared>>
      %dma_wait3A_96 = arith.constant 0 : i32
      %dma_wait3A_97 = tpu.memref_slice %arg11[%add3A_14, %dma_wait3A_96] : memref<10240x128xf32, #tpu.memory_space<vmem_shared>> -> memref<32x128xf32, #tpu.memory_space<vmem_shared>>
      tpu.wait_dma2 semaphore(%run_scoped3A : memref<!tpu.dma_semaphore, #tpu.memory_space<semaphore_mem>>) src(%arg10 : memref<32x128xf32, #tpu.memory_space<vmem>>) dst(%dma_wait3A_97 : memref<32x128xf32, #tpu.memory_space<vmem_shared>>)
      tpu.yield
    }) : () -> ()
    %add3A_15 = arith.constant 96 : i32
    %add3A_16 = arith.addi %mul3A_8, %add3A_15 : i32
    "tpu.region"() ({
      %run_scoped3A = tpu.sem_alloc : memref<!tpu.dma_semaphore, #tpu.memory_space<semaphore_mem>>
      %dma_start3A = arith.constant 0 : i32
      %dma_start3A_92 = tpu.memref_slice %arg11[%add3A_16, %dma_start3A] : memref<10240x128xf32, #tpu.memory_space<vmem_shared>> -> memref<32x128xf32, #tpu.memory_space<vmem_shared>>
      %dma_start3A_93 = arith.constant 0 : i32
      %dma_start3A_94 = tpu.memref_slice %arg11[%add3A_16, %dma_start3A_93] : memref<10240x128xf32, #tpu.memory_space<vmem_shared>> -> memref<32x128xf32, #tpu.memory_space<vmem_shared>>
      tpu.enqueue_dma source(%arg10 : memref<32x128xf32, #tpu.memory_space<vmem>>) target(%dma_start3A_94 : memref<32x128xf32, #tpu.memory_space<vmem_shared>>) target_semaphore(%run_scoped3A : memref<!tpu.dma_semaphore, #tpu.memory_space<semaphore_mem>>)
      %dma_wait3A = arith.constant 0 : i32
      %dma_wait3A_95 = tpu.memref_slice %arg11[%add3A_16, %dma_wait3A] : memref<10240x128xf32, #tpu.memory_space<vmem_shared>> -> memref<32x128xf32, #tpu.memory_space<vmem_shared>>
      %dma_wait3A_96 = arith.constant 0 : i32
      %dma_wait3A_97 = tpu.memref_slice %arg11[%add3A_16, %dma_wait3A_96] : memref<10240x128xf32, #tpu.memory_space<vmem_shared>> -> memref<32x128xf32, #tpu.memory_space<vmem_shared>>
      tpu.wait_dma2 semaphore(%run_scoped3A : memref<!tpu.dma_semaphore, #tpu.memory_space<semaphore_mem>>) src(%arg10 : memref<32x128xf32, #tpu.memory_space<vmem>>) dst(%dma_wait3A_97 : memref<32x128xf32, #tpu.memory_space<vmem_shared>>)
      tpu.yield
    }) : () -> ()
    %add3A_17 = arith.constant 128 : i32
    %add3A_18 = arith.addi %mul3A_8, %add3A_17 : i32
    "tpu.region"() ({
      %run_scoped3A = tpu.sem_alloc : memref<!tpu.dma_semaphore, #tpu.memory_space<semaphore_mem>>
      %dma_start3A = arith.constant 0 : i32
      %dma_start3A_92 = tpu.memref_slice %arg11[%add3A_18, %dma_start3A] : memref<10240x128xf32, #tpu.memory_space<vmem_shared>> -> memref<32x128xf32, #tpu.memory_space<vmem_shared>>
      %dma_start3A_93 = arith.constant 0 : i32
      %dma_start3A_94 = tpu.memref_slice %arg11[%add3A_18, %dma_start3A_93] : memref<10240x128xf32, #tpu.memory_space<vmem_shared>> -> memref<32x128xf32, #tpu.memory_space<vmem_shared>>
      tpu.enqueue_dma source(%arg10 : memref<32x128xf32, #tpu.memory_space<vmem>>) target(%dma_start3A_94 : memref<32x128xf32, #tpu.memory_space<vmem_shared>>) target_semaphore(%run_scoped3A : memref<!tpu.dma_semaphore, #tpu.memory_space<semaphore_mem>>)
      %dma_wait3A = arith.constant 0 : i32
      %dma_wait3A_95 = tpu.memref_slice %arg11[%add3A_18, %dma_wait3A] : memref<10240x128xf32, #tpu.memory_space<vmem_shared>> -> memref<32x128xf32, #tpu.memory_space<vmem_shared>>
      %dma_wait3A_96 = arith.constant 0 : i32
      %dma_wait3A_97 = tpu.memref_slice %arg11[%add3A_18, %dma_wait3A_96] : memref<10240x128xf32, #tpu.memory_space<vmem_shared>> -> memref<32x128xf32, #tpu.memory_space<vmem_shared>>
      tpu.wait_dma2 semaphore(%run_scoped3A : memref<!tpu.dma_semaphore, #tpu.memory_space<semaphore_mem>>) src(%arg10 : memref<32x128xf32, #tpu.memory_space<vmem>>) dst(%dma_wait3A_97 : memref<32x128xf32, #tpu.memory_space<vmem_shared>>)
      tpu.yield
    }) : () -> ()
    %add3A_19 = arith.constant 160 : i32
    %add3A_20 = arith.addi %mul3A_8, %add3A_19 : i32
    "tpu.region"() ({
      %run_scoped3A = tpu.sem_alloc : memref<!tpu.dma_semaphore, #tpu.memory_space<semaphore_mem>>
      %dma_start3A = arith.constant 0 : i32
      %dma_start3A_92 = tpu.memref_slice %arg11[%add3A_20, %dma_start3A] : memref<10240x128xf32, #tpu.memory_space<vmem_shared>> -> memref<32x128xf32, #tpu.memory_space<vmem_shared>>
      %dma_start3A_93 = arith.constant 0 : i32
      %dma_start3A_94 = tpu.memref_slice %arg11[%add3A_20, %dma_start3A_93] : memref<10240x128xf32, #tpu.memory_space<vmem_shared>> -> memref<32x128xf32, #tpu.memory_space<vmem_shared>>
      tpu.enqueue_dma source(%arg10 : memref<32x128xf32, #tpu.memory_space<vmem>>) target(%dma_start3A_94 : memref<32x128xf32, #tpu.memory_space<vmem_shared>>) target_semaphore(%run_scoped3A : memref<!tpu.dma_semaphore, #tpu.memory_space<semaphore_mem>>)
      %dma_wait3A = arith.constant 0 : i32
      %dma_wait3A_95 = tpu.memref_slice %arg11[%add3A_20, %dma_wait3A] : memref<10240x128xf32, #tpu.memory_space<vmem_shared>> -> memref<32x128xf32, #tpu.memory_space<vmem_shared>>
      %dma_wait3A_96 = arith.constant 0 : i32
      %dma_wait3A_97 = tpu.memref_slice %arg11[%add3A_20, %dma_wait3A_96] : memref<10240x128xf32, #tpu.memory_space<vmem_shared>> -> memref<32x128xf32, #tpu.memory_space<vmem_shared>>
      tpu.wait_dma2 semaphore(%run_scoped3A : memref<!tpu.dma_semaphore, #tpu.memory_space<semaphore_mem>>) src(%arg10 : memref<32x128xf32, #tpu.memory_space<vmem>>) dst(%dma_wait3A_97 : memref<32x128xf32, #tpu.memory_space<vmem_shared>>)
      tpu.yield
    }) : () -> ()
    %add3A_21 = arith.constant 192 : i32
    %add3A_22 = arith.addi %mul3A_8, %add3A_21 : i32
    "tpu.region"() ({
      %run_scoped3A = tpu.sem_alloc : memref<!tpu.dma_semaphore, #tpu.memory_space<semaphore_mem>>
      %dma_start3A = arith.constant 0 : i32
      %dma_start3A_92 = tpu.memref_slice %arg11[%add3A_22, %dma_start3A] : memref<10240x128xf32, #tpu.memory_space<vmem_shared>> -> memref<32x128xf32, #tpu.memory_space<vmem_shared>>
      %dma_start3A_93 = arith.constant 0 : i32
      %dma_start3A_94 = tpu.memref_slice %arg11[%add3A_22, %dma_start3A_93] : memref<10240x128xf32, #tpu.memory_space<vmem_shared>> -> memref<32x128xf32, #tpu.memory_space<vmem_shared>>
      tpu.enqueue_dma source(%arg10 : memref<32x128xf32, #tpu.memory_space<vmem>>) target(%dma_start3A_94 : memref<32x128xf32, #tpu.memory_space<vmem_shared>>) target_semaphore(%run_scoped3A : memref<!tpu.dma_semaphore, #tpu.memory_space<semaphore_mem>>)
      %dma_wait3A = arith.constant 0 : i32
      %dma_wait3A_95 = tpu.memref_slice %arg11[%add3A_22, %dma_wait3A] : memref<10240x128xf32, #tpu.memory_space<vmem_shared>> -> memref<32x128xf32, #tpu.memory_space<vmem_shared>>
      %dma_wait3A_96 = arith.constant 0 : i32
      %dma_wait3A_97 = tpu.memref_slice %arg11[%add3A_22, %dma_wait3A_96] : memref<10240x128xf32, #tpu.memory_space<vmem_shared>> -> memref<32x128xf32, #tpu.memory_space<vmem_shared>>
      tpu.wait_dma2 semaphore(%run_scoped3A : memref<!tpu.dma_semaphore, #tpu.memory_space<semaphore_mem>>) src(%arg10 : memref<32x128xf32, #tpu.memory_space<vmem>>) dst(%dma_wait3A_97 : memref<32x128xf32, #tpu.memory_space<vmem_shared>>)
      tpu.yield
    }) : () -> ()
    %add3A_23 = arith.constant 224 : i32
    %add3A_24 = arith.addi %mul3A_8, %add3A_23 : i32
    "tpu.region"() ({
      %run_scoped3A = tpu.sem_alloc : memref<!tpu.dma_semaphore, #tpu.memory_space<semaphore_mem>>
      %dma_start3A = arith.constant 0 : i32
      %dma_start3A_92 = tpu.memref_slice %arg11[%add3A_24, %dma_start3A] : memref<10240x128xf32, #tpu.memory_space<vmem_shared>> -> memref<32x128xf32, #tpu.memory_space<vmem_shared>>
      %dma_start3A_93 = arith.constant 0 : i32
      %dma_start3A_94 = tpu.memref_slice %arg11[%add3A_24, %dma_start3A_93] : memref<10240x128xf32, #tpu.memory_space<vmem_shared>> -> memref<32x128xf32, #tpu.memory_space<vmem_shared>>
      tpu.enqueue_dma source(%arg10 : memref<32x128xf32, #tpu.memory_space<vmem>>) target(%dma_start3A_94 : memref<32x128xf32, #tpu.memory_space<vmem_shared>>) target_semaphore(%run_scoped3A : memref<!tpu.dma_semaphore, #tpu.memory_space<semaphore_mem>>)
      %dma_wait3A = arith.constant 0 : i32
      %dma_wait3A_95 = tpu.memref_slice %arg11[%add3A_24, %dma_wait3A] : memref<10240x128xf32, #tpu.memory_space<vmem_shared>> -> memref<32x128xf32, #tpu.memory_space<vmem_shared>>
      %dma_wait3A_96 = arith.constant 0 : i32
      %dma_wait3A_97 = tpu.memref_slice %arg11[%add3A_24, %dma_wait3A_96] : memref<10240x128xf32, #tpu.memory_space<vmem_shared>> -> memref<32x128xf32, #tpu.memory_space<vmem_shared>>
      tpu.wait_dma2 semaphore(%run_scoped3A : memref<!tpu.dma_semaphore, #tpu.memory_space<semaphore_mem>>) src(%arg10 : memref<32x128xf32, #tpu.memory_space<vmem>>) dst(%dma_wait3A_97 : memref<32x128xf32, #tpu.memory_space<vmem_shared>>)
      tpu.yield
    }) : () -> ()
    %add3A_25 = arith.constant 256 : i32
    %add3A_26 = arith.addi %mul3A_8, %add3A_25 : i32
    "tpu.region"() ({
      %run_scoped3A = tpu.sem_alloc : memref<!tpu.dma_semaphore, #tpu.memory_space<semaphore_mem>>
      %dma_start3A = arith.constant 0 : i32
      %dma_start3A_92 = tpu.memref_slice %arg11[%add3A_26, %dma_start3A] : memref<10240x128xf32, #tpu.memory_space<vmem_shared>> -> memref<32x128xf32, #tpu.memory_space<vmem_shared>>
      %dma_start3A_93 = arith.constant 0 : i32
      %dma_start3A_94 = tpu.memref_slice %arg11[%add3A_26, %dma_start3A_93] : memref<10240x128xf32, #tpu.memory_space<vmem_shared>> -> memref<32x128xf32, #tpu.memory_space<vmem_shared>>
      tpu.enqueue_dma source(%arg10 : memref<32x128xf32, #tpu.memory_space<vmem>>) target(%dma_start3A_94 : memref<32x128xf32, #tpu.memory_space<vmem_shared>>) target_semaphore(%run_scoped3A : memref<!tpu.dma_semaphore, #tpu.memory_space<semaphore_mem>>)
      %dma_wait3A = arith.constant 0 : i32
      %dma_wait3A_95 = tpu.memref_slice %arg11[%add3A_26, %dma_wait3A] : memref<10240x128xf32, #tpu.memory_space<vmem_shared>> -> memref<32x128xf32, #tpu.memory_space<vmem_shared>>
      %dma_wait3A_96 = arith.constant 0 : i32
      %dma_wait3A_97 = tpu.memref_slice %arg11[%add3A_26, %dma_wait3A_96] : memref<10240x128xf32, #tpu.memory_space<vmem_shared>> -> memref<32x128xf32, #tpu.memory_space<vmem_shared>>
      tpu.wait_dma2 semaphore(%run_scoped3A : memref<!tpu.dma_semaphore, #tpu.memory_space<semaphore_mem>>) src(%arg10 : memref<32x128xf32, #tpu.memory_space<vmem>>) dst(%dma_wait3A_97 : memref<32x128xf32, #tpu.memory_space<vmem_shared>>)
      tpu.yield
    }) : () -> ()
    %add3A_27 = arith.constant 288 : i32
    %add3A_28 = arith.addi %mul3A_8, %add3A_27 : i32
    "tpu.region"() ({
      %run_scoped3A = tpu.sem_alloc : memref<!tpu.dma_semaphore, #tpu.memory_space<semaphore_mem>>
      %dma_start3A = arith.constant 0 : i32
      %dma_start3A_92 = tpu.memref_slice %arg11[%add3A_28, %dma_start3A] : memref<10240x128xf32, #tpu.memory_space<vmem_shared>> -> memref<32x128xf32, #tpu.memory_space<vmem_shared>>
      %dma_start3A_93 = arith.constant 0 : i32
      %dma_start3A_94 = tpu.memref_slice %arg11[%add3A_28, %dma_start3A_93] : memref<10240x128xf32, #tpu.memory_space<vmem_shared>> -> memref<32x128xf32, #tpu.memory_space<vmem_shared>>
      tpu.enqueue_dma source(%arg10 : memref<32x128xf32, #tpu.memory_space<vmem>>) target(%dma_start3A_94 : memref<32x128xf32, #tpu.memory_space<vmem_shared>>) target_semaphore(%run_scoped3A : memref<!tpu.dma_semaphore, #tpu.memory_space<semaphore_mem>>)
      %dma_wait3A = arith.constant 0 : i32
      %dma_wait3A_95 = tpu.memref_slice %arg11[%add3A_28, %dma_wait3A] : memref<10240x128xf32, #tpu.memory_space<vmem_shared>> -> memref<32x128xf32, #tpu.memory_space<vmem_shared>>
      %dma_wait3A_96 = arith.constant 0 : i32
      %dma_wait3A_97 = tpu.memref_slice %arg11[%add3A_28, %dma_wait3A_96] : memref<10240x128xf32, #tpu.memory_space<vmem_shared>> -> memref<32x128xf32, #tpu.memory_space<vmem_shared>>
      tpu.wait_dma2 semaphore(%run_scoped3A : memref<!tpu.dma_semaphore, #tpu.memory_space<semaphore_mem>>) src(%arg10 : memref<32x128xf32, #tpu.memory_space<vmem>>) dst(%dma_wait3A_97 : memref<32x128xf32, #tpu.memory_space<vmem_shared>>)
      tpu.yield
    }) : () -> ()
    %add3A_29 = arith.constant 320 : i32
    %add3A_30 = arith.addi %mul3A_8, %add3A_29 : i32
    "tpu.region"() ({
      %run_scoped3A = tpu.sem_alloc : memref<!tpu.dma_semaphore, #tpu.memory_space<semaphore_mem>>
      %dma_start3A = arith.constant 0 : i32
      %dma_start3A_92 = tpu.memref_slice %arg11[%add3A_30, %dma_start3A] : memref<10240x128xf32, #tpu.memory_space<vmem_shared>> -> memref<32x128xf32, #tpu.memory_space<vmem_shared>>
      %dma_start3A_93 = arith.constant 0 : i32
      %dma_start3A_94 = tpu.memref_slice %arg11[%add3A_30, %dma_start3A_93] : memref<10240x128xf32, #tpu.memory_space<vmem_shared>> -> memref<32x128xf32, #tpu.memory_space<vmem_shared>>
      tpu.enqueue_dma source(%arg10 : memref<32x128xf32, #tpu.memory_space<vmem>>) target(%dma_start3A_94 : memref<32x128xf32, #tpu.memory_space<vmem_shared>>) target_semaphore(%run_scoped3A : memref<!tpu.dma_semaphore, #tpu.memory_space<semaphore_mem>>)
      %dma_wait3A = arith.constant 0 : i32
      %dma_wait3A_95 = tpu.memref_slice %arg11[%add3A_30, %dma_wait3A] : memref<10240x128xf32, #tpu.memory_space<vmem_shared>> -> memref<32x128xf32, #tpu.memory_space<vmem_shared>>
      %dma_wait3A_96 = arith.constant 0 : i32
      %dma_wait3A_97 = tpu.memref_slice %arg11[%add3A_30, %dma_wait3A_96] : memref<10240x128xf32, #tpu.memory_space<vmem_shared>> -> memref<32x128xf32, #tpu.memory_space<vmem_shared>>
      tpu.wait_dma2 semaphore(%run_scoped3A : memref<!tpu.dma_semaphore, #tpu.memory_space<semaphore_mem>>) src(%arg10 : memref<32x128xf32, #tpu.memory_space<vmem>>) dst(%dma_wait3A_97 : memref<32x128xf32, #tpu.memory_space<vmem_shared>>)
      tpu.yield
    }) : () -> ()
    %add3A_31 = arith.constant 352 : i32
    %add3A_32 = arith.addi %mul3A_8, %add3A_31 : i32
    "tpu.region"() ({
      %run_scoped3A = tpu.sem_alloc : memref<!tpu.dma_semaphore, #tpu.memory_space<semaphore_mem>>
      %dma_start3A = arith.constant 0 : i32
      %dma_start3A_92 = tpu.memref_slice %arg11[%add3A_32, %dma_start3A] : memref<10240x128xf32, #tpu.memory_space<vmem_shared>> -> memref<32x128xf32, #tpu.memory_space<vmem_shared>>
      %dma_start3A_93 = arith.constant 0 : i32
      %dma_start3A_94 = tpu.memref_slice %arg11[%add3A_32, %dma_start3A_93] : memref<10240x128xf32, #tpu.memory_space<vmem_shared>> -> memref<32x128xf32, #tpu.memory_space<vmem_shared>>
      tpu.enqueue_dma source(%arg10 : memref<32x128xf32, #tpu.memory_space<vmem>>) target(%dma_start3A_94 : memref<32x128xf32, #tpu.memory_space<vmem_shared>>) target_semaphore(%run_scoped3A : memref<!tpu.dma_semaphore, #tpu.memory_space<semaphore_mem>>)
      %dma_wait3A = arith.constant 0 : i32
      %dma_wait3A_95 = tpu.memref_slice %arg11[%add3A_32, %dma_wait3A] : memref<10240x128xf32, #tpu.memory_space<vmem_shared>> -> memref<32x128xf32, #tpu.memory_space<vmem_shared>>
      %dma_wait3A_96 = arith.constant 0 : i32
      %dma_wait3A_97 = tpu.memref_slice %arg11[%add3A_32, %dma_wait3A_96] : memref<10240x128xf32, #tpu.memory_space<vmem_shared>> -> memref<32x128xf32, #tpu.memory_space<vmem_shared>>
      tpu.wait_dma2 semaphore(%run_scoped3A : memref<!tpu.dma_semaphore, #tpu.memory_space<semaphore_mem>>) src(%arg10 : memref<32x128xf32, #tpu.memory_space<vmem>>) dst(%dma_wait3A_97 : memref<32x128xf32, #tpu.memory_space<vmem_shared>>)
      tpu.yield
    }) : () -> ()
    %add3A_33 = arith.constant 384 : i32
    %add3A_34 = arith.addi %mul3A_8, %add3A_33 : i32
    "tpu.region"() ({
      %run_scoped3A = tpu.sem_alloc : memref<!tpu.dma_semaphore, #tpu.memory_space<semaphore_mem>>
      %dma_start3A = arith.constant 0 : i32
      %dma_start3A_92 = tpu.memref_slice %arg11[%add3A_34, %dma_start3A] : memref<10240x128xf32, #tpu.memory_space<vmem_shared>> -> memref<32x128xf32, #tpu.memory_space<vmem_shared>>
      %dma_start3A_93 = arith.constant 0 : i32
      %dma_start3A_94 = tpu.memref_slice %arg11[%add3A_34, %dma_start3A_93] : memref<10240x128xf32, #tpu.memory_space<vmem_shared>> -> memref<32x128xf32, #tpu.memory_space<vmem_shared>>
      tpu.enqueue_dma source(%arg10 : memref<32x128xf32, #tpu.memory_space<vmem>>) target(%dma_start3A_94 : memref<32x128xf32, #tpu.memory_space<vmem_shared>>) target_semaphore(%run_scoped3A : memref<!tpu.dma_semaphore, #tpu.memory_space<semaphore_mem>>)
      %dma_wait3A = arith.constant 0 : i32
      %dma_wait3A_95 = tpu.memref_slice %arg11[%add3A_34, %dma_wait3A] : memref<10240x128xf32, #tpu.memory_space<vmem_shared>> -> memref<32x128xf32, #tpu.memory_space<vmem_shared>>
      %dma_wait3A_96 = arith.constant 0 : i32
      %dma_wait3A_97 = tpu.memref_slice %arg11[%add3A_34, %dma_wait3A_96] : memref<10240x128xf32, #tpu.memory_space<vmem_shared>> -> memref<32x128xf32, #tpu.memory_space<vmem_shared>>
      tpu.wait_dma2 semaphore(%run_scoped3A : memref<!tpu.dma_semaphore, #tpu.memory_space<semaphore_mem>>) src(%arg10 : memref<32x128xf32, #tpu.memory_space<vmem>>) dst(%dma_wait3A_97 : memref<32x128xf32, #tpu.memory_space<vmem_shared>>)
      tpu.yield
    }) : () -> ()
    %add3A_35 = arith.constant 416 : i32
    %add3A_36 = arith.addi %mul3A_8, %add3A_35 : i32
    "tpu.region"() ({
      %run_scoped3A = tpu.sem_alloc : memref<!tpu.dma_semaphore, #tpu.memory_space<semaphore_mem>>
      %dma_start3A = arith.constant 0 : i32
      %dma_start3A_92 = tpu.memref_slice %arg11[%add3A_36, %dma_start3A] : memref<10240x128xf32, #tpu.memory_space<vmem_shared>> -> memref<32x128xf32, #tpu.memory_space<vmem_shared>>
      %dma_start3A_93 = arith.constant 0 : i32
      %dma_start3A_94 = tpu.memref_slice %arg11[%add3A_36, %dma_start3A_93] : memref<10240x128xf32, #tpu.memory_space<vmem_shared>> -> memref<32x128xf32, #tpu.memory_space<vmem_shared>>
      tpu.enqueue_dma source(%arg10 : memref<32x128xf32, #tpu.memory_space<vmem>>) target(%dma_start3A_94 : memref<32x128xf32, #tpu.memory_space<vmem_shared>>) target_semaphore(%run_scoped3A : memref<!tpu.dma_semaphore, #tpu.memory_space<semaphore_mem>>)
      %dma_wait3A = arith.constant 0 : i32
      %dma_wait3A_95 = tpu.memref_slice %arg11[%add3A_36, %dma_wait3A] : memref<10240x128xf32, #tpu.memory_space<vmem_shared>> -> memref<32x128xf32, #tpu.memory_space<vmem_shared>>
      %dma_wait3A_96 = arith.constant 0 : i32
      %dma_wait3A_97 = tpu.memref_slice %arg11[%add3A_36, %dma_wait3A_96] : memref<10240x128xf32, #tpu.memory_space<vmem_shared>> -> memref<32x128xf32, #tpu.memory_space<vmem_shared>>
      tpu.wait_dma2 semaphore(%run_scoped3A : memref<!tpu.dma_semaphore, #tpu.memory_space<semaphore_mem>>) src(%arg10 : memref<32x128xf32, #tpu.memory_space<vmem>>) dst(%dma_wait3A_97 : memref<32x128xf32, #tpu.memory_space<vmem_shared>>)
      tpu.yield
    }) : () -> ()
    %add3A_37 = arith.constant 448 : i32
    %add3A_38 = arith.addi %mul3A_8, %add3A_37 : i32
    "tpu.region"() ({
      %run_scoped3A = tpu.sem_alloc : memref<!tpu.dma_semaphore, #tpu.memory_space<semaphore_mem>>
      %dma_start3A = arith.constant 0 : i32
      %dma_start3A_92 = tpu.memref_slice %arg11[%add3A_38, %dma_start3A] : memref<10240x128xf32, #tpu.memory_space<vmem_shared>> -> memref<32x128xf32, #tpu.memory_space<vmem_shared>>
      %dma_start3A_93 = arith.constant 0 : i32
      %dma_start3A_94 = tpu.memref_slice %arg11[%add3A_38, %dma_start3A_93] : memref<10240x128xf32, #tpu.memory_space<vmem_shared>> -> memref<32x128xf32, #tpu.memory_space<vmem_shared>>
      tpu.enqueue_dma source(%arg10 : memref<32x128xf32, #tpu.memory_space<vmem>>) target(%dma_start3A_94 : memref<32x128xf32, #tpu.memory_space<vmem_shared>>) target_semaphore(%run_scoped3A : memref<!tpu.dma_semaphore, #tpu.memory_space<semaphore_mem>>)
      %dma_wait3A = arith.constant 0 : i32
      %dma_wait3A_95 = tpu.memref_slice %arg11[%add3A_38, %dma_wait3A] : memref<10240x128xf32, #tpu.memory_space<vmem_shared>> -> memref<32x128xf32, #tpu.memory_space<vmem_shared>>
      %dma_wait3A_96 = arith.constant 0 : i32
      %dma_wait3A_97 = tpu.memref_slice %arg11[%add3A_38, %dma_wait3A_96] : memref<10240x128xf32, #tpu.memory_space<vmem_shared>> -> memref<32x128xf32, #tpu.memory_space<vmem_shared>>
      tpu.wait_dma2 semaphore(%run_scoped3A : memref<!tpu.dma_semaphore, #tpu.memory_space<semaphore_mem>>) src(%arg10 : memref<32x128xf32, #tpu.memory_space<vmem>>) dst(%dma_wait3A_97 : memref<32x128xf32, #tpu.memory_space<vmem_shared>>)
      tpu.yield
    }) : () -> ()
    %add3A_39 = arith.constant 480 : i32
    %add3A_40 = arith.addi %mul3A_8, %add3A_39 : i32
    "tpu.region"() ({
      %run_scoped3A = tpu.sem_alloc : memref<!tpu.dma_semaphore, #tpu.memory_space<semaphore_mem>>
      %dma_start3A = arith.constant 0 : i32
      %dma_start3A_92 = tpu.memref_slice %arg11[%add3A_40, %dma_start3A] : memref<10240x128xf32, #tpu.memory_space<vmem_shared>> -> memref<32x128xf32, #tpu.memory_space<vmem_shared>>
      %dma_start3A_93 = arith.constant 0 : i32
      %dma_start3A_94 = tpu.memref_slice %arg11[%add3A_40, %dma_start3A_93] : memref<10240x128xf32, #tpu.memory_space<vmem_shared>> -> memref<32x128xf32, #tpu.memory_space<vmem_shared>>
      tpu.enqueue_dma source(%arg10 : memref<32x128xf32, #tpu.memory_space<vmem>>) target(%dma_start3A_94 : memref<32x128xf32, #tpu.memory_space<vmem_shared>>) target_semaphore(%run_scoped3A : memref<!tpu.dma_semaphore, #tpu.memory_space<semaphore_mem>>)
      %dma_wait3A = arith.constant 0 : i32
      %dma_wait3A_95 = tpu.memref_slice %arg11[%add3A_40, %dma_wait3A] : memref<10240x128xf32, #tpu.memory_space<vmem_shared>> -> memref<32x128xf32, #tpu.memory_space<vmem_shared>>
      %dma_wait3A_96 = arith.constant 0 : i32
      %dma_wait3A_97 = tpu.memref_slice %arg11[%add3A_40, %dma_wait3A_96] : memref<10240x128xf32, #tpu.memory_space<vmem_shared>> -> memref<32x128xf32, #tpu.memory_space<vmem_shared>>
      tpu.wait_dma2 semaphore(%run_scoped3A : memref<!tpu.dma_semaphore, #tpu.memory_space<semaphore_mem>>) src(%arg10 : memref<32x128xf32, #tpu.memory_space<vmem>>) dst(%dma_wait3A_97 : memref<32x128xf32, #tpu.memory_space<vmem_shared>>)
      tpu.yield
    }) : () -> ()
    %add3A_41 = arith.constant 512 : i32
    %add3A_42 = arith.addi %mul3A_8, %add3A_41 : i32
    "tpu.region"() ({
      %run_scoped3A = tpu.sem_alloc : memref<!tpu.dma_semaphore, #tpu.memory_space<semaphore_mem>>
      %dma_start3A = arith.constant 0 : i32
      %dma_start3A_92 = tpu.memref_slice %arg11[%add3A_42, %dma_start3A] : memref<10240x128xf32, #tpu.memory_space<vmem_shared>> -> memref<32x128xf32, #tpu.memory_space<vmem_shared>>
      %dma_start3A_93 = arith.constant 0 : i32
      %dma_start3A_94 = tpu.memref_slice %arg11[%add3A_42, %dma_start3A_93] : memref<10240x128xf32, #tpu.memory_space<vmem_shared>> -> memref<32x128xf32, #tpu.memory_space<vmem_shared>>
      tpu.enqueue_dma source(%arg10 : memref<32x128xf32, #tpu.memory_space<vmem>>) target(%dma_start3A_94 : memref<32x128xf32, #tpu.memory_space<vmem_shared>>) target_semaphore(%run_scoped3A : memref<!tpu.dma_semaphore, #tpu.memory_space<semaphore_mem>>)
      %dma_wait3A = arith.constant 0 : i32
      %dma_wait3A_95 = tpu.memref_slice %arg11[%add3A_42, %dma_wait3A] : memref<10240x128xf32, #tpu.memory_space<vmem_shared>> -> memref<32x128xf32, #tpu.memory_space<vmem_shared>>
      %dma_wait3A_96 = arith.constant 0 : i32
      %dma_wait3A_97 = tpu.memref_slice %arg11[%add3A_42, %dma_wait3A_96] : memref<10240x128xf32, #tpu.memory_space<vmem_shared>> -> memref<32x128xf32, #tpu.memory_space<vmem_shared>>
      tpu.wait_dma2 semaphore(%run_scoped3A : memref<!tpu.dma_semaphore, #tpu.memory_space<semaphore_mem>>) src(%arg10 : memref<32x128xf32, #tpu.memory_space<vmem>>) dst(%dma_wait3A_97 : memref<32x128xf32, #tpu.memory_space<vmem_shared>>)
      tpu.yield
    }) : () -> ()
    %add3A_43 = arith.constant 544 : i32
    %add3A_44 = arith.addi %mul3A_8, %add3A_43 : i32
    "tpu.region"() ({
      %run_scoped3A = tpu.sem_alloc : memref<!tpu.dma_semaphore, #tpu.memory_space<semaphore_mem>>
      %dma_start3A = arith.constant 0 : i32
      %dma_start3A_92 = tpu.memref_slice %arg11[%add3A_44, %dma_start3A] : memref<10240x128xf32, #tpu.memory_space<vmem_shared>> -> memref<32x128xf32, #tpu.memory_space<vmem_shared>>
      %dma_start3A_93 = arith.constant 0 : i32
      %dma_start3A_94 = tpu.memref_slice %arg11[%add3A_44, %dma_start3A_93] : memref<10240x128xf32, #tpu.memory_space<vmem_shared>> -> memref<32x128xf32, #tpu.memory_space<vmem_shared>>
      tpu.enqueue_dma source(%arg10 : memref<32x128xf32, #tpu.memory_space<vmem>>) target(%dma_start3A_94 : memref<32x128xf32, #tpu.memory_space<vmem_shared>>) target_semaphore(%run_scoped3A : memref<!tpu.dma_semaphore, #tpu.memory_space<semaphore_mem>>)
      %dma_wait3A = arith.constant 0 : i32
      %dma_wait3A_95 = tpu.memref_slice %arg11[%add3A_44, %dma_wait3A] : memref<10240x128xf32, #tpu.memory_space<vmem_shared>> -> memref<32x128xf32, #tpu.memory_space<vmem_shared>>
      %dma_wait3A_96 = arith.constant 0 : i32
      %dma_wait3A_97 = tpu.memref_slice %arg11[%add3A_44, %dma_wait3A_96] : memref<10240x128xf32, #tpu.memory_space<vmem_shared>> -> memref<32x128xf32, #tpu.memory_space<vmem_shared>>
      tpu.wait_dma2 semaphore(%run_scoped3A : memref<!tpu.dma_semaphore, #tpu.memory_space<semaphore_mem>>) src(%arg10 : memref<32x128xf32, #tpu.memory_space<vmem>>) dst(%dma_wait3A_97 : memref<32x128xf32, #tpu.memory_space<vmem_shared>>)
      tpu.yield
    }) : () -> ()
    %add3A_45 = arith.constant 576 : i32
    %add3A_46 = arith.addi %mul3A_8, %add3A_45 : i32
    "tpu.region"() ({
      %run_scoped3A = tpu.sem_alloc : memref<!tpu.dma_semaphore, #tpu.memory_space<semaphore_mem>>
      %dma_start3A = arith.constant 0 : i32
      %dma_start3A_92 = tpu.memref_slice %arg11[%add3A_46, %dma_start3A] : memref<10240x128xf32, #tpu.memory_space<vmem_shared>> -> memref<32x128xf32, #tpu.memory_space<vmem_shared>>
      %dma_start3A_93 = arith.constant 0 : i32
      %dma_start3A_94 = tpu.memref_slice %arg11[%add3A_46, %dma_start3A_93] : memref<10240x128xf32, #tpu.memory_space<vmem_shared>> -> memref<32x128xf32, #tpu.memory_space<vmem_shared>>
      tpu.enqueue_dma source(%arg10 : memref<32x128xf32, #tpu.memory_space<vmem>>) target(%dma_start3A_94 : memref<32x128xf32, #tpu.memory_space<vmem_shared>>) target_semaphore(%run_scoped3A : memref<!tpu.dma_semaphore, #tpu.memory_space<semaphore_mem>>)
      %dma_wait3A = arith.constant 0 : i32
      %dma_wait3A_95 = tpu.memref_slice %arg11[%add3A_46, %dma_wait3A] : memref<10240x128xf32, #tpu.memory_space<vmem_shared>> -> memref<32x128xf32, #tpu.memory_space<vmem_shared>>
      %dma_wait3A_96 = arith.constant 0 : i32
      %dma_wait3A_97 = tpu.memref_slice %arg11[%add3A_46, %dma_wait3A_96] : memref<10240x128xf32, #tpu.memory_space<vmem_shared>> -> memref<32x128xf32, #tpu.memory_space<vmem_shared>>
      tpu.wait_dma2 semaphore(%run_scoped3A : memref<!tpu.dma_semaphore, #tpu.memory_space<semaphore_mem>>) src(%arg10 : memref<32x128xf32, #tpu.memory_space<vmem>>) dst(%dma_wait3A_97 : memref<32x128xf32, #tpu.memory_space<vmem_shared>>)
      tpu.yield
    }) : () -> ()
    %add3A_47 = arith.constant 608 : i32
    %add3A_48 = arith.addi %mul3A_8, %add3A_47 : i32
    "tpu.region"() ({
      %run_scoped3A = tpu.sem_alloc : memref<!tpu.dma_semaphore, #tpu.memory_space<semaphore_mem>>
      %dma_start3A = arith.constant 0 : i32
      %dma_start3A_92 = tpu.memref_slice %arg11[%add3A_48, %dma_start3A] : memref<10240x128xf32, #tpu.memory_space<vmem_shared>> -> memref<32x128xf32, #tpu.memory_space<vmem_shared>>
      %dma_start3A_93 = arith.constant 0 : i32
      %dma_start3A_94 = tpu.memref_slice %arg11[%add3A_48, %dma_start3A_93] : memref<10240x128xf32, #tpu.memory_space<vmem_shared>> -> memref<32x128xf32, #tpu.memory_space<vmem_shared>>
      tpu.enqueue_dma source(%arg10 : memref<32x128xf32, #tpu.memory_space<vmem>>) target(%dma_start3A_94 : memref<32x128xf32, #tpu.memory_space<vmem_shared>>) target_semaphore(%run_scoped3A : memref<!tpu.dma_semaphore, #tpu.memory_space<semaphore_mem>>)
      %dma_wait3A = arith.constant 0 : i32
      %dma_wait3A_95 = tpu.memref_slice %arg11[%add3A_48, %dma_wait3A] : memref<10240x128xf32, #tpu.memory_space<vmem_shared>> -> memref<32x128xf32, #tpu.memory_space<vmem_shared>>
      %dma_wait3A_96 = arith.constant 0 : i32
      %dma_wait3A_97 = tpu.memref_slice %arg11[%add3A_48, %dma_wait3A_96] : memref<10240x128xf32, #tpu.memory_space<vmem_shared>> -> memref<32x128xf32, #tpu.memory_space<vmem_shared>>
      tpu.wait_dma2 semaphore(%run_scoped3A : memref<!tpu.dma_semaphore, #tpu.memory_space<semaphore_mem>>) src(%arg10 : memref<32x128xf32, #tpu.memory_space<vmem>>) dst(%dma_wait3A_97 : memref<32x128xf32, #tpu.memory_space<vmem_shared>>)
      tpu.yield
    }) : () -> ()
    %barrier3A = arith.constant 0 : index
    tpu.barrier barrier_id(%barrier3A)
    %eq3A = arith.constant 1 : i32
    %eq3A_49 = arith.cmpi eq, %arg0, %eq3A : i32
    %convert_element_type3A = arith.extui %eq3A_49 : i1 to i32
    %cond3A = arith.constant 0 : i32
    %cond3A_50 = arith.cmpi ne, %convert_element_type3A, %cond3A : i32
    scf.if %cond3A_50 {
      %mul3A_92 = arith.constant 4 : i32
      %mul3A_93 = arith.muli %arg1, %mul3A_92 : i32
      %add3A_94 = arith.constant 0 : i32
      %add3A_95 = arith.addi %mul3A_93, %add3A_94 : i32
      %mul3A_96 = arith.constant 40 : i32
      %mul3A_97 = arith.muli %add3A_95, %mul3A_96 : i32
      "tpu.region"() ({
        %run_scoped3A = tpu.sem_alloc : memref<!tpu.dma_semaphore, #tpu.memory_space<semaphore_mem>>
        %dma_start3A_167 = arith.constant 0 : i32
        %dma_start3A_168 = tpu.memref_slice %arg3[%mul3A_97, %dma_start3A_167] : memref<2560x128xi32, #tpu.memory_space<hbm>> -> memref<40x128xi32, #tpu.memory_space<hbm>>
        %dma_start3A_169 = arith.constant 0 : i32
        %dma_start3A_170 = tpu.memref_slice %arg3[%mul3A_97, %dma_start3A_169] : memref<2560x128xi32, #tpu.memory_space<hbm>> -> memref<40x128xi32, #tpu.memory_space<hbm>>
        tpu.enqueue_dma source(%dma_start3A_170 : memref<40x128xi32, #tpu.memory_space<hbm>>) target(%arg6 : memref<40x128xi32, #tpu.memory_space<vmem>>) target_semaphore(%run_scoped3A : memref<!tpu.dma_semaphore, #tpu.memory_space<semaphore_mem>>)
        %dma_wait3A = arith.constant 0 : i32
        %dma_wait3A_171 = tpu.memref_slice %arg3[%mul3A_97, %dma_wait3A] : memref<2560x128xi32, #tpu.memory_space<hbm>> -> memref<40x128xi32, #tpu.memory_space<hbm>>
        %dma_wait3A_172 = arith.constant 0 : i32
        %dma_wait3A_173 = tpu.memref_slice %arg3[%mul3A_97, %dma_wait3A_172] : memref<2560x128xi32, #tpu.memory_space<hbm>> -> memref<40x128xi32, #tpu.memory_space<hbm>>
        tpu.wait_dma2 semaphore(%run_scoped3A : memref<!tpu.dma_semaphore, #tpu.memory_space<semaphore_mem>>) src(%dma_wait3A_173 : memref<40x128xi32, #tpu.memory_space<hbm>>) dst(%arg6 : memref<40x128xi32, #tpu.memory_space<vmem>>)
        tpu.yield
      }) : () -> ()
      "tpu.region"() ({
        %run_scoped3A = tpu.sem_alloc : memref<!tpu.dma_semaphore, #tpu.memory_space<semaphore_mem>>
        %dma_start3A_167 = arith.constant 0 : i32
        %dma_start3A_168 = tpu.memref_slice %arg4[%mul3A_97, %dma_start3A_167] : memref<2560x128xi32, #tpu.memory_space<hbm>> -> memref<40x128xi32, #tpu.memory_space<hbm>>
        %dma_start3A_169 = arith.constant 0 : i32
        %dma_start3A_170 = tpu.memref_slice %arg4[%mul3A_97, %dma_start3A_169] : memref<2560x128xi32, #tpu.memory_space<hbm>> -> memref<40x128xi32, #tpu.memory_space<hbm>>
        tpu.enqueue_dma source(%dma_start3A_170 : memref<40x128xi32, #tpu.memory_space<hbm>>) target(%arg7 : memref<40x128xi32, #tpu.memory_space<vmem>>) target_semaphore(%run_scoped3A : memref<!tpu.dma_semaphore, #tpu.memory_space<semaphore_mem>>)
        %dma_wait3A = arith.constant 0 : i32
        %dma_wait3A_171 = tpu.memref_slice %arg4[%mul3A_97, %dma_wait3A] : memref<2560x128xi32, #tpu.memory_space<hbm>> -> memref<40x128xi32, #tpu.memory_space<hbm>>
        %dma_wait3A_172 = arith.constant 0 : i32
        %dma_wait3A_173 = tpu.memref_slice %arg4[%mul3A_97, %dma_wait3A_172] : memref<2560x128xi32, #tpu.memory_space<hbm>> -> memref<40x128xi32, #tpu.memory_space<hbm>>
        tpu.wait_dma2 semaphore(%run_scoped3A : memref<!tpu.dma_semaphore, #tpu.memory_space<semaphore_mem>>) src(%dma_wait3A_173 : memref<40x128xi32, #tpu.memory_space<hbm>>) dst(%arg7 : memref<40x128xi32, #tpu.memory_space<vmem>>)
        tpu.yield
      }) : () -> ()
      %dma_start3A = arith.constant 0 : i32
      %dma_start3A_98 = arith.constant 0 : i32
      %dma_start3A_99 = tpu.memref_slice %arg6[%dma_start3A, %dma_start3A_98] : memref<40x128xi32, #tpu.memory_space<vmem>> -> memref<1x128xi32, #tpu.memory_space<vmem>>
      %dma_start3A_100 = tpu.memref_squeeze %dma_start3A_99 : memref<1x128xi32, #tpu.memory_space<vmem>> -> memref<128xi32, #tpu.memory_space<vmem>>
      %dma_start3A_101 = arith.constant 0 : i32
      %dma_start3A_102 = arith.constant 0 : i32
      %dma_start3A_103 = tpu.memref_slice %arg2[%dma_start3A_101, %dma_start3A_102] : memref<10240x128xf32, #tpu.memory_space<hbm>> -> memref<10240x128xf32, #tpu.memory_space<hbm>>
      tpu.enqueue_indirect_dma source(%dma_start3A_103 : memref<10240x128xf32, #tpu.memory_space<hbm>>) target(%arg8 : memref<128x128xf32, #tpu.memory_space<vmem>>) offsets(%dma_start3A_100 : memref<128xi32, #tpu.memory_space<vmem>>) semaphore(%arg12 : memref<!tpu.dma_semaphore, #tpu.memory_space<semaphore_mem>>)
      %scan3A_104 = arith.constant 0 : i32
      %scan3A_105 = arith.constant 0 : i32
      %scan3A_106 = arith.constant 20 : i32
      %scan3A_107 = arith.addi %scan3A_105, %scan3A_106 : i32
      %scan3A_108 = arith.constant 1 : i32
      scf.for %scan3A_167 = %scan3A_105 to %scan3A_107 step %scan3A_108  : i32 {
        %mul3A_168 = arith.constant 2 : i32
        %mul3A_169 = arith.muli %scan3A_167, %mul3A_168 : i32
        %add3A_170 = arith.constant 1 : i32
        %add3A_171 = arith.addi %mul3A_169, %add3A_170 : i32
        %dma_start3A_172 = arith.constant 0 : i32
        %dma_start3A_173 = tpu.memref_slice %arg6[%add3A_171, %dma_start3A_172] : memref<40x128xi32, #tpu.memory_space<vmem>> -> memref<1x128xi32, #tpu.memory_space<vmem>>
        %dma_start3A_174 = tpu.memref_squeeze %dma_start3A_173 : memref<1x128xi32, #tpu.memory_space<vmem>> -> memref<128xi32, #tpu.memory_space<vmem>>
        %dma_start3A_175 = arith.constant 0 : i32
        %dma_start3A_176 = arith.constant 0 : i32
        %dma_start3A_177 = tpu.memref_slice %arg2[%dma_start3A_175, %dma_start3A_176] : memref<10240x128xf32, #tpu.memory_space<hbm>> -> memref<10240x128xf32, #tpu.memory_space<hbm>>
        tpu.enqueue_indirect_dma source(%dma_start3A_177 : memref<10240x128xf32, #tpu.memory_space<hbm>>) target(%arg9 : memref<128x128xf32, #tpu.memory_space<vmem>>) offsets(%dma_start3A_174 : memref<128xi32, #tpu.memory_space<vmem>>) semaphore(%arg13 : memref<!tpu.dma_semaphore, #tpu.memory_space<semaphore_mem>>)
        %dma_wait3A = arith.constant 0 : i32
        %dma_wait3A_178 = tpu.memref_slice %arg6[%mul3A_169, %dma_wait3A] : memref<40x128xi32, #tpu.memory_space<vmem>> -> memref<1x128xi32, #tpu.memory_space<vmem>>
        %dma_wait3A_179 = tpu.memref_squeeze %dma_wait3A_178 : memref<1x128xi32, #tpu.memory_space<vmem>> -> memref<128xi32, #tpu.memory_space<vmem>>
        %dma_wait3A_180 = arith.constant 0 : i32
        %dma_wait3A_181 = arith.constant 0 : i32
        %dma_wait3A_182 = tpu.memref_slice %arg2[%dma_wait3A_180, %dma_wait3A_181] : memref<10240x128xf32, #tpu.memory_space<hbm>> -> memref<10240x128xf32, #tpu.memory_space<hbm>>
        tpu.wait_indirect_dma semaphore(%arg12 : memref<!tpu.dma_semaphore, #tpu.memory_space<semaphore_mem>>) src(%dma_wait3A_182 : memref<10240x128xf32, #tpu.memory_space<hbm>>) dst(%arg8 : memref<128x128xf32, #tpu.memory_space<vmem>>)
        "tpu.region"() ({
          %run_scoped3A = tpu.sem_alloc : memref<!tpu.dma_semaphore, #tpu.memory_space<semaphore_mem>>
          %dma_start3A_199 = arith.constant 0 : i32
          %dma_start3A_200 = tpu.memref_slice %arg7[%mul3A_169, %dma_start3A_199] : memref<40x128xi32, #tpu.memory_space<vmem>> -> memref<1x128xi32, #tpu.memory_space<vmem>>
          %dma_start3A_201 = tpu.memref_squeeze %dma_start3A_200 : memref<1x128xi32, #tpu.memory_space<vmem>> -> memref<128xi32, #tpu.memory_space<vmem>>
          %dma_start3A_202 = arith.constant 0 : i32
          %dma_start3A_203 = arith.constant 0 : i32
          %dma_start3A_204 = tpu.memref_slice %arg11[%dma_start3A_202, %dma_start3A_203] : memref<10240x128xf32, #tpu.memory_space<vmem_shared>> -> memref<10240x128xf32, #tpu.memory_space<vmem_shared>>
          tpu.enqueue_indirect_dma source(%arg8 : memref<128x128xf32, #tpu.memory_space<vmem>>) target(%dma_start3A_204 : memref<10240x128xf32, #tpu.memory_space<vmem_shared>>) offsets(%dma_start3A_201 : memref<128xi32, #tpu.memory_space<vmem>>) semaphore(%run_scoped3A : memref<!tpu.dma_semaphore, #tpu.memory_space<semaphore_mem>>) {add = true}
          %dma_wait3A_205 = arith.constant 0 : i32
          %dma_wait3A_206 = tpu.memref_slice %arg7[%mul3A_169, %dma_wait3A_205] : memref<40x128xi32, #tpu.memory_space<vmem>> -> memref<1x128xi32, #tpu.memory_space<vmem>>
          %dma_wait3A_207 = tpu.memref_squeeze %dma_wait3A_206 : memref<1x128xi32, #tpu.memory_space<vmem>> -> memref<128xi32, #tpu.memory_space<vmem>>
          %dma_wait3A_208 = arith.constant 0 : i32
          %dma_wait3A_209 = arith.constant 0 : i32
          %dma_wait3A_210 = tpu.memref_slice %arg11[%dma_wait3A_208, %dma_wait3A_209] : memref<10240x128xf32, #tpu.memory_space<vmem_shared>> -> memref<10240x128xf32, #tpu.memory_space<vmem_shared>>
          tpu.wait_indirect_dma semaphore(%run_scoped3A : memref<!tpu.dma_semaphore, #tpu.memory_space<semaphore_mem>>) src(%arg8 : memref<128x128xf32, #tpu.memory_space<vmem>>) dst(%dma_wait3A_210 : memref<10240x128xf32, #tpu.memory_space<vmem_shared>>)
          tpu.yield
        }) : () -> ()
        %add3A_183 = arith.constant 2 : i32
        %add3A_184 = arith.addi %mul3A_169, %add3A_183 : i32
        %lt3A = arith.constant 40 : i32
        %lt3A_185 = arith.cmpi slt, %add3A_184, %lt3A : i32
        %convert_element_type3A_186 = arith.extui %lt3A_185 : i1 to i32
        %cond3A_187 = arith.constant 0 : i32
        %cond3A_188 = arith.cmpi ne, %convert_element_type3A_186, %cond3A_187 : i32
        scf.if %cond3A_188 {
          %add3A_199 = arith.constant 2 : i32
          %add3A_200 = arith.addi %mul3A_169, %add3A_199 : i32
          %dma_start3A_201 = arith.constant 0 : i32
          %dma_start3A_202 = tpu.memref_slice %arg6[%add3A_200, %dma_start3A_201] : memref<40x128xi32, #tpu.memory_space<vmem>> -> memref<1x128xi32, #tpu.memory_space<vmem>>
          %dma_start3A_203 = tpu.memref_squeeze %dma_start3A_202 : memref<1x128xi32, #tpu.memory_space<vmem>> -> memref<128xi32, #tpu.memory_space<vmem>>
          %dma_start3A_204 = arith.constant 0 : i32
          %dma_start3A_205 = arith.constant 0 : i32
          %dma_start3A_206 = tpu.memref_slice %arg2[%dma_start3A_204, %dma_start3A_205] : memref<10240x128xf32, #tpu.memory_space<hbm>> -> memref<10240x128xf32, #tpu.memory_space<hbm>>
          tpu.enqueue_indirect_dma source(%dma_start3A_206 : memref<10240x128xf32, #tpu.memory_space<hbm>>) target(%arg8 : memref<128x128xf32, #tpu.memory_space<vmem>>) offsets(%dma_start3A_203 : memref<128xi32, #tpu.memory_space<vmem>>) semaphore(%arg12 : memref<!tpu.dma_semaphore, #tpu.memory_space<semaphore_mem>>)
        } else {
        }
        %add3A_189 = arith.constant 1 : i32
        %add3A_190 = arith.addi %mul3A_169, %add3A_189 : i32
        %dma_wait3A_191 = arith.constant 0 : i32
        %dma_wait3A_192 = tpu.memref_slice %arg6[%add3A_190, %dma_wait3A_191] : memref<40x128xi32, #tpu.memory_space<vmem>> -> memref<1x128xi32, #tpu.memory_space<vmem>>
        %dma_wait3A_193 = tpu.memref_squeeze %dma_wait3A_192 : memref<1x128xi32, #tpu.memory_space<vmem>> -> memref<128xi32, #tpu.memory_space<vmem>>
        %dma_wait3A_194 = arith.constant 0 : i32
        %dma_wait3A_195 = arith.constant 0 : i32
        %dma_wait3A_196 = tpu.memref_slice %arg2[%dma_wait3A_194, %dma_wait3A_195] : memref<10240x128xf32, #tpu.memory_space<hbm>> -> memref<10240x128xf32, #tpu.memory_space<hbm>>
        tpu.wait_indirect_dma semaphore(%arg13 : memref<!tpu.dma_semaphore, #tpu.memory_space<semaphore_mem>>) src(%dma_wait3A_196 : memref<10240x128xf32, #tpu.memory_space<hbm>>) dst(%arg9 : memref<128x128xf32, #tpu.memory_space<vmem>>)
        %add3A_197 = arith.constant 1 : i32
        %add3A_198 = arith.addi %mul3A_169, %add3A_197 : i32
        "tpu.region"() ({
          %run_scoped3A = tpu.sem_alloc : memref<!tpu.dma_semaphore, #tpu.memory_space<semaphore_mem>>
          %dma_start3A_199 = arith.constant 0 : i32
          %dma_start3A_200 = tpu.memref_slice %arg7[%add3A_198, %dma_start3A_199] : memref<40x128xi32, #tpu.memory_space<vmem>> -> memref<1x128xi32, #tpu.memory_space<vmem>>
          %dma_start3A_201 = tpu.memref_squeeze %dma_start3A_200 : memref<1x128xi32, #tpu.memory_space<vmem>> -> memref<128xi32, #tpu.memory_space<vmem>>
          %dma_start3A_202 = arith.constant 0 : i32
          %dma_start3A_203 = arith.constant 0 : i32
          %dma_start3A_204 = tpu.memref_slice %arg11[%dma_start3A_202, %dma_start3A_203] : memref<10240x128xf32, #tpu.memory_space<vmem_shared>> -> memref<10240x128xf32, #tpu.memory_space<vmem_shared>>
          tpu.enqueue_indirect_dma source(%arg9 : memref<128x128xf32, #tpu.memory_space<vmem>>) target(%dma_start3A_204 : memref<10240x128xf32, #tpu.memory_space<vmem_shared>>) offsets(%dma_start3A_201 : memref<128xi32, #tpu.memory_space<vmem>>) semaphore(%run_scoped3A : memref<!tpu.dma_semaphore, #tpu.memory_space<semaphore_mem>>) {add = true}
          %dma_wait3A_205 = arith.constant 0 : i32
          %dma_wait3A_206 = tpu.memref_slice %arg7[%add3A_198, %dma_wait3A_205] : memref<40x128xi32, #tpu.memory_space<vmem>> -> memref<1x128xi32, #tpu.memory_space<vmem>>
          %dma_wait3A_207 = tpu.memref_squeeze %dma_wait3A_206 : memref<1x128xi32, #tpu.memory_space<vmem>> -> memref<128xi32, #tpu.memory_space<vmem>>
          %dma_wait3A_208 = arith.constant 0 : i32
          %dma_wait3A_209 = arith.constant 0 : i32
          %dma_wait3A_210 = tpu.memref_slice %arg11[%dma_wait3A_208, %dma_wait3A_209] : memref<10240x128xf32, #tpu.memory_space<vmem_shared>> -> memref<10240x128xf32, #tpu.memory_space<vmem_shared>>
          tpu.wait_indirect_dma semaphore(%run_scoped3A : memref<!tpu.dma_semaphore, #tpu.memory_space<semaphore_mem>>) src(%arg9 : memref<128x128xf32, #tpu.memory_space<vmem>>) dst(%dma_wait3A_210 : memref<10240x128xf32, #tpu.memory_space<vmem_shared>>)
          tpu.yield
        }) : () -> ()
      }
      %scan3A_109 = arith.constant 20 : i32
      %mul3A_110 = arith.constant 4 : i32
      %mul3A_111 = arith.muli %arg1, %mul3A_110 : i32
      %add3A_112 = arith.constant 1 : i32
      %add3A_113 = arith.addi %mul3A_111, %add3A_112 : i32
      %mul3A_114 = arith.constant 40 : i32
      %mul3A_115 = arith.muli %add3A_113, %mul3A_114 : i32
      "tpu.region"() ({
        %run_scoped3A = tpu.sem_alloc : memref<!tpu.dma_semaphore, #tpu.memory_space<semaphore_mem>>
        %dma_start3A_167 = arith.constant 0 : i32
        %dma_start3A_168 = tpu.memref_slice %arg3[%mul3A_115, %dma_start3A_167] : memref<2560x128xi32, #tpu.memory_space<hbm>> -> memref<40x128xi32, #tpu.memory_space<hbm>>
        %dma_start3A_169 = arith.constant 0 : i32
        %dma_start3A_170 = tpu.memref_slice %arg3[%mul3A_115, %dma_start3A_169] : memref<2560x128xi32, #tpu.memory_space<hbm>> -> memref<40x128xi32, #tpu.memory_space<hbm>>
        tpu.enqueue_dma source(%dma_start3A_170 : memref<40x128xi32, #tpu.memory_space<hbm>>) target(%arg6 : memref<40x128xi32, #tpu.memory_space<vmem>>) target_semaphore(%run_scoped3A : memref<!tpu.dma_semaphore, #tpu.memory_space<semaphore_mem>>)
        %dma_wait3A = arith.constant 0 : i32
        %dma_wait3A_171 = tpu.memref_slice %arg3[%mul3A_115, %dma_wait3A] : memref<2560x128xi32, #tpu.memory_space<hbm>> -> memref<40x128xi32, #tpu.memory_space<hbm>>
        %dma_wait3A_172 = arith.constant 0 : i32
        %dma_wait3A_173 = tpu.memref_slice %arg3[%mul3A_115, %dma_wait3A_172] : memref<2560x128xi32, #tpu.memory_space<hbm>> -> memref<40x128xi32, #tpu.memory_space<hbm>>
        tpu.wait_dma2 semaphore(%run_scoped3A : memref<!tpu.dma_semaphore, #tpu.memory_space<semaphore_mem>>) src(%dma_wait3A_173 : memref<40x128xi32, #tpu.memory_space<hbm>>) dst(%arg6 : memref<40x128xi32, #tpu.memory_space<vmem>>)
        tpu.yield
      }) : () -> ()
      "tpu.region"() ({
        %run_scoped3A = tpu.sem_alloc : memref<!tpu.dma_semaphore, #tpu.memory_space<semaphore_mem>>
        %dma_start3A_167 = arith.constant 0 : i32
        %dma_start3A_168 = tpu.memref_slice %arg4[%mul3A_115, %dma_start3A_167] : memref<2560x128xi32, #tpu.memory_space<hbm>> -> memref<40x128xi32, #tpu.memory_space<hbm>>
        %dma_start3A_169 = arith.constant 0 : i32
        %dma_start3A_170 = tpu.memref_slice %arg4[%mul3A_115, %dma_start3A_169] : memref<2560x128xi32, #tpu.memory_space<hbm>> -> memref<40x128xi32, #tpu.memory_space<hbm>>
        tpu.enqueue_dma source(%dma_start3A_170 : memref<40x128xi32, #tpu.memory_space<hbm>>) target(%arg7 : memref<40x128xi32, #tpu.memory_space<vmem>>) target_semaphore(%run_scoped3A : memref<!tpu.dma_semaphore, #tpu.memory_space<semaphore_mem>>)
        %dma_wait3A = arith.constant 0 : i32
        %dma_wait3A_171 = tpu.memref_slice %arg4[%mul3A_115, %dma_wait3A] : memref<2560x128xi32, #tpu.memory_space<hbm>> -> memref<40x128xi32, #tpu.memory_space<hbm>>
        %dma_wait3A_172 = arith.constant 0 : i32
        %dma_wait3A_173 = tpu.memref_slice %arg4[%mul3A_115, %dma_wait3A_172] : memref<2560x128xi32, #tpu.memory_space<hbm>> -> memref<40x128xi32, #tpu.memory_space<hbm>>
        tpu.wait_dma2 semaphore(%run_scoped3A : memref<!tpu.dma_semaphore, #tpu.memory_space<semaphore_mem>>) src(%dma_wait3A_173 : memref<40x128xi32, #tpu.memory_space<hbm>>) dst(%arg7 : memref<40x128xi32, #tpu.memory_space<vmem>>)
        tpu.yield
      }) : () -> ()
      %dma_start3A_116 = arith.constant 0 : i32
      %dma_start3A_117 = arith.constant 0 : i32
      %dma_start3A_118 = tpu.memref_slice %arg6[%dma_start3A_116, %dma_start3A_117] : memref<40x128xi32, #tpu.memory_space<vmem>> -> memref<1x128xi32, #tpu.memory_space<vmem>>
      %dma_start3A_119 = tpu.memref_squeeze %dma_start3A_118 : memref<1x128xi32, #tpu.memory_space<vmem>> -> memref<128xi32, #tpu.memory_space<vmem>>
      %dma_start3A_120 = arith.constant 0 : i32
      %dma_start3A_121 = arith.constant 0 : i32
      %dma_start3A_122 = tpu.memref_slice %arg2[%dma_start3A_120, %dma_start3A_121] : memref<10240x128xf32, #tpu.memory_space<hbm>> -> memref<10240x128xf32, #tpu.memory_space<hbm>>
      tpu.enqueue_indirect_dma source(%dma_start3A_122 : memref<10240x128xf32, #tpu.memory_space<hbm>>) target(%arg8 : memref<128x128xf32, #tpu.memory_space<vmem>>) offsets(%dma_start3A_119 : memref<128xi32, #tpu.memory_space<vmem>>) semaphore(%arg12 : memref<!tpu.dma_semaphore, #tpu.memory_space<semaphore_mem>>)
      %scan3A_123 = arith.constant 0 : i32
      %scan3A_124 = arith.constant 0 : i32
      %scan3A_125 = arith.constant 20 : i32
      %scan3A_126 = arith.addi %scan3A_124, %scan3A_125 : i32
      %scan3A_127 = arith.constant 1 : i32
      scf.for %scan3A_167 = %scan3A_124 to %scan3A_126 step %scan3A_127  : i32 {
        %mul3A_168 = arith.constant 2 : i32
        %mul3A_169 = arith.muli %scan3A_167, %mul3A_168 : i32
        %add3A_170 = arith.constant 1 : i32
        %add3A_171 = arith.addi %mul3A_169, %add3A_170 : i32
        %dma_start3A_172 = arith.constant 0 : i32
        %dma_start3A_173 = tpu.memref_slice %arg6[%add3A_171, %dma_start3A_172] : memref<40x128xi32, #tpu.memory_space<vmem>> -> memref<1x128xi32, #tpu.memory_space<vmem>>
        %dma_start3A_174 = tpu.memref_squeeze %dma_start3A_173 : memref<1x128xi32, #tpu.memory_space<vmem>> -> memref<128xi32, #tpu.memory_space<vmem>>
        %dma_start3A_175 = arith.constant 0 : i32
        %dma_start3A_176 = arith.constant 0 : i32
        %dma_start3A_177 = tpu.memref_slice %arg2[%dma_start3A_175, %dma_start3A_176] : memref<10240x128xf32, #tpu.memory_space<hbm>> -> memref<10240x128xf32, #tpu.memory_space<hbm>>
        tpu.enqueue_indirect_dma source(%dma_start3A_177 : memref<10240x128xf32, #tpu.memory_space<hbm>>) target(%arg9 : memref<128x128xf32, #tpu.memory_space<vmem>>) offsets(%dma_start3A_174 : memref<128xi32, #tpu.memory_space<vmem>>) semaphore(%arg13 : memref<!tpu.dma_semaphore, #tpu.memory_space<semaphore_mem>>)
        %dma_wait3A = arith.constant 0 : i32
        %dma_wait3A_178 = tpu.memref_slice %arg6[%mul3A_169, %dma_wait3A] : memref<40x128xi32, #tpu.memory_space<vmem>> -> memref<1x128xi32, #tpu.memory_space<vmem>>
        %dma_wait3A_179 = tpu.memref_squeeze %dma_wait3A_178 : memref<1x128xi32, #tpu.memory_space<vmem>> -> memref<128xi32, #tpu.memory_space<vmem>>
        %dma_wait3A_180 = arith.constant 0 : i32
        %dma_wait3A_181 = arith.constant 0 : i32
        %dma_wait3A_182 = tpu.memref_slice %arg2[%dma_wait3A_180, %dma_wait3A_181] : memref<10240x128xf32, #tpu.memory_space<hbm>> -> memref<10240x128xf32, #tpu.memory_space<hbm>>
        tpu.wait_indirect_dma semaphore(%arg12 : memref<!tpu.dma_semaphore, #tpu.memory_space<semaphore_mem>>) src(%dma_wait3A_182 : memref<10240x128xf32, #tpu.memory_space<hbm>>) dst(%arg8 : memref<128x128xf32, #tpu.memory_space<vmem>>)
        "tpu.region"() ({
          %run_scoped3A = tpu.sem_alloc : memref<!tpu.dma_semaphore, #tpu.memory_space<semaphore_mem>>
          %dma_start3A_199 = arith.constant 0 : i32
          %dma_start3A_200 = tpu.memref_slice %arg7[%mul3A_169, %dma_start3A_199] : memref<40x128xi32, #tpu.memory_space<vmem>> -> memref<1x128xi32, #tpu.memory_space<vmem>>
          %dma_start3A_201 = tpu.memref_squeeze %dma_start3A_200 : memref<1x128xi32, #tpu.memory_space<vmem>> -> memref<128xi32, #tpu.memory_space<vmem>>
          %dma_start3A_202 = arith.constant 0 : i32
          %dma_start3A_203 = arith.constant 0 : i32
          %dma_start3A_204 = tpu.memref_slice %arg11[%dma_start3A_202, %dma_start3A_203] : memref<10240x128xf32, #tpu.memory_space<vmem_shared>> -> memref<10240x128xf32, #tpu.memory_space<vmem_shared>>
          tpu.enqueue_indirect_dma source(%arg8 : memref<128x128xf32, #tpu.memory_space<vmem>>) target(%dma_start3A_204 : memref<10240x128xf32, #tpu.memory_space<vmem_shared>>) offsets(%dma_start3A_201 : memref<128xi32, #tpu.memory_space<vmem>>) semaphore(%run_scoped3A : memref<!tpu.dma_semaphore, #tpu.memory_space<semaphore_mem>>) {add = true}
          %dma_wait3A_205 = arith.constant 0 : i32
          %dma_wait3A_206 = tpu.memref_slice %arg7[%mul3A_169, %dma_wait3A_205] : memref<40x128xi32, #tpu.memory_space<vmem>> -> memref<1x128xi32, #tpu.memory_space<vmem>>
          %dma_wait3A_207 = tpu.memref_squeeze %dma_wait3A_206 : memref<1x128xi32, #tpu.memory_space<vmem>> -> memref<128xi32, #tpu.memory_space<vmem>>
          %dma_wait3A_208 = arith.constant 0 : i32
          %dma_wait3A_209 = arith.constant 0 : i32
          %dma_wait3A_210 = tpu.memref_slice %arg11[%dma_wait3A_208, %dma_wait3A_209] : memref<10240x128xf32, #tpu.memory_space<vmem_shared>> -> memref<10240x128xf32, #tpu.memory_space<vmem_shared>>
          tpu.wait_indirect_dma semaphore(%run_scoped3A : memref<!tpu.dma_semaphore, #tpu.memory_space<semaphore_mem>>) src(%arg8 : memref<128x128xf32, #tpu.memory_space<vmem>>) dst(%dma_wait3A_210 : memref<10240x128xf32, #tpu.memory_space<vmem_shared>>)
          tpu.yield
        }) : () -> ()
        %add3A_183 = arith.constant 2 : i32
        %add3A_184 = arith.addi %mul3A_169, %add3A_183 : i32
        %lt3A = arith.constant 40 : i32
        %lt3A_185 = arith.cmpi slt, %add3A_184, %lt3A : i32
        %convert_element_type3A_186 = arith.extui %lt3A_185 : i1 to i32
        %cond3A_187 = arith.constant 0 : i32
        %cond3A_188 = arith.cmpi ne, %convert_element_type3A_186, %cond3A_187 : i32
        scf.if %cond3A_188 {
          %add3A_199 = arith.constant 2 : i32
          %add3A_200 = arith.addi %mul3A_169, %add3A_199 : i32
          %dma_start3A_201 = arith.constant 0 : i32
          %dma_start3A_202 = tpu.memref_slice %arg6[%add3A_200, %dma_start3A_201] : memref<40x128xi32, #tpu.memory_space<vmem>> -> memref<1x128xi32, #tpu.memory_space<vmem>>
          %dma_start3A_203 = tpu.memref_squeeze %dma_start3A_202 : memref<1x128xi32, #tpu.memory_space<vmem>> -> memref<128xi32, #tpu.memory_space<vmem>>
          %dma_start3A_204 = arith.constant 0 : i32
          %dma_start3A_205 = arith.constant 0 : i32
          %dma_start3A_206 = tpu.memref_slice %arg2[%dma_start3A_204, %dma_start3A_205] : memref<10240x128xf32, #tpu.memory_space<hbm>> -> memref<10240x128xf32, #tpu.memory_space<hbm>>
          tpu.enqueue_indirect_dma source(%dma_start3A_206 : memref<10240x128xf32, #tpu.memory_space<hbm>>) target(%arg8 : memref<128x128xf32, #tpu.memory_space<vmem>>) offsets(%dma_start3A_203 : memref<128xi32, #tpu.memory_space<vmem>>) semaphore(%arg12 : memref<!tpu.dma_semaphore, #tpu.memory_space<semaphore_mem>>)
        } else {
        }
        %add3A_189 = arith.constant 1 : i32
        %add3A_190 = arith.addi %mul3A_169, %add3A_189 : i32
        %dma_wait3A_191 = arith.constant 0 : i32
        %dma_wait3A_192 = tpu.memref_slice %arg6[%add3A_190, %dma_wait3A_191] : memref<40x128xi32, #tpu.memory_space<vmem>> -> memref<1x128xi32, #tpu.memory_space<vmem>>
        %dma_wait3A_193 = tpu.memref_squeeze %dma_wait3A_192 : memref<1x128xi32, #tpu.memory_space<vmem>> -> memref<128xi32, #tpu.memory_space<vmem>>
        %dma_wait3A_194 = arith.constant 0 : i32
        %dma_wait3A_195 = arith.constant 0 : i32
        %dma_wait3A_196 = tpu.memref_slice %arg2[%dma_wait3A_194, %dma_wait3A_195] : memref<10240x128xf32, #tpu.memory_space<hbm>> -> memref<10240x128xf32, #tpu.memory_space<hbm>>
        tpu.wait_indirect_dma semaphore(%arg13 : memref<!tpu.dma_semaphore, #tpu.memory_space<semaphore_mem>>) src(%dma_wait3A_196 : memref<10240x128xf32, #tpu.memory_space<hbm>>) dst(%arg9 : memref<128x128xf32, #tpu.memory_space<vmem>>)
        %add3A_197 = arith.constant 1 : i32
        %add3A_198 = arith.addi %mul3A_169, %add3A_197 : i32
        "tpu.region"() ({
          %run_scoped3A = tpu.sem_alloc : memref<!tpu.dma_semaphore, #tpu.memory_space<semaphore_mem>>
          %dma_start3A_199 = arith.constant 0 : i32
          %dma_start3A_200 = tpu.memref_slice %arg7[%add3A_198, %dma_start3A_199] : memref<40x128xi32, #tpu.memory_space<vmem>> -> memref<1x128xi32, #tpu.memory_space<vmem>>
          %dma_start3A_201 = tpu.memref_squeeze %dma_start3A_200 : memref<1x128xi32, #tpu.memory_space<vmem>> -> memref<128xi32, #tpu.memory_space<vmem>>
          %dma_start3A_202 = arith.constant 0 : i32
          %dma_start3A_203 = arith.constant 0 : i32
          %dma_start3A_204 = tpu.memref_slice %arg11[%dma_start3A_202, %dma_start3A_203] : memref<10240x128xf32, #tpu.memory_space<vmem_shared>> -> memref<10240x128xf32, #tpu.memory_space<vmem_shared>>
          tpu.enqueue_indirect_dma source(%arg9 : memref<128x128xf32, #tpu.memory_space<vmem>>) target(%dma_start3A_204 : memref<10240x128xf32, #tpu.memory_space<vmem_shared>>) offsets(%dma_start3A_201 : memref<128xi32, #tpu.memory_space<vmem>>) semaphore(%run_scoped3A : memref<!tpu.dma_semaphore, #tpu.memory_space<semaphore_mem>>) {add = true}
          %dma_wait3A_205 = arith.constant 0 : i32
          %dma_wait3A_206 = tpu.memref_slice %arg7[%add3A_198, %dma_wait3A_205] : memref<40x128xi32, #tpu.memory_space<vmem>> -> memref<1x128xi32, #tpu.memory_space<vmem>>
          %dma_wait3A_207 = tpu.memref_squeeze %dma_wait3A_206 : memref<1x128xi32, #tpu.memory_space<vmem>> -> memref<128xi32, #tpu.memory_space<vmem>>
          %dma_wait3A_208 = arith.constant 0 : i32
          %dma_wait3A_209 = arith.constant 0 : i32
          %dma_wait3A_210 = tpu.memref_slice %arg11[%dma_wait3A_208, %dma_wait3A_209] : memref<10240x128xf32, #tpu.memory_space<vmem_shared>> -> memref<10240x128xf32, #tpu.memory_space<vmem_shared>>
          tpu.wait_indirect_dma semaphore(%run_scoped3A : memref<!tpu.dma_semaphore, #tpu.memory_space<semaphore_mem>>) src(%arg9 : memref<128x128xf32, #tpu.memory_space<vmem>>) dst(%dma_wait3A_210 : memref<10240x128xf32, #tpu.memory_space<vmem_shared>>)
          tpu.yield
        }) : () -> ()
      }
      %scan3A_128 = arith.constant 20 : i32
      %mul3A_129 = arith.constant 4 : i32
      %mul3A_130 = arith.muli %arg1, %mul3A_129 : i32
      %add3A_131 = arith.constant 2 : i32
      %add3A_132 = arith.addi %mul3A_130, %add3A_131 : i32
      %mul3A_133 = arith.constant 40 : i32
      %mul3A_134 = arith.muli %add3A_132, %mul3A_133 : i32
      "tpu.region"() ({
        %run_scoped3A = tpu.sem_alloc : memref<!tpu.dma_semaphore, #tpu.memory_space<semaphore_mem>>
        %dma_start3A_167 = arith.constant 0 : i32
        %dma_start3A_168 = tpu.memref_slice %arg3[%mul3A_134, %dma_start3A_167] : memref<2560x128xi32, #tpu.memory_space<hbm>> -> memref<40x128xi32, #tpu.memory_space<hbm>>
        %dma_start3A_169 = arith.constant 0 : i32
        %dma_start3A_170 = tpu.memref_slice %arg3[%mul3A_134, %dma_start3A_169] : memref<2560x128xi32, #tpu.memory_space<hbm>> -> memref<40x128xi32, #tpu.memory_space<hbm>>
        tpu.enqueue_dma source(%dma_start3A_170 : memref<40x128xi32, #tpu.memory_space<hbm>>) target(%arg6 : memref<40x128xi32, #tpu.memory_space<vmem>>) target_semaphore(%run_scoped3A : memref<!tpu.dma_semaphore, #tpu.memory_space<semaphore_mem>>)
        %dma_wait3A = arith.constant 0 : i32
        %dma_wait3A_171 = tpu.memref_slice %arg3[%mul3A_134, %dma_wait3A] : memref<2560x128xi32, #tpu.memory_space<hbm>> -> memref<40x128xi32, #tpu.memory_space<hbm>>
        %dma_wait3A_172 = arith.constant 0 : i32
        %dma_wait3A_173 = tpu.memref_slice %arg3[%mul3A_134, %dma_wait3A_172] : memref<2560x128xi32, #tpu.memory_space<hbm>> -> memref<40x128xi32, #tpu.memory_space<hbm>>
        tpu.wait_dma2 semaphore(%run_scoped3A : memref<!tpu.dma_semaphore, #tpu.memory_space<semaphore_mem>>) src(%dma_wait3A_173 : memref<40x128xi32, #tpu.memory_space<hbm>>) dst(%arg6 : memref<40x128xi32, #tpu.memory_space<vmem>>)
        tpu.yield
      }) : () -> ()
      "tpu.region"() ({
        %run_scoped3A = tpu.sem_alloc : memref<!tpu.dma_semaphore, #tpu.memory_space<semaphore_mem>>
        %dma_start3A_167 = arith.constant 0 : i32
        %dma_start3A_168 = tpu.memref_slice %arg4[%mul3A_134, %dma_start3A_167] : memref<2560x128xi32, #tpu.memory_space<hbm>> -> memref<40x128xi32, #tpu.memory_space<hbm>>
        %dma_start3A_169 = arith.constant 0 : i32
        %dma_start3A_170 = tpu.memref_slice %arg4[%mul3A_134, %dma_start3A_169] : memref<2560x128xi32, #tpu.memory_space<hbm>> -> memref<40x128xi32, #tpu.memory_space<hbm>>
        tpu.enqueue_dma source(%dma_start3A_170 : memref<40x128xi32, #tpu.memory_space<hbm>>) target(%arg7 : memref<40x128xi32, #tpu.memory_space<vmem>>) target_semaphore(%run_scoped3A : memref<!tpu.dma_semaphore, #tpu.memory_space<semaphore_mem>>)
        %dma_wait3A = arith.constant 0 : i32
        %dma_wait3A_171 = tpu.memref_slice %arg4[%mul3A_134, %dma_wait3A] : memref<2560x128xi32, #tpu.memory_space<hbm>> -> memref<40x128xi32, #tpu.memory_space<hbm>>
        %dma_wait3A_172 = arith.constant 0 : i32
        %dma_wait3A_173 = tpu.memref_slice %arg4[%mul3A_134, %dma_wait3A_172] : memref<2560x128xi32, #tpu.memory_space<hbm>> -> memref<40x128xi32, #tpu.memory_space<hbm>>
        tpu.wait_dma2 semaphore(%run_scoped3A : memref<!tpu.dma_semaphore, #tpu.memory_space<semaphore_mem>>) src(%dma_wait3A_173 : memref<40x128xi32, #tpu.memory_space<hbm>>) dst(%arg7 : memref<40x128xi32, #tpu.memory_space<vmem>>)
        tpu.yield
      }) : () -> ()
      %dma_start3A_135 = arith.constant 0 : i32
      %dma_start3A_136 = arith.constant 0 : i32
      %dma_start3A_137 = tpu.memref_slice %arg6[%dma_start3A_135, %dma_start3A_136] : memref<40x128xi32, #tpu.memory_space<vmem>> -> memref<1x128xi32, #tpu.memory_space<vmem>>
      %dma_start3A_138 = tpu.memref_squeeze %dma_start3A_137 : memref<1x128xi32, #tpu.memory_space<vmem>> -> memref<128xi32, #tpu.memory_space<vmem>>
      %dma_start3A_139 = arith.constant 0 : i32
      %dma_start3A_140 = arith.constant 0 : i32
      %dma_start3A_141 = tpu.memref_slice %arg2[%dma_start3A_139, %dma_start3A_140] : memref<10240x128xf32, #tpu.memory_space<hbm>> -> memref<10240x128xf32, #tpu.memory_space<hbm>>
      tpu.enqueue_indirect_dma source(%dma_start3A_141 : memref<10240x128xf32, #tpu.memory_space<hbm>>) target(%arg8 : memref<128x128xf32, #tpu.memory_space<vmem>>) offsets(%dma_start3A_138 : memref<128xi32, #tpu.memory_space<vmem>>) semaphore(%arg12 : memref<!tpu.dma_semaphore, #tpu.memory_space<semaphore_mem>>)
      %scan3A_142 = arith.constant 0 : i32
      %scan3A_143 = arith.constant 0 : i32
      %scan3A_144 = arith.constant 20 : i32
      %scan3A_145 = arith.addi %scan3A_143, %scan3A_144 : i32
      %scan3A_146 = arith.constant 1 : i32
      scf.for %scan3A_167 = %scan3A_143 to %scan3A_145 step %scan3A_146  : i32 {
        %mul3A_168 = arith.constant 2 : i32
        %mul3A_169 = arith.muli %scan3A_167, %mul3A_168 : i32
        %add3A_170 = arith.constant 1 : i32
        %add3A_171 = arith.addi %mul3A_169, %add3A_170 : i32
        %dma_start3A_172 = arith.constant 0 : i32
        %dma_start3A_173 = tpu.memref_slice %arg6[%add3A_171, %dma_start3A_172] : memref<40x128xi32, #tpu.memory_space<vmem>> -> memref<1x128xi32, #tpu.memory_space<vmem>>
        %dma_start3A_174 = tpu.memref_squeeze %dma_start3A_173 : memref<1x128xi32, #tpu.memory_space<vmem>> -> memref<128xi32, #tpu.memory_space<vmem>>
        %dma_start3A_175 = arith.constant 0 : i32
        %dma_start3A_176 = arith.constant 0 : i32
        %dma_start3A_177 = tpu.memref_slice %arg2[%dma_start3A_175, %dma_start3A_176] : memref<10240x128xf32, #tpu.memory_space<hbm>> -> memref<10240x128xf32, #tpu.memory_space<hbm>>
        tpu.enqueue_indirect_dma source(%dma_start3A_177 : memref<10240x128xf32, #tpu.memory_space<hbm>>) target(%arg9 : memref<128x128xf32, #tpu.memory_space<vmem>>) offsets(%dma_start3A_174 : memref<128xi32, #tpu.memory_space<vmem>>) semaphore(%arg13 : memref<!tpu.dma_semaphore, #tpu.memory_space<semaphore_mem>>)
        %dma_wait3A = arith.constant 0 : i32
        %dma_wait3A_178 = tpu.memref_slice %arg6[%mul3A_169, %dma_wait3A] : memref<40x128xi32, #tpu.memory_space<vmem>> -> memref<1x128xi32, #tpu.memory_space<vmem>>
        %dma_wait3A_179 = tpu.memref_squeeze %dma_wait3A_178 : memref<1x128xi32, #tpu.memory_space<vmem>> -> memref<128xi32, #tpu.memory_space<vmem>>
        %dma_wait3A_180 = arith.constant 0 : i32
        %dma_wait3A_181 = arith.constant 0 : i32
        %dma_wait3A_182 = tpu.memref_slice %arg2[%dma_wait3A_180, %dma_wait3A_181] : memref<10240x128xf32, #tpu.memory_space<hbm>> -> memref<10240x128xf32, #tpu.memory_space<hbm>>
        tpu.wait_indirect_dma semaphore(%arg12 : memref<!tpu.dma_semaphore, #tpu.memory_space<semaphore_mem>>) src(%dma_wait3A_182 : memref<10240x128xf32, #tpu.memory_space<hbm>>) dst(%arg8 : memref<128x128xf32, #tpu.memory_space<vmem>>)
        "tpu.region"() ({
          %run_scoped3A = tpu.sem_alloc : memref<!tpu.dma_semaphore, #tpu.memory_space<semaphore_mem>>
          %dma_start3A_199 = arith.constant 0 : i32
          %dma_start3A_200 = tpu.memref_slice %arg7[%mul3A_169, %dma_start3A_199] : memref<40x128xi32, #tpu.memory_space<vmem>> -> memref<1x128xi32, #tpu.memory_space<vmem>>
          %dma_start3A_201 = tpu.memref_squeeze %dma_start3A_200 : memref<1x128xi32, #tpu.memory_space<vmem>> -> memref<128xi32, #tpu.memory_space<vmem>>
          %dma_start3A_202 = arith.constant 0 : i32
          %dma_start3A_203 = arith.constant 0 : i32
          %dma_start3A_204 = tpu.memref_slice %arg11[%dma_start3A_202, %dma_start3A_203] : memref<10240x128xf32, #tpu.memory_space<vmem_shared>> -> memref<10240x128xf32, #tpu.memory_space<vmem_shared>>
          tpu.enqueue_indirect_dma source(%arg8 : memref<128x128xf32, #tpu.memory_space<vmem>>) target(%dma_start3A_204 : memref<10240x128xf32, #tpu.memory_space<vmem_shared>>) offsets(%dma_start3A_201 : memref<128xi32, #tpu.memory_space<vmem>>) semaphore(%run_scoped3A : memref<!tpu.dma_semaphore, #tpu.memory_space<semaphore_mem>>) {add = true}
          %dma_wait3A_205 = arith.constant 0 : i32
          %dma_wait3A_206 = tpu.memref_slice %arg7[%mul3A_169, %dma_wait3A_205] : memref<40x128xi32, #tpu.memory_space<vmem>> -> memref<1x128xi32, #tpu.memory_space<vmem>>
          %dma_wait3A_207 = tpu.memref_squeeze %dma_wait3A_206 : memref<1x128xi32, #tpu.memory_space<vmem>> -> memref<128xi32, #tpu.memory_space<vmem>>
          %dma_wait3A_208 = arith.constant 0 : i32
          %dma_wait3A_209 = arith.constant 0 : i32
          %dma_wait3A_210 = tpu.memref_slice %arg11[%dma_wait3A_208, %dma_wait3A_209] : memref<10240x128xf32, #tpu.memory_space<vmem_shared>> -> memref<10240x128xf32, #tpu.memory_space<vmem_shared>>
          tpu.wait_indirect_dma semaphore(%run_scoped3A : memref<!tpu.dma_semaphore, #tpu.memory_space<semaphore_mem>>) src(%arg8 : memref<128x128xf32, #tpu.memory_space<vmem>>) dst(%dma_wait3A_210 : memref<10240x128xf32, #tpu.memory_space<vmem_shared>>)
          tpu.yield
        }) : () -> ()
        %add3A_183 = arith.constant 2 : i32
        %add3A_184 = arith.addi %mul3A_169, %add3A_183 : i32
        %lt3A = arith.constant 40 : i32
        %lt3A_185 = arith.cmpi slt, %add3A_184, %lt3A : i32
        %convert_element_type3A_186 = arith.extui %lt3A_185 : i1 to i32
        %cond3A_187 = arith.constant 0 : i32
        %cond3A_188 = arith.cmpi ne, %convert_element_type3A_186, %cond3A_187 : i32
        scf.if %cond3A_188 {
          %add3A_199 = arith.constant 2 : i32
          %add3A_200 = arith.addi %mul3A_169, %add3A_199 : i32
          %dma_start3A_201 = arith.constant 0 : i32
          %dma_start3A_202 = tpu.memref_slice %arg6[%add3A_200, %dma_start3A_201] : memref<40x128xi32, #tpu.memory_space<vmem>> -> memref<1x128xi32, #tpu.memory_space<vmem>>
          %dma_start3A_203 = tpu.memref_squeeze %dma_start3A_202 : memref<1x128xi32, #tpu.memory_space<vmem>> -> memref<128xi32, #tpu.memory_space<vmem>>
          %dma_start3A_204 = arith.constant 0 : i32
          %dma_start3A_205 = arith.constant 0 : i32
          %dma_start3A_206 = tpu.memref_slice %arg2[%dma_start3A_204, %dma_start3A_205] : memref<10240x128xf32, #tpu.memory_space<hbm>> -> memref<10240x128xf32, #tpu.memory_space<hbm>>
          tpu.enqueue_indirect_dma source(%dma_start3A_206 : memref<10240x128xf32, #tpu.memory_space<hbm>>) target(%arg8 : memref<128x128xf32, #tpu.memory_space<vmem>>) offsets(%dma_start3A_203 : memref<128xi32, #tpu.memory_space<vmem>>) semaphore(%arg12 : memref<!tpu.dma_semaphore, #tpu.memory_space<semaphore_mem>>)
        } else {
        }
        %add3A_189 = arith.constant 1 : i32
        %add3A_190 = arith.addi %mul3A_169, %add3A_189 : i32
        %dma_wait3A_191 = arith.constant 0 : i32
        %dma_wait3A_192 = tpu.memref_slice %arg6[%add3A_190, %dma_wait3A_191] : memref<40x128xi32, #tpu.memory_space<vmem>> -> memref<1x128xi32, #tpu.memory_space<vmem>>
        %dma_wait3A_193 = tpu.memref_squeeze %dma_wait3A_192 : memref<1x128xi32, #tpu.memory_space<vmem>> -> memref<128xi32, #tpu.memory_space<vmem>>
        %dma_wait3A_194 = arith.constant 0 : i32
        %dma_wait3A_195 = arith.constant 0 : i32
        %dma_wait3A_196 = tpu.memref_slice %arg2[%dma_wait3A_194, %dma_wait3A_195] : memref<10240x128xf32, #tpu.memory_space<hbm>> -> memref<10240x128xf32, #tpu.memory_space<hbm>>
        tpu.wait_indirect_dma semaphore(%arg13 : memref<!tpu.dma_semaphore, #tpu.memory_space<semaphore_mem>>) src(%dma_wait3A_196 : memref<10240x128xf32, #tpu.memory_space<hbm>>) dst(%arg9 : memref<128x128xf32, #tpu.memory_space<vmem>>)
        %add3A_197 = arith.constant 1 : i32
        %add3A_198 = arith.addi %mul3A_169, %add3A_197 : i32
        "tpu.region"() ({
          %run_scoped3A = tpu.sem_alloc : memref<!tpu.dma_semaphore, #tpu.memory_space<semaphore_mem>>
          %dma_start3A_199 = arith.constant 0 : i32
          %dma_start3A_200 = tpu.memref_slice %arg7[%add3A_198, %dma_start3A_199] : memref<40x128xi32, #tpu.memory_space<vmem>> -> memref<1x128xi32, #tpu.memory_space<vmem>>
          %dma_start3A_201 = tpu.memref_squeeze %dma_start3A_200 : memref<1x128xi32, #tpu.memory_space<vmem>> -> memref<128xi32, #tpu.memory_space<vmem>>
          %dma_start3A_202 = arith.constant 0 : i32
          %dma_start3A_203 = arith.constant 0 : i32
          %dma_start3A_204 = tpu.memref_slice %arg11[%dma_start3A_202, %dma_start3A_203] : memref<10240x128xf32, #tpu.memory_space<vmem_shared>> -> memref<10240x128xf32, #tpu.memory_space<vmem_shared>>
          tpu.enqueue_indirect_dma source(%arg9 : memref<128x128xf32, #tpu.memory_space<vmem>>) target(%dma_start3A_204 : memref<10240x128xf32, #tpu.memory_space<vmem_shared>>) offsets(%dma_start3A_201 : memref<128xi32, #tpu.memory_space<vmem>>) semaphore(%run_scoped3A : memref<!tpu.dma_semaphore, #tpu.memory_space<semaphore_mem>>) {add = true}
          %dma_wait3A_205 = arith.constant 0 : i32
          %dma_wait3A_206 = tpu.memref_slice %arg7[%add3A_198, %dma_wait3A_205] : memref<40x128xi32, #tpu.memory_space<vmem>> -> memref<1x128xi32, #tpu.memory_space<vmem>>
          %dma_wait3A_207 = tpu.memref_squeeze %dma_wait3A_206 : memref<1x128xi32, #tpu.memory_space<vmem>> -> memref<128xi32, #tpu.memory_space<vmem>>
          %dma_wait3A_208 = arith.constant 0 : i32
          %dma_wait3A_209 = arith.constant 0 : i32
          %dma_wait3A_210 = tpu.memref_slice %arg11[%dma_wait3A_208, %dma_wait3A_209] : memref<10240x128xf32, #tpu.memory_space<vmem_shared>> -> memref<10240x128xf32, #tpu.memory_space<vmem_shared>>
          tpu.wait_indirect_dma semaphore(%run_scoped3A : memref<!tpu.dma_semaphore, #tpu.memory_space<semaphore_mem>>) src(%arg9 : memref<128x128xf32, #tpu.memory_space<vmem>>) dst(%dma_wait3A_210 : memref<10240x128xf32, #tpu.memory_space<vmem_shared>>)
          tpu.yield
        }) : () -> ()
      }
      %scan3A_147 = arith.constant 20 : i32
      %mul3A_148 = arith.constant 4 : i32
      %mul3A_149 = arith.muli %arg1, %mul3A_148 : i32
      %add3A_150 = arith.constant 3 : i32
      %add3A_151 = arith.addi %mul3A_149, %add3A_150 : i32
      %mul3A_152 = arith.constant 40 : i32
      %mul3A_153 = arith.muli %add3A_151, %mul3A_152 : i32
      "tpu.region"() ({
        %run_scoped3A = tpu.sem_alloc : memref<!tpu.dma_semaphore, #tpu.memory_space<semaphore_mem>>
        %dma_start3A_167 = arith.constant 0 : i32
        %dma_start3A_168 = tpu.memref_slice %arg3[%mul3A_153, %dma_start3A_167] : memref<2560x128xi32, #tpu.memory_space<hbm>> -> memref<40x128xi32, #tpu.memory_space<hbm>>
        %dma_start3A_169 = arith.constant 0 : i32
        %dma_start3A_170 = tpu.memref_slice %arg3[%mul3A_153, %dma_start3A_169] : memref<2560x128xi32, #tpu.memory_space<hbm>> -> memref<40x128xi32, #tpu.memory_space<hbm>>
        tpu.enqueue_dma source(%dma_start3A_170 : memref<40x128xi32, #tpu.memory_space<hbm>>) target(%arg6 : memref<40x128xi32, #tpu.memory_space<vmem>>) target_semaphore(%run_scoped3A : memref<!tpu.dma_semaphore, #tpu.memory_space<semaphore_mem>>)
        %dma_wait3A = arith.constant 0 : i32
        %dma_wait3A_171 = tpu.memref_slice %arg3[%mul3A_153, %dma_wait3A] : memref<2560x128xi32, #tpu.memory_space<hbm>> -> memref<40x128xi32, #tpu.memory_space<hbm>>
        %dma_wait3A_172 = arith.constant 0 : i32
        %dma_wait3A_173 = tpu.memref_slice %arg3[%mul3A_153, %dma_wait3A_172] : memref<2560x128xi32, #tpu.memory_space<hbm>> -> memref<40x128xi32, #tpu.memory_space<hbm>>
        tpu.wait_dma2 semaphore(%run_scoped3A : memref<!tpu.dma_semaphore, #tpu.memory_space<semaphore_mem>>) src(%dma_wait3A_173 : memref<40x128xi32, #tpu.memory_space<hbm>>) dst(%arg6 : memref<40x128xi32, #tpu.memory_space<vmem>>)
        tpu.yield
      }) : () -> ()
      "tpu.region"() ({
        %run_scoped3A = tpu.sem_alloc : memref<!tpu.dma_semaphore, #tpu.memory_space<semaphore_mem>>
        %dma_start3A_167 = arith.constant 0 : i32
        %dma_start3A_168 = tpu.memref_slice %arg4[%mul3A_153, %dma_start3A_167] : memref<2560x128xi32, #tpu.memory_space<hbm>> -> memref<40x128xi32, #tpu.memory_space<hbm>>
        %dma_start3A_169 = arith.constant 0 : i32
        %dma_start3A_170 = tpu.memref_slice %arg4[%mul3A_153, %dma_start3A_169] : memref<2560x128xi32, #tpu.memory_space<hbm>> -> memref<40x128xi32, #tpu.memory_space<hbm>>
        tpu.enqueue_dma source(%dma_start3A_170 : memref<40x128xi32, #tpu.memory_space<hbm>>) target(%arg7 : memref<40x128xi32, #tpu.memory_space<vmem>>) target_semaphore(%run_scoped3A : memref<!tpu.dma_semaphore, #tpu.memory_space<semaphore_mem>>)
        %dma_wait3A = arith.constant 0 : i32
        %dma_wait3A_171 = tpu.memref_slice %arg4[%mul3A_153, %dma_wait3A] : memref<2560x128xi32, #tpu.memory_space<hbm>> -> memref<40x128xi32, #tpu.memory_space<hbm>>
        %dma_wait3A_172 = arith.constant 0 : i32
        %dma_wait3A_173 = tpu.memref_slice %arg4[%mul3A_153, %dma_wait3A_172] : memref<2560x128xi32, #tpu.memory_space<hbm>> -> memref<40x128xi32, #tpu.memory_space<hbm>>
        tpu.wait_dma2 semaphore(%run_scoped3A : memref<!tpu.dma_semaphore, #tpu.memory_space<semaphore_mem>>) src(%dma_wait3A_173 : memref<40x128xi32, #tpu.memory_space<hbm>>) dst(%arg7 : memref<40x128xi32, #tpu.memory_space<vmem>>)
        tpu.yield
      }) : () -> ()
      %dma_start3A_154 = arith.constant 0 : i32
      %dma_start3A_155 = arith.constant 0 : i32
      %dma_start3A_156 = tpu.memref_slice %arg6[%dma_start3A_154, %dma_start3A_155] : memref<40x128xi32, #tpu.memory_space<vmem>> -> memref<1x128xi32, #tpu.memory_space<vmem>>
      %dma_start3A_157 = tpu.memref_squeeze %dma_start3A_156 : memref<1x128xi32, #tpu.memory_space<vmem>> -> memref<128xi32, #tpu.memory_space<vmem>>
      %dma_start3A_158 = arith.constant 0 : i32
      %dma_start3A_159 = arith.constant 0 : i32
      %dma_start3A_160 = tpu.memref_slice %arg2[%dma_start3A_158, %dma_start3A_159] : memref<10240x128xf32, #tpu.memory_space<hbm>> -> memref<10240x128xf32, #tpu.memory_space<hbm>>
      tpu.enqueue_indirect_dma source(%dma_start3A_160 : memref<10240x128xf32, #tpu.memory_space<hbm>>) target(%arg8 : memref<128x128xf32, #tpu.memory_space<vmem>>) offsets(%dma_start3A_157 : memref<128xi32, #tpu.memory_space<vmem>>) semaphore(%arg12 : memref<!tpu.dma_semaphore, #tpu.memory_space<semaphore_mem>>)
      %scan3A_161 = arith.constant 0 : i32
      %scan3A_162 = arith.constant 0 : i32
      %scan3A_163 = arith.constant 20 : i32
      %scan3A_164 = arith.addi %scan3A_162, %scan3A_163 : i32
      %scan3A_165 = arith.constant 1 : i32
      scf.for %scan3A_167 = %scan3A_162 to %scan3A_164 step %scan3A_165  : i32 {
        %mul3A_168 = arith.constant 2 : i32
        %mul3A_169 = arith.muli %scan3A_167, %mul3A_168 : i32
        %add3A_170 = arith.constant 1 : i32
        %add3A_171 = arith.addi %mul3A_169, %add3A_170 : i32
        %dma_start3A_172 = arith.constant 0 : i32
        %dma_start3A_173 = tpu.memref_slice %arg6[%add3A_171, %dma_start3A_172] : memref<40x128xi32, #tpu.memory_space<vmem>> -> memref<1x128xi32, #tpu.memory_space<vmem>>
        %dma_start3A_174 = tpu.memref_squeeze %dma_start3A_173 : memref<1x128xi32, #tpu.memory_space<vmem>> -> memref<128xi32, #tpu.memory_space<vmem>>
        %dma_start3A_175 = arith.constant 0 : i32
        %dma_start3A_176 = arith.constant 0 : i32
        %dma_start3A_177 = tpu.memref_slice %arg2[%dma_start3A_175, %dma_start3A_176] : memref<10240x128xf32, #tpu.memory_space<hbm>> -> memref<10240x128xf32, #tpu.memory_space<hbm>>
        tpu.enqueue_indirect_dma source(%dma_start3A_177 : memref<10240x128xf32, #tpu.memory_space<hbm>>) target(%arg9 : memref<128x128xf32, #tpu.memory_space<vmem>>) offsets(%dma_start3A_174 : memref<128xi32, #tpu.memory_space<vmem>>) semaphore(%arg13 : memref<!tpu.dma_semaphore, #tpu.memory_space<semaphore_mem>>)
        %dma_wait3A = arith.constant 0 : i32
        %dma_wait3A_178 = tpu.memref_slice %arg6[%mul3A_169, %dma_wait3A] : memref<40x128xi32, #tpu.memory_space<vmem>> -> memref<1x128xi32, #tpu.memory_space<vmem>>
        %dma_wait3A_179 = tpu.memref_squeeze %dma_wait3A_178 : memref<1x128xi32, #tpu.memory_space<vmem>> -> memref<128xi32, #tpu.memory_space<vmem>>
        %dma_wait3A_180 = arith.constant 0 : i32
        %dma_wait3A_181 = arith.constant 0 : i32
        %dma_wait3A_182 = tpu.memref_slice %arg2[%dma_wait3A_180, %dma_wait3A_181] : memref<10240x128xf32, #tpu.memory_space<hbm>> -> memref<10240x128xf32, #tpu.memory_space<hbm>>
        tpu.wait_indirect_dma semaphore(%arg12 : memref<!tpu.dma_semaphore, #tpu.memory_space<semaphore_mem>>) src(%dma_wait3A_182 : memref<10240x128xf32, #tpu.memory_space<hbm>>) dst(%arg8 : memref<128x128xf32, #tpu.memory_space<vmem>>)
        "tpu.region"() ({
          %run_scoped3A = tpu.sem_alloc : memref<!tpu.dma_semaphore, #tpu.memory_space<semaphore_mem>>
          %dma_start3A_199 = arith.constant 0 : i32
          %dma_start3A_200 = tpu.memref_slice %arg7[%mul3A_169, %dma_start3A_199] : memref<40x128xi32, #tpu.memory_space<vmem>> -> memref<1x128xi32, #tpu.memory_space<vmem>>
          %dma_start3A_201 = tpu.memref_squeeze %dma_start3A_200 : memref<1x128xi32, #tpu.memory_space<vmem>> -> memref<128xi32, #tpu.memory_space<vmem>>
          %dma_start3A_202 = arith.constant 0 : i32
          %dma_start3A_203 = arith.constant 0 : i32
          %dma_start3A_204 = tpu.memref_slice %arg11[%dma_start3A_202, %dma_start3A_203] : memref<10240x128xf32, #tpu.memory_space<vmem_shared>> -> memref<10240x128xf32, #tpu.memory_space<vmem_shared>>
          tpu.enqueue_indirect_dma source(%arg8 : memref<128x128xf32, #tpu.memory_space<vmem>>) target(%dma_start3A_204 : memref<10240x128xf32, #tpu.memory_space<vmem_shared>>) offsets(%dma_start3A_201 : memref<128xi32, #tpu.memory_space<vmem>>) semaphore(%run_scoped3A : memref<!tpu.dma_semaphore, #tpu.memory_space<semaphore_mem>>) {add = true}
          %dma_wait3A_205 = arith.constant 0 : i32
          %dma_wait3A_206 = tpu.memref_slice %arg7[%mul3A_169, %dma_wait3A_205] : memref<40x128xi32, #tpu.memory_space<vmem>> -> memref<1x128xi32, #tpu.memory_space<vmem>>
          %dma_wait3A_207 = tpu.memref_squeeze %dma_wait3A_206 : memref<1x128xi32, #tpu.memory_space<vmem>> -> memref<128xi32, #tpu.memory_space<vmem>>
          %dma_wait3A_208 = arith.constant 0 : i32
          %dma_wait3A_209 = arith.constant 0 : i32
          %dma_wait3A_210 = tpu.memref_slice %arg11[%dma_wait3A_208, %dma_wait3A_209] : memref<10240x128xf32, #tpu.memory_space<vmem_shared>> -> memref<10240x128xf32, #tpu.memory_space<vmem_shared>>
          tpu.wait_indirect_dma semaphore(%run_scoped3A : memref<!tpu.dma_semaphore, #tpu.memory_space<semaphore_mem>>) src(%arg8 : memref<128x128xf32, #tpu.memory_space<vmem>>) dst(%dma_wait3A_210 : memref<10240x128xf32, #tpu.memory_space<vmem_shared>>)
          tpu.yield
        }) : () -> ()
        %add3A_183 = arith.constant 2 : i32
        %add3A_184 = arith.addi %mul3A_169, %add3A_183 : i32
        %lt3A = arith.constant 40 : i32
        %lt3A_185 = arith.cmpi slt, %add3A_184, %lt3A : i32
        %convert_element_type3A_186 = arith.extui %lt3A_185 : i1 to i32
        %cond3A_187 = arith.constant 0 : i32
        %cond3A_188 = arith.cmpi ne, %convert_element_type3A_186, %cond3A_187 : i32
        scf.if %cond3A_188 {
          %add3A_199 = arith.constant 2 : i32
          %add3A_200 = arith.addi %mul3A_169, %add3A_199 : i32
          %dma_start3A_201 = arith.constant 0 : i32
          %dma_start3A_202 = tpu.memref_slice %arg6[%add3A_200, %dma_start3A_201] : memref<40x128xi32, #tpu.memory_space<vmem>> -> memref<1x128xi32, #tpu.memory_space<vmem>>
          %dma_start3A_203 = tpu.memref_squeeze %dma_start3A_202 : memref<1x128xi32, #tpu.memory_space<vmem>> -> memref<128xi32, #tpu.memory_space<vmem>>
          %dma_start3A_204 = arith.constant 0 : i32
          %dma_start3A_205 = arith.constant 0 : i32
          %dma_start3A_206 = tpu.memref_slice %arg2[%dma_start3A_204, %dma_start3A_205] : memref<10240x128xf32, #tpu.memory_space<hbm>> -> memref<10240x128xf32, #tpu.memory_space<hbm>>
          tpu.enqueue_indirect_dma source(%dma_start3A_206 : memref<10240x128xf32, #tpu.memory_space<hbm>>) target(%arg8 : memref<128x128xf32, #tpu.memory_space<vmem>>) offsets(%dma_start3A_203 : memref<128xi32, #tpu.memory_space<vmem>>) semaphore(%arg12 : memref<!tpu.dma_semaphore, #tpu.memory_space<semaphore_mem>>)
        } else {
        }
        %add3A_189 = arith.constant 1 : i32
        %add3A_190 = arith.addi %mul3A_169, %add3A_189 : i32
        %dma_wait3A_191 = arith.constant 0 : i32
        %dma_wait3A_192 = tpu.memref_slice %arg6[%add3A_190, %dma_wait3A_191] : memref<40x128xi32, #tpu.memory_space<vmem>> -> memref<1x128xi32, #tpu.memory_space<vmem>>
        %dma_wait3A_193 = tpu.memref_squeeze %dma_wait3A_192 : memref<1x128xi32, #tpu.memory_space<vmem>> -> memref<128xi32, #tpu.memory_space<vmem>>
        %dma_wait3A_194 = arith.constant 0 : i32
        %dma_wait3A_195 = arith.constant 0 : i32
        %dma_wait3A_196 = tpu.memref_slice %arg2[%dma_wait3A_194, %dma_wait3A_195] : memref<10240x128xf32, #tpu.memory_space<hbm>> -> memref<10240x128xf32, #tpu.memory_space<hbm>>
        tpu.wait_indirect_dma semaphore(%arg13 : memref<!tpu.dma_semaphore, #tpu.memory_space<semaphore_mem>>) src(%dma_wait3A_196 : memref<10240x128xf32, #tpu.memory_space<hbm>>) dst(%arg9 : memref<128x128xf32, #tpu.memory_space<vmem>>)
        %add3A_197 = arith.constant 1 : i32
        %add3A_198 = arith.addi %mul3A_169, %add3A_197 : i32
        "tpu.region"() ({
          %run_scoped3A = tpu.sem_alloc : memref<!tpu.dma_semaphore, #tpu.memory_space<semaphore_mem>>
          %dma_start3A_199 = arith.constant 0 : i32
          %dma_start3A_200 = tpu.memref_slice %arg7[%add3A_198, %dma_start3A_199] : memref<40x128xi32, #tpu.memory_space<vmem>> -> memref<1x128xi32, #tpu.memory_space<vmem>>
          %dma_start3A_201 = tpu.memref_squeeze %dma_start3A_200 : memref<1x128xi32, #tpu.memory_space<vmem>> -> memref<128xi32, #tpu.memory_space<vmem>>
          %dma_start3A_202 = arith.constant 0 : i32
          %dma_start3A_203 = arith.constant 0 : i32
          %dma_start3A_204 = tpu.memref_slice %arg11[%dma_start3A_202, %dma_start3A_203] : memref<10240x128xf32, #tpu.memory_space<vmem_shared>> -> memref<10240x128xf32, #tpu.memory_space<vmem_shared>>
          tpu.enqueue_indirect_dma source(%arg9 : memref<128x128xf32, #tpu.memory_space<vmem>>) target(%dma_start3A_204 : memref<10240x128xf32, #tpu.memory_space<vmem_shared>>) offsets(%dma_start3A_201 : memref<128xi32, #tpu.memory_space<vmem>>) semaphore(%run_scoped3A : memref<!tpu.dma_semaphore, #tpu.memory_space<semaphore_mem>>) {add = true}
          %dma_wait3A_205 = arith.constant 0 : i32
          %dma_wait3A_206 = tpu.memref_slice %arg7[%add3A_198, %dma_wait3A_205] : memref<40x128xi32, #tpu.memory_space<vmem>> -> memref<1x128xi32, #tpu.memory_space<vmem>>
          %dma_wait3A_207 = tpu.memref_squeeze %dma_wait3A_206 : memref<1x128xi32, #tpu.memory_space<vmem>> -> memref<128xi32, #tpu.memory_space<vmem>>
          %dma_wait3A_208 = arith.constant 0 : i32
          %dma_wait3A_209 = arith.constant 0 : i32
          %dma_wait3A_210 = tpu.memref_slice %arg11[%dma_wait3A_208, %dma_wait3A_209] : memref<10240x128xf32, #tpu.memory_space<vmem_shared>> -> memref<10240x128xf32, #tpu.memory_space<vmem_shared>>
          tpu.wait_indirect_dma semaphore(%run_scoped3A : memref<!tpu.dma_semaphore, #tpu.memory_space<semaphore_mem>>) src(%arg9 : memref<128x128xf32, #tpu.memory_space<vmem>>) dst(%dma_wait3A_210 : memref<10240x128xf32, #tpu.memory_space<vmem_shared>>)
          tpu.yield
        }) : () -> ()
      }
      %scan3A_166 = arith.constant 20 : i32
    } else {
    }
    %barrier3A_51 = arith.constant 0 : index
    tpu.barrier barrier_id(%barrier3A_51)
    %add3A_52 = arith.constant 0 : i32
    %add3A_53 = arith.addi %mul3A_8, %add3A_52 : i32
    "tpu.region"() ({
      %run_scoped3A = tpu.sem_alloc : memref<!tpu.dma_semaphore, #tpu.memory_space<semaphore_mem>>
      %dma_start3A = arith.constant 0 : i32
      %dma_start3A_92 = tpu.memref_slice %arg11[%add3A_53, %dma_start3A] : memref<10240x128xf32, #tpu.memory_space<vmem_shared>> -> memref<32x128xf32, #tpu.memory_space<vmem_shared>>
      %dma_start3A_93 = arith.constant 0 : i32
      %dma_start3A_94 = tpu.memref_slice %arg11[%add3A_53, %dma_start3A_93] : memref<10240x128xf32, #tpu.memory_space<vmem_shared>> -> memref<32x128xf32, #tpu.memory_space<vmem_shared>>
      tpu.enqueue_dma source(%dma_start3A_94 : memref<32x128xf32, #tpu.memory_space<vmem_shared>>) target(%arg10 : memref<32x128xf32, #tpu.memory_space<vmem>>) target_semaphore(%run_scoped3A : memref<!tpu.dma_semaphore, #tpu.memory_space<semaphore_mem>>)
      %dma_wait3A = arith.constant 0 : i32
      %dma_wait3A_95 = tpu.memref_slice %arg11[%add3A_53, %dma_wait3A] : memref<10240x128xf32, #tpu.memory_space<vmem_shared>> -> memref<32x128xf32, #tpu.memory_space<vmem_shared>>
      %dma_wait3A_96 = arith.constant 0 : i32
      %dma_wait3A_97 = tpu.memref_slice %arg11[%add3A_53, %dma_wait3A_96] : memref<10240x128xf32, #tpu.memory_space<vmem_shared>> -> memref<32x128xf32, #tpu.memory_space<vmem_shared>>
      tpu.wait_dma2 semaphore(%run_scoped3A : memref<!tpu.dma_semaphore, #tpu.memory_space<semaphore_mem>>) src(%dma_wait3A_97 : memref<32x128xf32, #tpu.memory_space<vmem_shared>>) dst(%arg10 : memref<32x128xf32, #tpu.memory_space<vmem>>)
      tpu.yield
    }) : () -> ()
    "tpu.region"() ({
      %run_scoped3A = tpu.sem_alloc : memref<!tpu.dma_semaphore, #tpu.memory_space<semaphore_mem>>
      %dma_start3A = arith.constant 0 : i32
      %dma_start3A_92 = tpu.memref_slice %arg5[%arg0, %add3A_53, %dma_start3A] : memref<2x10240x128xf32, #tpu.memory_space<hbm>> -> memref<1x32x128xf32, #tpu.memory_space<hbm>>
      %dma_start3A_93 = tpu.memref_squeeze %dma_start3A_92 : memref<1x32x128xf32, #tpu.memory_space<hbm>> -> memref<32x128xf32, #tpu.memory_space<hbm>>
      %dma_start3A_94 = arith.constant 0 : i32
      %dma_start3A_95 = tpu.memref_slice %arg5[%arg0, %add3A_53, %dma_start3A_94] : memref<2x10240x128xf32, #tpu.memory_space<hbm>> -> memref<1x32x128xf32, #tpu.memory_space<hbm>>
      %dma_start3A_96 = tpu.memref_squeeze %dma_start3A_95 : memref<1x32x128xf32, #tpu.memory_space<hbm>> -> memref<32x128xf32, #tpu.memory_space<hbm>>
      tpu.enqueue_dma source(%arg10 : memref<32x128xf32, #tpu.memory_space<vmem>>) target(%dma_start3A_96 : memref<32x128xf32, #tpu.memory_space<hbm>>) target_semaphore(%run_scoped3A : memref<!tpu.dma_semaphore, #tpu.memory_space<semaphore_mem>>)
      %dma_wait3A = arith.constant 0 : i32
      %dma_wait3A_97 = tpu.memref_slice %arg5[%arg0, %add3A_53, %dma_wait3A] : memref<2x10240x128xf32, #tpu.memory_space<hbm>> -> memref<1x32x128xf32, #tpu.memory_space<hbm>>
      %dma_wait3A_98 = tpu.memref_squeeze %dma_wait3A_97 : memref<1x32x128xf32, #tpu.memory_space<hbm>> -> memref<32x128xf32, #tpu.memory_space<hbm>>
      %dma_wait3A_99 = arith.constant 0 : i32
      %dma_wait3A_100 = tpu.memref_slice %arg5[%arg0, %add3A_53, %dma_wait3A_99] : memref<2x10240x128xf32, #tpu.memory_space<hbm>> -> memref<1x32x128xf32, #tpu.memory_space<hbm>>
      %dma_wait3A_101 = tpu.memref_squeeze %dma_wait3A_100 : memref<1x32x128xf32, #tpu.memory_space<hbm>> -> memref<32x128xf32, #tpu.memory_space<hbm>>
      tpu.wait_dma2 semaphore(%run_scoped3A : memref<!tpu.dma_semaphore, #tpu.memory_space<semaphore_mem>>) src(%arg10 : memref<32x128xf32, #tpu.memory_space<vmem>>) dst(%dma_wait3A_101 : memref<32x128xf32, #tpu.memory_space<hbm>>)
      tpu.yield
    }) : () -> ()
    %add3A_54 = arith.constant 32 : i32
    %add3A_55 = arith.addi %mul3A_8, %add3A_54 : i32
    "tpu.region"() ({
      %run_scoped3A = tpu.sem_alloc : memref<!tpu.dma_semaphore, #tpu.memory_space<semaphore_mem>>
      %dma_start3A = arith.constant 0 : i32
      %dma_start3A_92 = tpu.memref_slice %arg11[%add3A_55, %dma_start3A] : memref<10240x128xf32, #tpu.memory_space<vmem_shared>> -> memref<32x128xf32, #tpu.memory_space<vmem_shared>>
      %dma_start3A_93 = arith.constant 0 : i32
      %dma_start3A_94 = tpu.memref_slice %arg11[%add3A_55, %dma_start3A_93] : memref<10240x128xf32, #tpu.memory_space<vmem_shared>> -> memref<32x128xf32, #tpu.memory_space<vmem_shared>>
      tpu.enqueue_dma source(%dma_start3A_94 : memref<32x128xf32, #tpu.memory_space<vmem_shared>>) target(%arg10 : memref<32x128xf32, #tpu.memory_space<vmem>>) target_semaphore(%run_scoped3A : memref<!tpu.dma_semaphore, #tpu.memory_space<semaphore_mem>>)
      %dma_wait3A = arith.constant 0 : i32
      %dma_wait3A_95 = tpu.memref_slice %arg11[%add3A_55, %dma_wait3A] : memref<10240x128xf32, #tpu.memory_space<vmem_shared>> -> memref<32x128xf32, #tpu.memory_space<vmem_shared>>
      %dma_wait3A_96 = arith.constant 0 : i32
      %dma_wait3A_97 = tpu.memref_slice %arg11[%add3A_55, %dma_wait3A_96] : memref<10240x128xf32, #tpu.memory_space<vmem_shared>> -> memref<32x128xf32, #tpu.memory_space<vmem_shared>>
      tpu.wait_dma2 semaphore(%run_scoped3A : memref<!tpu.dma_semaphore, #tpu.memory_space<semaphore_mem>>) src(%dma_wait3A_97 : memref<32x128xf32, #tpu.memory_space<vmem_shared>>) dst(%arg10 : memref<32x128xf32, #tpu.memory_space<vmem>>)
      tpu.yield
    }) : () -> ()
    "tpu.region"() ({
      %run_scoped3A = tpu.sem_alloc : memref<!tpu.dma_semaphore, #tpu.memory_space<semaphore_mem>>
      %dma_start3A = arith.constant 0 : i32
      %dma_start3A_92 = tpu.memref_slice %arg5[%arg0, %add3A_55, %dma_start3A] : memref<2x10240x128xf32, #tpu.memory_space<hbm>> -> memref<1x32x128xf32, #tpu.memory_space<hbm>>
      %dma_start3A_93 = tpu.memref_squeeze %dma_start3A_92 : memref<1x32x128xf32, #tpu.memory_space<hbm>> -> memref<32x128xf32, #tpu.memory_space<hbm>>
      %dma_start3A_94 = arith.constant 0 : i32
      %dma_start3A_95 = tpu.memref_slice %arg5[%arg0, %add3A_55, %dma_start3A_94] : memref<2x10240x128xf32, #tpu.memory_space<hbm>> -> memref<1x32x128xf32, #tpu.memory_space<hbm>>
      %dma_start3A_96 = tpu.memref_squeeze %dma_start3A_95 : memref<1x32x128xf32, #tpu.memory_space<hbm>> -> memref<32x128xf32, #tpu.memory_space<hbm>>
      tpu.enqueue_dma source(%arg10 : memref<32x128xf32, #tpu.memory_space<vmem>>) target(%dma_start3A_96 : memref<32x128xf32, #tpu.memory_space<hbm>>) target_semaphore(%run_scoped3A : memref<!tpu.dma_semaphore, #tpu.memory_space<semaphore_mem>>)
      %dma_wait3A = arith.constant 0 : i32
      %dma_wait3A_97 = tpu.memref_slice %arg5[%arg0, %add3A_55, %dma_wait3A] : memref<2x10240x128xf32, #tpu.memory_space<hbm>> -> memref<1x32x128xf32, #tpu.memory_space<hbm>>
      %dma_wait3A_98 = tpu.memref_squeeze %dma_wait3A_97 : memref<1x32x128xf32, #tpu.memory_space<hbm>> -> memref<32x128xf32, #tpu.memory_space<hbm>>
      %dma_wait3A_99 = arith.constant 0 : i32
      %dma_wait3A_100 = tpu.memref_slice %arg5[%arg0, %add3A_55, %dma_wait3A_99] : memref<2x10240x128xf32, #tpu.memory_space<hbm>> -> memref<1x32x128xf32, #tpu.memory_space<hbm>>
      %dma_wait3A_101 = tpu.memref_squeeze %dma_wait3A_100 : memref<1x32x128xf32, #tpu.memory_space<hbm>> -> memref<32x128xf32, #tpu.memory_space<hbm>>
      tpu.wait_dma2 semaphore(%run_scoped3A : memref<!tpu.dma_semaphore, #tpu.memory_space<semaphore_mem>>) src(%arg10 : memref<32x128xf32, #tpu.memory_space<vmem>>) dst(%dma_wait3A_101 : memref<32x128xf32, #tpu.memory_space<hbm>>)
      tpu.yield
    }) : () -> ()
    %add3A_56 = arith.constant 64 : i32
    %add3A_57 = arith.addi %mul3A_8, %add3A_56 : i32
    "tpu.region"() ({
      %run_scoped3A = tpu.sem_alloc : memref<!tpu.dma_semaphore, #tpu.memory_space<semaphore_mem>>
      %dma_start3A = arith.constant 0 : i32
      %dma_start3A_92 = tpu.memref_slice %arg11[%add3A_57, %dma_start3A] : memref<10240x128xf32, #tpu.memory_space<vmem_shared>> -> memref<32x128xf32, #tpu.memory_space<vmem_shared>>
      %dma_start3A_93 = arith.constant 0 : i32
      %dma_start3A_94 = tpu.memref_slice %arg11[%add3A_57, %dma_start3A_93] : memref<10240x128xf32, #tpu.memory_space<vmem_shared>> -> memref<32x128xf32, #tpu.memory_space<vmem_shared>>
      tpu.enqueue_dma source(%dma_start3A_94 : memref<32x128xf32, #tpu.memory_space<vmem_shared>>) target(%arg10 : memref<32x128xf32, #tpu.memory_space<vmem>>) target_semaphore(%run_scoped3A : memref<!tpu.dma_semaphore, #tpu.memory_space<semaphore_mem>>)
      %dma_wait3A = arith.constant 0 : i32
      %dma_wait3A_95 = tpu.memref_slice %arg11[%add3A_57, %dma_wait3A] : memref<10240x128xf32, #tpu.memory_space<vmem_shared>> -> memref<32x128xf32, #tpu.memory_space<vmem_shared>>
      %dma_wait3A_96 = arith.constant 0 : i32
      %dma_wait3A_97 = tpu.memref_slice %arg11[%add3A_57, %dma_wait3A_96] : memref<10240x128xf32, #tpu.memory_space<vmem_shared>> -> memref<32x128xf32, #tpu.memory_space<vmem_shared>>
      tpu.wait_dma2 semaphore(%run_scoped3A : memref<!tpu.dma_semaphore, #tpu.memory_space<semaphore_mem>>) src(%dma_wait3A_97 : memref<32x128xf32, #tpu.memory_space<vmem_shared>>) dst(%arg10 : memref<32x128xf32, #tpu.memory_space<vmem>>)
      tpu.yield
    }) : () -> ()
    "tpu.region"() ({
      %run_scoped3A = tpu.sem_alloc : memref<!tpu.dma_semaphore, #tpu.memory_space<semaphore_mem>>
      %dma_start3A = arith.constant 0 : i32
      %dma_start3A_92 = tpu.memref_slice %arg5[%arg0, %add3A_57, %dma_start3A] : memref<2x10240x128xf32, #tpu.memory_space<hbm>> -> memref<1x32x128xf32, #tpu.memory_space<hbm>>
      %dma_start3A_93 = tpu.memref_squeeze %dma_start3A_92 : memref<1x32x128xf32, #tpu.memory_space<hbm>> -> memref<32x128xf32, #tpu.memory_space<hbm>>
      %dma_start3A_94 = arith.constant 0 : i32
      %dma_start3A_95 = tpu.memref_slice %arg5[%arg0, %add3A_57, %dma_start3A_94] : memref<2x10240x128xf32, #tpu.memory_space<hbm>> -> memref<1x32x128xf32, #tpu.memory_space<hbm>>
      %dma_start3A_96 = tpu.memref_squeeze %dma_start3A_95 : memref<1x32x128xf32, #tpu.memory_space<hbm>> -> memref<32x128xf32, #tpu.memory_space<hbm>>
      tpu.enqueue_dma source(%arg10 : memref<32x128xf32, #tpu.memory_space<vmem>>) target(%dma_start3A_96 : memref<32x128xf32, #tpu.memory_space<hbm>>) target_semaphore(%run_scoped3A : memref<!tpu.dma_semaphore, #tpu.memory_space<semaphore_mem>>)
      %dma_wait3A = arith.constant 0 : i32
      %dma_wait3A_97 = tpu.memref_slice %arg5[%arg0, %add3A_57, %dma_wait3A] : memref<2x10240x128xf32, #tpu.memory_space<hbm>> -> memref<1x32x128xf32, #tpu.memory_space<hbm>>
      %dma_wait3A_98 = tpu.memref_squeeze %dma_wait3A_97 : memref<1x32x128xf32, #tpu.memory_space<hbm>> -> memref<32x128xf32, #tpu.memory_space<hbm>>
      %dma_wait3A_99 = arith.constant 0 : i32
      %dma_wait3A_100 = tpu.memref_slice %arg5[%arg0, %add3A_57, %dma_wait3A_99] : memref<2x10240x128xf32, #tpu.memory_space<hbm>> -> memref<1x32x128xf32, #tpu.memory_space<hbm>>
      %dma_wait3A_101 = tpu.memref_squeeze %dma_wait3A_100 : memref<1x32x128xf32, #tpu.memory_space<hbm>> -> memref<32x128xf32, #tpu.memory_space<hbm>>
      tpu.wait_dma2 semaphore(%run_scoped3A : memref<!tpu.dma_semaphore, #tpu.memory_space<semaphore_mem>>) src(%arg10 : memref<32x128xf32, #tpu.memory_space<vmem>>) dst(%dma_wait3A_101 : memref<32x128xf32, #tpu.memory_space<hbm>>)
      tpu.yield
    }) : () -> ()
    %add3A_58 = arith.constant 96 : i32
    %add3A_59 = arith.addi %mul3A_8, %add3A_58 : i32
    "tpu.region"() ({
      %run_scoped3A = tpu.sem_alloc : memref<!tpu.dma_semaphore, #tpu.memory_space<semaphore_mem>>
      %dma_start3A = arith.constant 0 : i32
      %dma_start3A_92 = tpu.memref_slice %arg11[%add3A_59, %dma_start3A] : memref<10240x128xf32, #tpu.memory_space<vmem_shared>> -> memref<32x128xf32, #tpu.memory_space<vmem_shared>>
      %dma_start3A_93 = arith.constant 0 : i32
      %dma_start3A_94 = tpu.memref_slice %arg11[%add3A_59, %dma_start3A_93] : memref<10240x128xf32, #tpu.memory_space<vmem_shared>> -> memref<32x128xf32, #tpu.memory_space<vmem_shared>>
      tpu.enqueue_dma source(%dma_start3A_94 : memref<32x128xf32, #tpu.memory_space<vmem_shared>>) target(%arg10 : memref<32x128xf32, #tpu.memory_space<vmem>>) target_semaphore(%run_scoped3A : memref<!tpu.dma_semaphore, #tpu.memory_space<semaphore_mem>>)
      %dma_wait3A = arith.constant 0 : i32
      %dma_wait3A_95 = tpu.memref_slice %arg11[%add3A_59, %dma_wait3A] : memref<10240x128xf32, #tpu.memory_space<vmem_shared>> -> memref<32x128xf32, #tpu.memory_space<vmem_shared>>
      %dma_wait3A_96 = arith.constant 0 : i32
      %dma_wait3A_97 = tpu.memref_slice %arg11[%add3A_59, %dma_wait3A_96] : memref<10240x128xf32, #tpu.memory_space<vmem_shared>> -> memref<32x128xf32, #tpu.memory_space<vmem_shared>>
      tpu.wait_dma2 semaphore(%run_scoped3A : memref<!tpu.dma_semaphore, #tpu.memory_space<semaphore_mem>>) src(%dma_wait3A_97 : memref<32x128xf32, #tpu.memory_space<vmem_shared>>) dst(%arg10 : memref<32x128xf32, #tpu.memory_space<vmem>>)
      tpu.yield
    }) : () -> ()
    "tpu.region"() ({
      %run_scoped3A = tpu.sem_alloc : memref<!tpu.dma_semaphore, #tpu.memory_space<semaphore_mem>>
      %dma_start3A = arith.constant 0 : i32
      %dma_start3A_92 = tpu.memref_slice %arg5[%arg0, %add3A_59, %dma_start3A] : memref<2x10240x128xf32, #tpu.memory_space<hbm>> -> memref<1x32x128xf32, #tpu.memory_space<hbm>>
      %dma_start3A_93 = tpu.memref_squeeze %dma_start3A_92 : memref<1x32x128xf32, #tpu.memory_space<hbm>> -> memref<32x128xf32, #tpu.memory_space<hbm>>
      %dma_start3A_94 = arith.constant 0 : i32
      %dma_start3A_95 = tpu.memref_slice %arg5[%arg0, %add3A_59, %dma_start3A_94] : memref<2x10240x128xf32, #tpu.memory_space<hbm>> -> memref<1x32x128xf32, #tpu.memory_space<hbm>>
      %dma_start3A_96 = tpu.memref_squeeze %dma_start3A_95 : memref<1x32x128xf32, #tpu.memory_space<hbm>> -> memref<32x128xf32, #tpu.memory_space<hbm>>
      tpu.enqueue_dma source(%arg10 : memref<32x128xf32, #tpu.memory_space<vmem>>) target(%dma_start3A_96 : memref<32x128xf32, #tpu.memory_space<hbm>>) target_semaphore(%run_scoped3A : memref<!tpu.dma_semaphore, #tpu.memory_space<semaphore_mem>>)
      %dma_wait3A = arith.constant 0 : i32
      %dma_wait3A_97 = tpu.memref_slice %arg5[%arg0, %add3A_59, %dma_wait3A] : memref<2x10240x128xf32, #tpu.memory_space<hbm>> -> memref<1x32x128xf32, #tpu.memory_space<hbm>>
      %dma_wait3A_98 = tpu.memref_squeeze %dma_wait3A_97 : memref<1x32x128xf32, #tpu.memory_space<hbm>> -> memref<32x128xf32, #tpu.memory_space<hbm>>
      %dma_wait3A_99 = arith.constant 0 : i32
      %dma_wait3A_100 = tpu.memref_slice %arg5[%arg0, %add3A_59, %dma_wait3A_99] : memref<2x10240x128xf32, #tpu.memory_space<hbm>> -> memref<1x32x128xf32, #tpu.memory_space<hbm>>
      %dma_wait3A_101 = tpu.memref_squeeze %dma_wait3A_100 : memref<1x32x128xf32, #tpu.memory_space<hbm>> -> memref<32x128xf32, #tpu.memory_space<hbm>>
      tpu.wait_dma2 semaphore(%run_scoped3A : memref<!tpu.dma_semaphore, #tpu.memory_space<semaphore_mem>>) src(%arg10 : memref<32x128xf32, #tpu.memory_space<vmem>>) dst(%dma_wait3A_101 : memref<32x128xf32, #tpu.memory_space<hbm>>)
      tpu.yield
    }) : () -> ()
    %add3A_60 = arith.constant 128 : i32
    %add3A_61 = arith.addi %mul3A_8, %add3A_60 : i32
    "tpu.region"() ({
      %run_scoped3A = tpu.sem_alloc : memref<!tpu.dma_semaphore, #tpu.memory_space<semaphore_mem>>
      %dma_start3A = arith.constant 0 : i32
      %dma_start3A_92 = tpu.memref_slice %arg11[%add3A_61, %dma_start3A] : memref<10240x128xf32, #tpu.memory_space<vmem_shared>> -> memref<32x128xf32, #tpu.memory_space<vmem_shared>>
      %dma_start3A_93 = arith.constant 0 : i32
      %dma_start3A_94 = tpu.memref_slice %arg11[%add3A_61, %dma_start3A_93] : memref<10240x128xf32, #tpu.memory_space<vmem_shared>> -> memref<32x128xf32, #tpu.memory_space<vmem_shared>>
      tpu.enqueue_dma source(%dma_start3A_94 : memref<32x128xf32, #tpu.memory_space<vmem_shared>>) target(%arg10 : memref<32x128xf32, #tpu.memory_space<vmem>>) target_semaphore(%run_scoped3A : memref<!tpu.dma_semaphore, #tpu.memory_space<semaphore_mem>>)
      %dma_wait3A = arith.constant 0 : i32
      %dma_wait3A_95 = tpu.memref_slice %arg11[%add3A_61, %dma_wait3A] : memref<10240x128xf32, #tpu.memory_space<vmem_shared>> -> memref<32x128xf32, #tpu.memory_space<vmem_shared>>
      %dma_wait3A_96 = arith.constant 0 : i32
      %dma_wait3A_97 = tpu.memref_slice %arg11[%add3A_61, %dma_wait3A_96] : memref<10240x128xf32, #tpu.memory_space<vmem_shared>> -> memref<32x128xf32, #tpu.memory_space<vmem_shared>>
      tpu.wait_dma2 semaphore(%run_scoped3A : memref<!tpu.dma_semaphore, #tpu.memory_space<semaphore_mem>>) src(%dma_wait3A_97 : memref<32x128xf32, #tpu.memory_space<vmem_shared>>) dst(%arg10 : memref<32x128xf32, #tpu.memory_space<vmem>>)
      tpu.yield
    }) : () -> ()
    "tpu.region"() ({
      %run_scoped3A = tpu.sem_alloc : memref<!tpu.dma_semaphore, #tpu.memory_space<semaphore_mem>>
      %dma_start3A = arith.constant 0 : i32
      %dma_start3A_92 = tpu.memref_slice %arg5[%arg0, %add3A_61, %dma_start3A] : memref<2x10240x128xf32, #tpu.memory_space<hbm>> -> memref<1x32x128xf32, #tpu.memory_space<hbm>>
      %dma_start3A_93 = tpu.memref_squeeze %dma_start3A_92 : memref<1x32x128xf32, #tpu.memory_space<hbm>> -> memref<32x128xf32, #tpu.memory_space<hbm>>
      %dma_start3A_94 = arith.constant 0 : i32
      %dma_start3A_95 = tpu.memref_slice %arg5[%arg0, %add3A_61, %dma_start3A_94] : memref<2x10240x128xf32, #tpu.memory_space<hbm>> -> memref<1x32x128xf32, #tpu.memory_space<hbm>>
      %dma_start3A_96 = tpu.memref_squeeze %dma_start3A_95 : memref<1x32x128xf32, #tpu.memory_space<hbm>> -> memref<32x128xf32, #tpu.memory_space<hbm>>
      tpu.enqueue_dma source(%arg10 : memref<32x128xf32, #tpu.memory_space<vmem>>) target(%dma_start3A_96 : memref<32x128xf32, #tpu.memory_space<hbm>>) target_semaphore(%run_scoped3A : memref<!tpu.dma_semaphore, #tpu.memory_space<semaphore_mem>>)
      %dma_wait3A = arith.constant 0 : i32
      %dma_wait3A_97 = tpu.memref_slice %arg5[%arg0, %add3A_61, %dma_wait3A] : memref<2x10240x128xf32, #tpu.memory_space<hbm>> -> memref<1x32x128xf32, #tpu.memory_space<hbm>>
      %dma_wait3A_98 = tpu.memref_squeeze %dma_wait3A_97 : memref<1x32x128xf32, #tpu.memory_space<hbm>> -> memref<32x128xf32, #tpu.memory_space<hbm>>
      %dma_wait3A_99 = arith.constant 0 : i32
      %dma_wait3A_100 = tpu.memref_slice %arg5[%arg0, %add3A_61, %dma_wait3A_99] : memref<2x10240x128xf32, #tpu.memory_space<hbm>> -> memref<1x32x128xf32, #tpu.memory_space<hbm>>
      %dma_wait3A_101 = tpu.memref_squeeze %dma_wait3A_100 : memref<1x32x128xf32, #tpu.memory_space<hbm>> -> memref<32x128xf32, #tpu.memory_space<hbm>>
      tpu.wait_dma2 semaphore(%run_scoped3A : memref<!tpu.dma_semaphore, #tpu.memory_space<semaphore_mem>>) src(%arg10 : memref<32x128xf32, #tpu.memory_space<vmem>>) dst(%dma_wait3A_101 : memref<32x128xf32, #tpu.memory_space<hbm>>)
      tpu.yield
    }) : () -> ()
    %add3A_62 = arith.constant 160 : i32
    %add3A_63 = arith.addi %mul3A_8, %add3A_62 : i32
    "tpu.region"() ({
      %run_scoped3A = tpu.sem_alloc : memref<!tpu.dma_semaphore, #tpu.memory_space<semaphore_mem>>
      %dma_start3A = arith.constant 0 : i32
      %dma_start3A_92 = tpu.memref_slice %arg11[%add3A_63, %dma_start3A] : memref<10240x128xf32, #tpu.memory_space<vmem_shared>> -> memref<32x128xf32, #tpu.memory_space<vmem_shared>>
      %dma_start3A_93 = arith.constant 0 : i32
      %dma_start3A_94 = tpu.memref_slice %arg11[%add3A_63, %dma_start3A_93] : memref<10240x128xf32, #tpu.memory_space<vmem_shared>> -> memref<32x128xf32, #tpu.memory_space<vmem_shared>>
      tpu.enqueue_dma source(%dma_start3A_94 : memref<32x128xf32, #tpu.memory_space<vmem_shared>>) target(%arg10 : memref<32x128xf32, #tpu.memory_space<vmem>>) target_semaphore(%run_scoped3A : memref<!tpu.dma_semaphore, #tpu.memory_space<semaphore_mem>>)
      %dma_wait3A = arith.constant 0 : i32
      %dma_wait3A_95 = tpu.memref_slice %arg11[%add3A_63, %dma_wait3A] : memref<10240x128xf32, #tpu.memory_space<vmem_shared>> -> memref<32x128xf32, #tpu.memory_space<vmem_shared>>
      %dma_wait3A_96 = arith.constant 0 : i32
      %dma_wait3A_97 = tpu.memref_slice %arg11[%add3A_63, %dma_wait3A_96] : memref<10240x128xf32, #tpu.memory_space<vmem_shared>> -> memref<32x128xf32, #tpu.memory_space<vmem_shared>>
      tpu.wait_dma2 semaphore(%run_scoped3A : memref<!tpu.dma_semaphore, #tpu.memory_space<semaphore_mem>>) src(%dma_wait3A_97 : memref<32x128xf32, #tpu.memory_space<vmem_shared>>) dst(%arg10 : memref<32x128xf32, #tpu.memory_space<vmem>>)
      tpu.yield
    }) : () -> ()
    "tpu.region"() ({
      %run_scoped3A = tpu.sem_alloc : memref<!tpu.dma_semaphore, #tpu.memory_space<semaphore_mem>>
      %dma_start3A = arith.constant 0 : i32
      %dma_start3A_92 = tpu.memref_slice %arg5[%arg0, %add3A_63, %dma_start3A] : memref<2x10240x128xf32, #tpu.memory_space<hbm>> -> memref<1x32x128xf32, #tpu.memory_space<hbm>>
      %dma_start3A_93 = tpu.memref_squeeze %dma_start3A_92 : memref<1x32x128xf32, #tpu.memory_space<hbm>> -> memref<32x128xf32, #tpu.memory_space<hbm>>
      %dma_start3A_94 = arith.constant 0 : i32
      %dma_start3A_95 = tpu.memref_slice %arg5[%arg0, %add3A_63, %dma_start3A_94] : memref<2x10240x128xf32, #tpu.memory_space<hbm>> -> memref<1x32x128xf32, #tpu.memory_space<hbm>>
      %dma_start3A_96 = tpu.memref_squeeze %dma_start3A_95 : memref<1x32x128xf32, #tpu.memory_space<hbm>> -> memref<32x128xf32, #tpu.memory_space<hbm>>
      tpu.enqueue_dma source(%arg10 : memref<32x128xf32, #tpu.memory_space<vmem>>) target(%dma_start3A_96 : memref<32x128xf32, #tpu.memory_space<hbm>>) target_semaphore(%run_scoped3A : memref<!tpu.dma_semaphore, #tpu.memory_space<semaphore_mem>>)
      %dma_wait3A = arith.constant 0 : i32
      %dma_wait3A_97 = tpu.memref_slice %arg5[%arg0, %add3A_63, %dma_wait3A] : memref<2x10240x128xf32, #tpu.memory_space<hbm>> -> memref<1x32x128xf32, #tpu.memory_space<hbm>>
      %dma_wait3A_98 = tpu.memref_squeeze %dma_wait3A_97 : memref<1x32x128xf32, #tpu.memory_space<hbm>> -> memref<32x128xf32, #tpu.memory_space<hbm>>
      %dma_wait3A_99 = arith.constant 0 : i32
      %dma_wait3A_100 = tpu.memref_slice %arg5[%arg0, %add3A_63, %dma_wait3A_99] : memref<2x10240x128xf32, #tpu.memory_space<hbm>> -> memref<1x32x128xf32, #tpu.memory_space<hbm>>
      %dma_wait3A_101 = tpu.memref_squeeze %dma_wait3A_100 : memref<1x32x128xf32, #tpu.memory_space<hbm>> -> memref<32x128xf32, #tpu.memory_space<hbm>>
      tpu.wait_dma2 semaphore(%run_scoped3A : memref<!tpu.dma_semaphore, #tpu.memory_space<semaphore_mem>>) src(%arg10 : memref<32x128xf32, #tpu.memory_space<vmem>>) dst(%dma_wait3A_101 : memref<32x128xf32, #tpu.memory_space<hbm>>)
      tpu.yield
    }) : () -> ()
    %add3A_64 = arith.constant 192 : i32
    %add3A_65 = arith.addi %mul3A_8, %add3A_64 : i32
    "tpu.region"() ({
      %run_scoped3A = tpu.sem_alloc : memref<!tpu.dma_semaphore, #tpu.memory_space<semaphore_mem>>
      %dma_start3A = arith.constant 0 : i32
      %dma_start3A_92 = tpu.memref_slice %arg11[%add3A_65, %dma_start3A] : memref<10240x128xf32, #tpu.memory_space<vmem_shared>> -> memref<32x128xf32, #tpu.memory_space<vmem_shared>>
      %dma_start3A_93 = arith.constant 0 : i32
      %dma_start3A_94 = tpu.memref_slice %arg11[%add3A_65, %dma_start3A_93] : memref<10240x128xf32, #tpu.memory_space<vmem_shared>> -> memref<32x128xf32, #tpu.memory_space<vmem_shared>>
      tpu.enqueue_dma source(%dma_start3A_94 : memref<32x128xf32, #tpu.memory_space<vmem_shared>>) target(%arg10 : memref<32x128xf32, #tpu.memory_space<vmem>>) target_semaphore(%run_scoped3A : memref<!tpu.dma_semaphore, #tpu.memory_space<semaphore_mem>>)
      %dma_wait3A = arith.constant 0 : i32
      %dma_wait3A_95 = tpu.memref_slice %arg11[%add3A_65, %dma_wait3A] : memref<10240x128xf32, #tpu.memory_space<vmem_shared>> -> memref<32x128xf32, #tpu.memory_space<vmem_shared>>
      %dma_wait3A_96 = arith.constant 0 : i32
      %dma_wait3A_97 = tpu.memref_slice %arg11[%add3A_65, %dma_wait3A_96] : memref<10240x128xf32, #tpu.memory_space<vmem_shared>> -> memref<32x128xf32, #tpu.memory_space<vmem_shared>>
      tpu.wait_dma2 semaphore(%run_scoped3A : memref<!tpu.dma_semaphore, #tpu.memory_space<semaphore_mem>>) src(%dma_wait3A_97 : memref<32x128xf32, #tpu.memory_space<vmem_shared>>) dst(%arg10 : memref<32x128xf32, #tpu.memory_space<vmem>>)
      tpu.yield
    }) : () -> ()
    "tpu.region"() ({
      %run_scoped3A = tpu.sem_alloc : memref<!tpu.dma_semaphore, #tpu.memory_space<semaphore_mem>>
      %dma_start3A = arith.constant 0 : i32
      %dma_start3A_92 = tpu.memref_slice %arg5[%arg0, %add3A_65, %dma_start3A] : memref<2x10240x128xf32, #tpu.memory_space<hbm>> -> memref<1x32x128xf32, #tpu.memory_space<hbm>>
      %dma_start3A_93 = tpu.memref_squeeze %dma_start3A_92 : memref<1x32x128xf32, #tpu.memory_space<hbm>> -> memref<32x128xf32, #tpu.memory_space<hbm>>
      %dma_start3A_94 = arith.constant 0 : i32
      %dma_start3A_95 = tpu.memref_slice %arg5[%arg0, %add3A_65, %dma_start3A_94] : memref<2x10240x128xf32, #tpu.memory_space<hbm>> -> memref<1x32x128xf32, #tpu.memory_space<hbm>>
      %dma_start3A_96 = tpu.memref_squeeze %dma_start3A_95 : memref<1x32x128xf32, #tpu.memory_space<hbm>> -> memref<32x128xf32, #tpu.memory_space<hbm>>
      tpu.enqueue_dma source(%arg10 : memref<32x128xf32, #tpu.memory_space<vmem>>) target(%dma_start3A_96 : memref<32x128xf32, #tpu.memory_space<hbm>>) target_semaphore(%run_scoped3A : memref<!tpu.dma_semaphore, #tpu.memory_space<semaphore_mem>>)
      %dma_wait3A = arith.constant 0 : i32
      %dma_wait3A_97 = tpu.memref_slice %arg5[%arg0, %add3A_65, %dma_wait3A] : memref<2x10240x128xf32, #tpu.memory_space<hbm>> -> memref<1x32x128xf32, #tpu.memory_space<hbm>>
      %dma_wait3A_98 = tpu.memref_squeeze %dma_wait3A_97 : memref<1x32x128xf32, #tpu.memory_space<hbm>> -> memref<32x128xf32, #tpu.memory_space<hbm>>
      %dma_wait3A_99 = arith.constant 0 : i32
      %dma_wait3A_100 = tpu.memref_slice %arg5[%arg0, %add3A_65, %dma_wait3A_99] : memref<2x10240x128xf32, #tpu.memory_space<hbm>> -> memref<1x32x128xf32, #tpu.memory_space<hbm>>
      %dma_wait3A_101 = tpu.memref_squeeze %dma_wait3A_100 : memref<1x32x128xf32, #tpu.memory_space<hbm>> -> memref<32x128xf32, #tpu.memory_space<hbm>>
      tpu.wait_dma2 semaphore(%run_scoped3A : memref<!tpu.dma_semaphore, #tpu.memory_space<semaphore_mem>>) src(%arg10 : memref<32x128xf32, #tpu.memory_space<vmem>>) dst(%dma_wait3A_101 : memref<32x128xf32, #tpu.memory_space<hbm>>)
      tpu.yield
    }) : () -> ()
    %add3A_66 = arith.constant 224 : i32
    %add3A_67 = arith.addi %mul3A_8, %add3A_66 : i32
    "tpu.region"() ({
      %run_scoped3A = tpu.sem_alloc : memref<!tpu.dma_semaphore, #tpu.memory_space<semaphore_mem>>
      %dma_start3A = arith.constant 0 : i32
      %dma_start3A_92 = tpu.memref_slice %arg11[%add3A_67, %dma_start3A] : memref<10240x128xf32, #tpu.memory_space<vmem_shared>> -> memref<32x128xf32, #tpu.memory_space<vmem_shared>>
      %dma_start3A_93 = arith.constant 0 : i32
      %dma_start3A_94 = tpu.memref_slice %arg11[%add3A_67, %dma_start3A_93] : memref<10240x128xf32, #tpu.memory_space<vmem_shared>> -> memref<32x128xf32, #tpu.memory_space<vmem_shared>>
      tpu.enqueue_dma source(%dma_start3A_94 : memref<32x128xf32, #tpu.memory_space<vmem_shared>>) target(%arg10 : memref<32x128xf32, #tpu.memory_space<vmem>>) target_semaphore(%run_scoped3A : memref<!tpu.dma_semaphore, #tpu.memory_space<semaphore_mem>>)
      %dma_wait3A = arith.constant 0 : i32
      %dma_wait3A_95 = tpu.memref_slice %arg11[%add3A_67, %dma_wait3A] : memref<10240x128xf32, #tpu.memory_space<vmem_shared>> -> memref<32x128xf32, #tpu.memory_space<vmem_shared>>
      %dma_wait3A_96 = arith.constant 0 : i32
      %dma_wait3A_97 = tpu.memref_slice %arg11[%add3A_67, %dma_wait3A_96] : memref<10240x128xf32, #tpu.memory_space<vmem_shared>> -> memref<32x128xf32, #tpu.memory_space<vmem_shared>>
      tpu.wait_dma2 semaphore(%run_scoped3A : memref<!tpu.dma_semaphore, #tpu.memory_space<semaphore_mem>>) src(%dma_wait3A_97 : memref<32x128xf32, #tpu.memory_space<vmem_shared>>) dst(%arg10 : memref<32x128xf32, #tpu.memory_space<vmem>>)
      tpu.yield
    }) : () -> ()
    "tpu.region"() ({
      %run_scoped3A = tpu.sem_alloc : memref<!tpu.dma_semaphore, #tpu.memory_space<semaphore_mem>>
      %dma_start3A = arith.constant 0 : i32
      %dma_start3A_92 = tpu.memref_slice %arg5[%arg0, %add3A_67, %dma_start3A] : memref<2x10240x128xf32, #tpu.memory_space<hbm>> -> memref<1x32x128xf32, #tpu.memory_space<hbm>>
      %dma_start3A_93 = tpu.memref_squeeze %dma_start3A_92 : memref<1x32x128xf32, #tpu.memory_space<hbm>> -> memref<32x128xf32, #tpu.memory_space<hbm>>
      %dma_start3A_94 = arith.constant 0 : i32
      %dma_start3A_95 = tpu.memref_slice %arg5[%arg0, %add3A_67, %dma_start3A_94] : memref<2x10240x128xf32, #tpu.memory_space<hbm>> -> memref<1x32x128xf32, #tpu.memory_space<hbm>>
      %dma_start3A_96 = tpu.memref_squeeze %dma_start3A_95 : memref<1x32x128xf32, #tpu.memory_space<hbm>> -> memref<32x128xf32, #tpu.memory_space<hbm>>
      tpu.enqueue_dma source(%arg10 : memref<32x128xf32, #tpu.memory_space<vmem>>) target(%dma_start3A_96 : memref<32x128xf32, #tpu.memory_space<hbm>>) target_semaphore(%run_scoped3A : memref<!tpu.dma_semaphore, #tpu.memory_space<semaphore_mem>>)
      %dma_wait3A = arith.constant 0 : i32
      %dma_wait3A_97 = tpu.memref_slice %arg5[%arg0, %add3A_67, %dma_wait3A] : memref<2x10240x128xf32, #tpu.memory_space<hbm>> -> memref<1x32x128xf32, #tpu.memory_space<hbm>>
      %dma_wait3A_98 = tpu.memref_squeeze %dma_wait3A_97 : memref<1x32x128xf32, #tpu.memory_space<hbm>> -> memref<32x128xf32, #tpu.memory_space<hbm>>
      %dma_wait3A_99 = arith.constant 0 : i32
      %dma_wait3A_100 = tpu.memref_slice %arg5[%arg0, %add3A_67, %dma_wait3A_99] : memref<2x10240x128xf32, #tpu.memory_space<hbm>> -> memref<1x32x128xf32, #tpu.memory_space<hbm>>
      %dma_wait3A_101 = tpu.memref_squeeze %dma_wait3A_100 : memref<1x32x128xf32, #tpu.memory_space<hbm>> -> memref<32x128xf32, #tpu.memory_space<hbm>>
      tpu.wait_dma2 semaphore(%run_scoped3A : memref<!tpu.dma_semaphore, #tpu.memory_space<semaphore_mem>>) src(%arg10 : memref<32x128xf32, #tpu.memory_space<vmem>>) dst(%dma_wait3A_101 : memref<32x128xf32, #tpu.memory_space<hbm>>)
      tpu.yield
    }) : () -> ()
    %add3A_68 = arith.constant 256 : i32
    %add3A_69 = arith.addi %mul3A_8, %add3A_68 : i32
    "tpu.region"() ({
      %run_scoped3A = tpu.sem_alloc : memref<!tpu.dma_semaphore, #tpu.memory_space<semaphore_mem>>
      %dma_start3A = arith.constant 0 : i32
      %dma_start3A_92 = tpu.memref_slice %arg11[%add3A_69, %dma_start3A] : memref<10240x128xf32, #tpu.memory_space<vmem_shared>> -> memref<32x128xf32, #tpu.memory_space<vmem_shared>>
      %dma_start3A_93 = arith.constant 0 : i32
      %dma_start3A_94 = tpu.memref_slice %arg11[%add3A_69, %dma_start3A_93] : memref<10240x128xf32, #tpu.memory_space<vmem_shared>> -> memref<32x128xf32, #tpu.memory_space<vmem_shared>>
      tpu.enqueue_dma source(%dma_start3A_94 : memref<32x128xf32, #tpu.memory_space<vmem_shared>>) target(%arg10 : memref<32x128xf32, #tpu.memory_space<vmem>>) target_semaphore(%run_scoped3A : memref<!tpu.dma_semaphore, #tpu.memory_space<semaphore_mem>>)
      %dma_wait3A = arith.constant 0 : i32
      %dma_wait3A_95 = tpu.memref_slice %arg11[%add3A_69, %dma_wait3A] : memref<10240x128xf32, #tpu.memory_space<vmem_shared>> -> memref<32x128xf32, #tpu.memory_space<vmem_shared>>
      %dma_wait3A_96 = arith.constant 0 : i32
      %dma_wait3A_97 = tpu.memref_slice %arg11[%add3A_69, %dma_wait3A_96] : memref<10240x128xf32, #tpu.memory_space<vmem_shared>> -> memref<32x128xf32, #tpu.memory_space<vmem_shared>>
      tpu.wait_dma2 semaphore(%run_scoped3A : memref<!tpu.dma_semaphore, #tpu.memory_space<semaphore_mem>>) src(%dma_wait3A_97 : memref<32x128xf32, #tpu.memory_space<vmem_shared>>) dst(%arg10 : memref<32x128xf32, #tpu.memory_space<vmem>>)
      tpu.yield
    }) : () -> ()
    "tpu.region"() ({
      %run_scoped3A = tpu.sem_alloc : memref<!tpu.dma_semaphore, #tpu.memory_space<semaphore_mem>>
      %dma_start3A = arith.constant 0 : i32
      %dma_start3A_92 = tpu.memref_slice %arg5[%arg0, %add3A_69, %dma_start3A] : memref<2x10240x128xf32, #tpu.memory_space<hbm>> -> memref<1x32x128xf32, #tpu.memory_space<hbm>>
      %dma_start3A_93 = tpu.memref_squeeze %dma_start3A_92 : memref<1x32x128xf32, #tpu.memory_space<hbm>> -> memref<32x128xf32, #tpu.memory_space<hbm>>
      %dma_start3A_94 = arith.constant 0 : i32
      %dma_start3A_95 = tpu.memref_slice %arg5[%arg0, %add3A_69, %dma_start3A_94] : memref<2x10240x128xf32, #tpu.memory_space<hbm>> -> memref<1x32x128xf32, #tpu.memory_space<hbm>>
      %dma_start3A_96 = tpu.memref_squeeze %dma_start3A_95 : memref<1x32x128xf32, #tpu.memory_space<hbm>> -> memref<32x128xf32, #tpu.memory_space<hbm>>
      tpu.enqueue_dma source(%arg10 : memref<32x128xf32, #tpu.memory_space<vmem>>) target(%dma_start3A_96 : memref<32x128xf32, #tpu.memory_space<hbm>>) target_semaphore(%run_scoped3A : memref<!tpu.dma_semaphore, #tpu.memory_space<semaphore_mem>>)
      %dma_wait3A = arith.constant 0 : i32
      %dma_wait3A_97 = tpu.memref_slice %arg5[%arg0, %add3A_69, %dma_wait3A] : memref<2x10240x128xf32, #tpu.memory_space<hbm>> -> memref<1x32x128xf32, #tpu.memory_space<hbm>>
      %dma_wait3A_98 = tpu.memref_squeeze %dma_wait3A_97 : memref<1x32x128xf32, #tpu.memory_space<hbm>> -> memref<32x128xf32, #tpu.memory_space<hbm>>
      %dma_wait3A_99 = arith.constant 0 : i32
      %dma_wait3A_100 = tpu.memref_slice %arg5[%arg0, %add3A_69, %dma_wait3A_99] : memref<2x10240x128xf32, #tpu.memory_space<hbm>> -> memref<1x32x128xf32, #tpu.memory_space<hbm>>
      %dma_wait3A_101 = tpu.memref_squeeze %dma_wait3A_100 : memref<1x32x128xf32, #tpu.memory_space<hbm>> -> memref<32x128xf32, #tpu.memory_space<hbm>>
      tpu.wait_dma2 semaphore(%run_scoped3A : memref<!tpu.dma_semaphore, #tpu.memory_space<semaphore_mem>>) src(%arg10 : memref<32x128xf32, #tpu.memory_space<vmem>>) dst(%dma_wait3A_101 : memref<32x128xf32, #tpu.memory_space<hbm>>)
      tpu.yield
    }) : () -> ()
    %add3A_70 = arith.constant 288 : i32
    %add3A_71 = arith.addi %mul3A_8, %add3A_70 : i32
    "tpu.region"() ({
      %run_scoped3A = tpu.sem_alloc : memref<!tpu.dma_semaphore, #tpu.memory_space<semaphore_mem>>
      %dma_start3A = arith.constant 0 : i32
      %dma_start3A_92 = tpu.memref_slice %arg11[%add3A_71, %dma_start3A] : memref<10240x128xf32, #tpu.memory_space<vmem_shared>> -> memref<32x128xf32, #tpu.memory_space<vmem_shared>>
      %dma_start3A_93 = arith.constant 0 : i32
      %dma_start3A_94 = tpu.memref_slice %arg11[%add3A_71, %dma_start3A_93] : memref<10240x128xf32, #tpu.memory_space<vmem_shared>> -> memref<32x128xf32, #tpu.memory_space<vmem_shared>>
      tpu.enqueue_dma source(%dma_start3A_94 : memref<32x128xf32, #tpu.memory_space<vmem_shared>>) target(%arg10 : memref<32x128xf32, #tpu.memory_space<vmem>>) target_semaphore(%run_scoped3A : memref<!tpu.dma_semaphore, #tpu.memory_space<semaphore_mem>>)
      %dma_wait3A = arith.constant 0 : i32
      %dma_wait3A_95 = tpu.memref_slice %arg11[%add3A_71, %dma_wait3A] : memref<10240x128xf32, #tpu.memory_space<vmem_shared>> -> memref<32x128xf32, #tpu.memory_space<vmem_shared>>
      %dma_wait3A_96 = arith.constant 0 : i32
      %dma_wait3A_97 = tpu.memref_slice %arg11[%add3A_71, %dma_wait3A_96] : memref<10240x128xf32, #tpu.memory_space<vmem_shared>> -> memref<32x128xf32, #tpu.memory_space<vmem_shared>>
      tpu.wait_dma2 semaphore(%run_scoped3A : memref<!tpu.dma_semaphore, #tpu.memory_space<semaphore_mem>>) src(%dma_wait3A_97 : memref<32x128xf32, #tpu.memory_space<vmem_shared>>) dst(%arg10 : memref<32x128xf32, #tpu.memory_space<vmem>>)
      tpu.yield
    }) : () -> ()
    "tpu.region"() ({
      %run_scoped3A = tpu.sem_alloc : memref<!tpu.dma_semaphore, #tpu.memory_space<semaphore_mem>>
      %dma_start3A = arith.constant 0 : i32
      %dma_start3A_92 = tpu.memref_slice %arg5[%arg0, %add3A_71, %dma_start3A] : memref<2x10240x128xf32, #tpu.memory_space<hbm>> -> memref<1x32x128xf32, #tpu.memory_space<hbm>>
      %dma_start3A_93 = tpu.memref_squeeze %dma_start3A_92 : memref<1x32x128xf32, #tpu.memory_space<hbm>> -> memref<32x128xf32, #tpu.memory_space<hbm>>
      %dma_start3A_94 = arith.constant 0 : i32
      %dma_start3A_95 = tpu.memref_slice %arg5[%arg0, %add3A_71, %dma_start3A_94] : memref<2x10240x128xf32, #tpu.memory_space<hbm>> -> memref<1x32x128xf32, #tpu.memory_space<hbm>>
      %dma_start3A_96 = tpu.memref_squeeze %dma_start3A_95 : memref<1x32x128xf32, #tpu.memory_space<hbm>> -> memref<32x128xf32, #tpu.memory_space<hbm>>
      tpu.enqueue_dma source(%arg10 : memref<32x128xf32, #tpu.memory_space<vmem>>) target(%dma_start3A_96 : memref<32x128xf32, #tpu.memory_space<hbm>>) target_semaphore(%run_scoped3A : memref<!tpu.dma_semaphore, #tpu.memory_space<semaphore_mem>>)
      %dma_wait3A = arith.constant 0 : i32
      %dma_wait3A_97 = tpu.memref_slice %arg5[%arg0, %add3A_71, %dma_wait3A] : memref<2x10240x128xf32, #tpu.memory_space<hbm>> -> memref<1x32x128xf32, #tpu.memory_space<hbm>>
      %dma_wait3A_98 = tpu.memref_squeeze %dma_wait3A_97 : memref<1x32x128xf32, #tpu.memory_space<hbm>> -> memref<32x128xf32, #tpu.memory_space<hbm>>
      %dma_wait3A_99 = arith.constant 0 : i32
      %dma_wait3A_100 = tpu.memref_slice %arg5[%arg0, %add3A_71, %dma_wait3A_99] : memref<2x10240x128xf32, #tpu.memory_space<hbm>> -> memref<1x32x128xf32, #tpu.memory_space<hbm>>
      %dma_wait3A_101 = tpu.memref_squeeze %dma_wait3A_100 : memref<1x32x128xf32, #tpu.memory_space<hbm>> -> memref<32x128xf32, #tpu.memory_space<hbm>>
      tpu.wait_dma2 semaphore(%run_scoped3A : memref<!tpu.dma_semaphore, #tpu.memory_space<semaphore_mem>>) src(%arg10 : memref<32x128xf32, #tpu.memory_space<vmem>>) dst(%dma_wait3A_101 : memref<32x128xf32, #tpu.memory_space<hbm>>)
      tpu.yield
    }) : () -> ()
    %add3A_72 = arith.constant 320 : i32
    %add3A_73 = arith.addi %mul3A_8, %add3A_72 : i32
    "tpu.region"() ({
      %run_scoped3A = tpu.sem_alloc : memref<!tpu.dma_semaphore, #tpu.memory_space<semaphore_mem>>
      %dma_start3A = arith.constant 0 : i32
      %dma_start3A_92 = tpu.memref_slice %arg11[%add3A_73, %dma_start3A] : memref<10240x128xf32, #tpu.memory_space<vmem_shared>> -> memref<32x128xf32, #tpu.memory_space<vmem_shared>>
      %dma_start3A_93 = arith.constant 0 : i32
      %dma_start3A_94 = tpu.memref_slice %arg11[%add3A_73, %dma_start3A_93] : memref<10240x128xf32, #tpu.memory_space<vmem_shared>> -> memref<32x128xf32, #tpu.memory_space<vmem_shared>>
      tpu.enqueue_dma source(%dma_start3A_94 : memref<32x128xf32, #tpu.memory_space<vmem_shared>>) target(%arg10 : memref<32x128xf32, #tpu.memory_space<vmem>>) target_semaphore(%run_scoped3A : memref<!tpu.dma_semaphore, #tpu.memory_space<semaphore_mem>>)
      %dma_wait3A = arith.constant 0 : i32
      %dma_wait3A_95 = tpu.memref_slice %arg11[%add3A_73, %dma_wait3A] : memref<10240x128xf32, #tpu.memory_space<vmem_shared>> -> memref<32x128xf32, #tpu.memory_space<vmem_shared>>
      %dma_wait3A_96 = arith.constant 0 : i32
      %dma_wait3A_97 = tpu.memref_slice %arg11[%add3A_73, %dma_wait3A_96] : memref<10240x128xf32, #tpu.memory_space<vmem_shared>> -> memref<32x128xf32, #tpu.memory_space<vmem_shared>>
      tpu.wait_dma2 semaphore(%run_scoped3A : memref<!tpu.dma_semaphore, #tpu.memory_space<semaphore_mem>>) src(%dma_wait3A_97 : memref<32x128xf32, #tpu.memory_space<vmem_shared>>) dst(%arg10 : memref<32x128xf32, #tpu.memory_space<vmem>>)
      tpu.yield
    }) : () -> ()
    "tpu.region"() ({
      %run_scoped3A = tpu.sem_alloc : memref<!tpu.dma_semaphore, #tpu.memory_space<semaphore_mem>>
      %dma_start3A = arith.constant 0 : i32
      %dma_start3A_92 = tpu.memref_slice %arg5[%arg0, %add3A_73, %dma_start3A] : memref<2x10240x128xf32, #tpu.memory_space<hbm>> -> memref<1x32x128xf32, #tpu.memory_space<hbm>>
      %dma_start3A_93 = tpu.memref_squeeze %dma_start3A_92 : memref<1x32x128xf32, #tpu.memory_space<hbm>> -> memref<32x128xf32, #tpu.memory_space<hbm>>
      %dma_start3A_94 = arith.constant 0 : i32
      %dma_start3A_95 = tpu.memref_slice %arg5[%arg0, %add3A_73, %dma_start3A_94] : memref<2x10240x128xf32, #tpu.memory_space<hbm>> -> memref<1x32x128xf32, #tpu.memory_space<hbm>>
      %dma_start3A_96 = tpu.memref_squeeze %dma_start3A_95 : memref<1x32x128xf32, #tpu.memory_space<hbm>> -> memref<32x128xf32, #tpu.memory_space<hbm>>
      tpu.enqueue_dma source(%arg10 : memref<32x128xf32, #tpu.memory_space<vmem>>) target(%dma_start3A_96 : memref<32x128xf32, #tpu.memory_space<hbm>>) target_semaphore(%run_scoped3A : memref<!tpu.dma_semaphore, #tpu.memory_space<semaphore_mem>>)
      %dma_wait3A = arith.constant 0 : i32
      %dma_wait3A_97 = tpu.memref_slice %arg5[%arg0, %add3A_73, %dma_wait3A] : memref<2x10240x128xf32, #tpu.memory_space<hbm>> -> memref<1x32x128xf32, #tpu.memory_space<hbm>>
      %dma_wait3A_98 = tpu.memref_squeeze %dma_wait3A_97 : memref<1x32x128xf32, #tpu.memory_space<hbm>> -> memref<32x128xf32, #tpu.memory_space<hbm>>
      %dma_wait3A_99 = arith.constant 0 : i32
      %dma_wait3A_100 = tpu.memref_slice %arg5[%arg0, %add3A_73, %dma_wait3A_99] : memref<2x10240x128xf32, #tpu.memory_space<hbm>> -> memref<1x32x128xf32, #tpu.memory_space<hbm>>
      %dma_wait3A_101 = tpu.memref_squeeze %dma_wait3A_100 : memref<1x32x128xf32, #tpu.memory_space<hbm>> -> memref<32x128xf32, #tpu.memory_space<hbm>>
      tpu.wait_dma2 semaphore(%run_scoped3A : memref<!tpu.dma_semaphore, #tpu.memory_space<semaphore_mem>>) src(%arg10 : memref<32x128xf32, #tpu.memory_space<vmem>>) dst(%dma_wait3A_101 : memref<32x128xf32, #tpu.memory_space<hbm>>)
      tpu.yield
    }) : () -> ()
    %add3A_74 = arith.constant 352 : i32
    %add3A_75 = arith.addi %mul3A_8, %add3A_74 : i32
    "tpu.region"() ({
      %run_scoped3A = tpu.sem_alloc : memref<!tpu.dma_semaphore, #tpu.memory_space<semaphore_mem>>
      %dma_start3A = arith.constant 0 : i32
      %dma_start3A_92 = tpu.memref_slice %arg11[%add3A_75, %dma_start3A] : memref<10240x128xf32, #tpu.memory_space<vmem_shared>> -> memref<32x128xf32, #tpu.memory_space<vmem_shared>>
      %dma_start3A_93 = arith.constant 0 : i32
      %dma_start3A_94 = tpu.memref_slice %arg11[%add3A_75, %dma_start3A_93] : memref<10240x128xf32, #tpu.memory_space<vmem_shared>> -> memref<32x128xf32, #tpu.memory_space<vmem_shared>>
      tpu.enqueue_dma source(%dma_start3A_94 : memref<32x128xf32, #tpu.memory_space<vmem_shared>>) target(%arg10 : memref<32x128xf32, #tpu.memory_space<vmem>>) target_semaphore(%run_scoped3A : memref<!tpu.dma_semaphore, #tpu.memory_space<semaphore_mem>>)
      %dma_wait3A = arith.constant 0 : i32
      %dma_wait3A_95 = tpu.memref_slice %arg11[%add3A_75, %dma_wait3A] : memref<10240x128xf32, #tpu.memory_space<vmem_shared>> -> memref<32x128xf32, #tpu.memory_space<vmem_shared>>
      %dma_wait3A_96 = arith.constant 0 : i32
      %dma_wait3A_97 = tpu.memref_slice %arg11[%add3A_75, %dma_wait3A_96] : memref<10240x128xf32, #tpu.memory_space<vmem_shared>> -> memref<32x128xf32, #tpu.memory_space<vmem_shared>>
      tpu.wait_dma2 semaphore(%run_scoped3A : memref<!tpu.dma_semaphore, #tpu.memory_space<semaphore_mem>>) src(%dma_wait3A_97 : memref<32x128xf32, #tpu.memory_space<vmem_shared>>) dst(%arg10 : memref<32x128xf32, #tpu.memory_space<vmem>>)
      tpu.yield
    }) : () -> ()
    "tpu.region"() ({
      %run_scoped3A = tpu.sem_alloc : memref<!tpu.dma_semaphore, #tpu.memory_space<semaphore_mem>>
      %dma_start3A = arith.constant 0 : i32
      %dma_start3A_92 = tpu.memref_slice %arg5[%arg0, %add3A_75, %dma_start3A] : memref<2x10240x128xf32, #tpu.memory_space<hbm>> -> memref<1x32x128xf32, #tpu.memory_space<hbm>>
      %dma_start3A_93 = tpu.memref_squeeze %dma_start3A_92 : memref<1x32x128xf32, #tpu.memory_space<hbm>> -> memref<32x128xf32, #tpu.memory_space<hbm>>
      %dma_start3A_94 = arith.constant 0 : i32
      %dma_start3A_95 = tpu.memref_slice %arg5[%arg0, %add3A_75, %dma_start3A_94] : memref<2x10240x128xf32, #tpu.memory_space<hbm>> -> memref<1x32x128xf32, #tpu.memory_space<hbm>>
      %dma_start3A_96 = tpu.memref_squeeze %dma_start3A_95 : memref<1x32x128xf32, #tpu.memory_space<hbm>> -> memref<32x128xf32, #tpu.memory_space<hbm>>
      tpu.enqueue_dma source(%arg10 : memref<32x128xf32, #tpu.memory_space<vmem>>) target(%dma_start3A_96 : memref<32x128xf32, #tpu.memory_space<hbm>>) target_semaphore(%run_scoped3A : memref<!tpu.dma_semaphore, #tpu.memory_space<semaphore_mem>>)
      %dma_wait3A = arith.constant 0 : i32
      %dma_wait3A_97 = tpu.memref_slice %arg5[%arg0, %add3A_75, %dma_wait3A] : memref<2x10240x128xf32, #tpu.memory_space<hbm>> -> memref<1x32x128xf32, #tpu.memory_space<hbm>>
      %dma_wait3A_98 = tpu.memref_squeeze %dma_wait3A_97 : memref<1x32x128xf32, #tpu.memory_space<hbm>> -> memref<32x128xf32, #tpu.memory_space<hbm>>
      %dma_wait3A_99 = arith.constant 0 : i32
      %dma_wait3A_100 = tpu.memref_slice %arg5[%arg0, %add3A_75, %dma_wait3A_99] : memref<2x10240x128xf32, #tpu.memory_space<hbm>> -> memref<1x32x128xf32, #tpu.memory_space<hbm>>
      %dma_wait3A_101 = tpu.memref_squeeze %dma_wait3A_100 : memref<1x32x128xf32, #tpu.memory_space<hbm>> -> memref<32x128xf32, #tpu.memory_space<hbm>>
      tpu.wait_dma2 semaphore(%run_scoped3A : memref<!tpu.dma_semaphore, #tpu.memory_space<semaphore_mem>>) src(%arg10 : memref<32x128xf32, #tpu.memory_space<vmem>>) dst(%dma_wait3A_101 : memref<32x128xf32, #tpu.memory_space<hbm>>)
      tpu.yield
    }) : () -> ()
    %add3A_76 = arith.constant 384 : i32
    %add3A_77 = arith.addi %mul3A_8, %add3A_76 : i32
    "tpu.region"() ({
      %run_scoped3A = tpu.sem_alloc : memref<!tpu.dma_semaphore, #tpu.memory_space<semaphore_mem>>
      %dma_start3A = arith.constant 0 : i32
      %dma_start3A_92 = tpu.memref_slice %arg11[%add3A_77, %dma_start3A] : memref<10240x128xf32, #tpu.memory_space<vmem_shared>> -> memref<32x128xf32, #tpu.memory_space<vmem_shared>>
      %dma_start3A_93 = arith.constant 0 : i32
      %dma_start3A_94 = tpu.memref_slice %arg11[%add3A_77, %dma_start3A_93] : memref<10240x128xf32, #tpu.memory_space<vmem_shared>> -> memref<32x128xf32, #tpu.memory_space<vmem_shared>>
      tpu.enqueue_dma source(%dma_start3A_94 : memref<32x128xf32, #tpu.memory_space<vmem_shared>>) target(%arg10 : memref<32x128xf32, #tpu.memory_space<vmem>>) target_semaphore(%run_scoped3A : memref<!tpu.dma_semaphore, #tpu.memory_space<semaphore_mem>>)
      %dma_wait3A = arith.constant 0 : i32
      %dma_wait3A_95 = tpu.memref_slice %arg11[%add3A_77, %dma_wait3A] : memref<10240x128xf32, #tpu.memory_space<vmem_shared>> -> memref<32x128xf32, #tpu.memory_space<vmem_shared>>
      %dma_wait3A_96 = arith.constant 0 : i32
      %dma_wait3A_97 = tpu.memref_slice %arg11[%add3A_77, %dma_wait3A_96] : memref<10240x128xf32, #tpu.memory_space<vmem_shared>> -> memref<32x128xf32, #tpu.memory_space<vmem_shared>>
      tpu.wait_dma2 semaphore(%run_scoped3A : memref<!tpu.dma_semaphore, #tpu.memory_space<semaphore_mem>>) src(%dma_wait3A_97 : memref<32x128xf32, #tpu.memory_space<vmem_shared>>) dst(%arg10 : memref<32x128xf32, #tpu.memory_space<vmem>>)
      tpu.yield
    }) : () -> ()
    "tpu.region"() ({
      %run_scoped3A = tpu.sem_alloc : memref<!tpu.dma_semaphore, #tpu.memory_space<semaphore_mem>>
      %dma_start3A = arith.constant 0 : i32
      %dma_start3A_92 = tpu.memref_slice %arg5[%arg0, %add3A_77, %dma_start3A] : memref<2x10240x128xf32, #tpu.memory_space<hbm>> -> memref<1x32x128xf32, #tpu.memory_space<hbm>>
      %dma_start3A_93 = tpu.memref_squeeze %dma_start3A_92 : memref<1x32x128xf32, #tpu.memory_space<hbm>> -> memref<32x128xf32, #tpu.memory_space<hbm>>
      %dma_start3A_94 = arith.constant 0 : i32
      %dma_start3A_95 = tpu.memref_slice %arg5[%arg0, %add3A_77, %dma_start3A_94] : memref<2x10240x128xf32, #tpu.memory_space<hbm>> -> memref<1x32x128xf32, #tpu.memory_space<hbm>>
      %dma_start3A_96 = tpu.memref_squeeze %dma_start3A_95 : memref<1x32x128xf32, #tpu.memory_space<hbm>> -> memref<32x128xf32, #tpu.memory_space<hbm>>
      tpu.enqueue_dma source(%arg10 : memref<32x128xf32, #tpu.memory_space<vmem>>) target(%dma_start3A_96 : memref<32x128xf32, #tpu.memory_space<hbm>>) target_semaphore(%run_scoped3A : memref<!tpu.dma_semaphore, #tpu.memory_space<semaphore_mem>>)
      %dma_wait3A = arith.constant 0 : i32
      %dma_wait3A_97 = tpu.memref_slice %arg5[%arg0, %add3A_77, %dma_wait3A] : memref<2x10240x128xf32, #tpu.memory_space<hbm>> -> memref<1x32x128xf32, #tpu.memory_space<hbm>>
      %dma_wait3A_98 = tpu.memref_squeeze %dma_wait3A_97 : memref<1x32x128xf32, #tpu.memory_space<hbm>> -> memref<32x128xf32, #tpu.memory_space<hbm>>
      %dma_wait3A_99 = arith.constant 0 : i32
      %dma_wait3A_100 = tpu.memref_slice %arg5[%arg0, %add3A_77, %dma_wait3A_99] : memref<2x10240x128xf32, #tpu.memory_space<hbm>> -> memref<1x32x128xf32, #tpu.memory_space<hbm>>
      %dma_wait3A_101 = tpu.memref_squeeze %dma_wait3A_100 : memref<1x32x128xf32, #tpu.memory_space<hbm>> -> memref<32x128xf32, #tpu.memory_space<hbm>>
      tpu.wait_dma2 semaphore(%run_scoped3A : memref<!tpu.dma_semaphore, #tpu.memory_space<semaphore_mem>>) src(%arg10 : memref<32x128xf32, #tpu.memory_space<vmem>>) dst(%dma_wait3A_101 : memref<32x128xf32, #tpu.memory_space<hbm>>)
      tpu.yield
    }) : () -> ()
    %add3A_78 = arith.constant 416 : i32
    %add3A_79 = arith.addi %mul3A_8, %add3A_78 : i32
    "tpu.region"() ({
      %run_scoped3A = tpu.sem_alloc : memref<!tpu.dma_semaphore, #tpu.memory_space<semaphore_mem>>
      %dma_start3A = arith.constant 0 : i32
      %dma_start3A_92 = tpu.memref_slice %arg11[%add3A_79, %dma_start3A] : memref<10240x128xf32, #tpu.memory_space<vmem_shared>> -> memref<32x128xf32, #tpu.memory_space<vmem_shared>>
      %dma_start3A_93 = arith.constant 0 : i32
      %dma_start3A_94 = tpu.memref_slice %arg11[%add3A_79, %dma_start3A_93] : memref<10240x128xf32, #tpu.memory_space<vmem_shared>> -> memref<32x128xf32, #tpu.memory_space<vmem_shared>>
      tpu.enqueue_dma source(%dma_start3A_94 : memref<32x128xf32, #tpu.memory_space<vmem_shared>>) target(%arg10 : memref<32x128xf32, #tpu.memory_space<vmem>>) target_semaphore(%run_scoped3A : memref<!tpu.dma_semaphore, #tpu.memory_space<semaphore_mem>>)
      %dma_wait3A = arith.constant 0 : i32
      %dma_wait3A_95 = tpu.memref_slice %arg11[%add3A_79, %dma_wait3A] : memref<10240x128xf32, #tpu.memory_space<vmem_shared>> -> memref<32x128xf32, #tpu.memory_space<vmem_shared>>
      %dma_wait3A_96 = arith.constant 0 : i32
      %dma_wait3A_97 = tpu.memref_slice %arg11[%add3A_79, %dma_wait3A_96] : memref<10240x128xf32, #tpu.memory_space<vmem_shared>> -> memref<32x128xf32, #tpu.memory_space<vmem_shared>>
      tpu.wait_dma2 semaphore(%run_scoped3A : memref<!tpu.dma_semaphore, #tpu.memory_space<semaphore_mem>>) src(%dma_wait3A_97 : memref<32x128xf32, #tpu.memory_space<vmem_shared>>) dst(%arg10 : memref<32x128xf32, #tpu.memory_space<vmem>>)
      tpu.yield
    }) : () -> ()
    "tpu.region"() ({
      %run_scoped3A = tpu.sem_alloc : memref<!tpu.dma_semaphore, #tpu.memory_space<semaphore_mem>>
      %dma_start3A = arith.constant 0 : i32
      %dma_start3A_92 = tpu.memref_slice %arg5[%arg0, %add3A_79, %dma_start3A] : memref<2x10240x128xf32, #tpu.memory_space<hbm>> -> memref<1x32x128xf32, #tpu.memory_space<hbm>>
      %dma_start3A_93 = tpu.memref_squeeze %dma_start3A_92 : memref<1x32x128xf32, #tpu.memory_space<hbm>> -> memref<32x128xf32, #tpu.memory_space<hbm>>
      %dma_start3A_94 = arith.constant 0 : i32
      %dma_start3A_95 = tpu.memref_slice %arg5[%arg0, %add3A_79, %dma_start3A_94] : memref<2x10240x128xf32, #tpu.memory_space<hbm>> -> memref<1x32x128xf32, #tpu.memory_space<hbm>>
      %dma_start3A_96 = tpu.memref_squeeze %dma_start3A_95 : memref<1x32x128xf32, #tpu.memory_space<hbm>> -> memref<32x128xf32, #tpu.memory_space<hbm>>
      tpu.enqueue_dma source(%arg10 : memref<32x128xf32, #tpu.memory_space<vmem>>) target(%dma_start3A_96 : memref<32x128xf32, #tpu.memory_space<hbm>>) target_semaphore(%run_scoped3A : memref<!tpu.dma_semaphore, #tpu.memory_space<semaphore_mem>>)
      %dma_wait3A = arith.constant 0 : i32
      %dma_wait3A_97 = tpu.memref_slice %arg5[%arg0, %add3A_79, %dma_wait3A] : memref<2x10240x128xf32, #tpu.memory_space<hbm>> -> memref<1x32x128xf32, #tpu.memory_space<hbm>>
      %dma_wait3A_98 = tpu.memref_squeeze %dma_wait3A_97 : memref<1x32x128xf32, #tpu.memory_space<hbm>> -> memref<32x128xf32, #tpu.memory_space<hbm>>
      %dma_wait3A_99 = arith.constant 0 : i32
      %dma_wait3A_100 = tpu.memref_slice %arg5[%arg0, %add3A_79, %dma_wait3A_99] : memref<2x10240x128xf32, #tpu.memory_space<hbm>> -> memref<1x32x128xf32, #tpu.memory_space<hbm>>
      %dma_wait3A_101 = tpu.memref_squeeze %dma_wait3A_100 : memref<1x32x128xf32, #tpu.memory_space<hbm>> -> memref<32x128xf32, #tpu.memory_space<hbm>>
      tpu.wait_dma2 semaphore(%run_scoped3A : memref<!tpu.dma_semaphore, #tpu.memory_space<semaphore_mem>>) src(%arg10 : memref<32x128xf32, #tpu.memory_space<vmem>>) dst(%dma_wait3A_101 : memref<32x128xf32, #tpu.memory_space<hbm>>)
      tpu.yield
    }) : () -> ()
    %add3A_80 = arith.constant 448 : i32
    %add3A_81 = arith.addi %mul3A_8, %add3A_80 : i32
    "tpu.region"() ({
      %run_scoped3A = tpu.sem_alloc : memref<!tpu.dma_semaphore, #tpu.memory_space<semaphore_mem>>
      %dma_start3A = arith.constant 0 : i32
      %dma_start3A_92 = tpu.memref_slice %arg11[%add3A_81, %dma_start3A] : memref<10240x128xf32, #tpu.memory_space<vmem_shared>> -> memref<32x128xf32, #tpu.memory_space<vmem_shared>>
      %dma_start3A_93 = arith.constant 0 : i32
      %dma_start3A_94 = tpu.memref_slice %arg11[%add3A_81, %dma_start3A_93] : memref<10240x128xf32, #tpu.memory_space<vmem_shared>> -> memref<32x128xf32, #tpu.memory_space<vmem_shared>>
      tpu.enqueue_dma source(%dma_start3A_94 : memref<32x128xf32, #tpu.memory_space<vmem_shared>>) target(%arg10 : memref<32x128xf32, #tpu.memory_space<vmem>>) target_semaphore(%run_scoped3A : memref<!tpu.dma_semaphore, #tpu.memory_space<semaphore_mem>>)
      %dma_wait3A = arith.constant 0 : i32
      %dma_wait3A_95 = tpu.memref_slice %arg11[%add3A_81, %dma_wait3A] : memref<10240x128xf32, #tpu.memory_space<vmem_shared>> -> memref<32x128xf32, #tpu.memory_space<vmem_shared>>
      %dma_wait3A_96 = arith.constant 0 : i32
      %dma_wait3A_97 = tpu.memref_slice %arg11[%add3A_81, %dma_wait3A_96] : memref<10240x128xf32, #tpu.memory_space<vmem_shared>> -> memref<32x128xf32, #tpu.memory_space<vmem_shared>>
      tpu.wait_dma2 semaphore(%run_scoped3A : memref<!tpu.dma_semaphore, #tpu.memory_space<semaphore_mem>>) src(%dma_wait3A_97 : memref<32x128xf32, #tpu.memory_space<vmem_shared>>) dst(%arg10 : memref<32x128xf32, #tpu.memory_space<vmem>>)
      tpu.yield
    }) : () -> ()
    "tpu.region"() ({
      %run_scoped3A = tpu.sem_alloc : memref<!tpu.dma_semaphore, #tpu.memory_space<semaphore_mem>>
      %dma_start3A = arith.constant 0 : i32
      %dma_start3A_92 = tpu.memref_slice %arg5[%arg0, %add3A_81, %dma_start3A] : memref<2x10240x128xf32, #tpu.memory_space<hbm>> -> memref<1x32x128xf32, #tpu.memory_space<hbm>>
      %dma_start3A_93 = tpu.memref_squeeze %dma_start3A_92 : memref<1x32x128xf32, #tpu.memory_space<hbm>> -> memref<32x128xf32, #tpu.memory_space<hbm>>
      %dma_start3A_94 = arith.constant 0 : i32
      %dma_start3A_95 = tpu.memref_slice %arg5[%arg0, %add3A_81, %dma_start3A_94] : memref<2x10240x128xf32, #tpu.memory_space<hbm>> -> memref<1x32x128xf32, #tpu.memory_space<hbm>>
      %dma_start3A_96 = tpu.memref_squeeze %dma_start3A_95 : memref<1x32x128xf32, #tpu.memory_space<hbm>> -> memref<32x128xf32, #tpu.memory_space<hbm>>
      tpu.enqueue_dma source(%arg10 : memref<32x128xf32, #tpu.memory_space<vmem>>) target(%dma_start3A_96 : memref<32x128xf32, #tpu.memory_space<hbm>>) target_semaphore(%run_scoped3A : memref<!tpu.dma_semaphore, #tpu.memory_space<semaphore_mem>>)
      %dma_wait3A = arith.constant 0 : i32
      %dma_wait3A_97 = tpu.memref_slice %arg5[%arg0, %add3A_81, %dma_wait3A] : memref<2x10240x128xf32, #tpu.memory_space<hbm>> -> memref<1x32x128xf32, #tpu.memory_space<hbm>>
      %dma_wait3A_98 = tpu.memref_squeeze %dma_wait3A_97 : memref<1x32x128xf32, #tpu.memory_space<hbm>> -> memref<32x128xf32, #tpu.memory_space<hbm>>
      %dma_wait3A_99 = arith.constant 0 : i32
      %dma_wait3A_100 = tpu.memref_slice %arg5[%arg0, %add3A_81, %dma_wait3A_99] : memref<2x10240x128xf32, #tpu.memory_space<hbm>> -> memref<1x32x128xf32, #tpu.memory_space<hbm>>
      %dma_wait3A_101 = tpu.memref_squeeze %dma_wait3A_100 : memref<1x32x128xf32, #tpu.memory_space<hbm>> -> memref<32x128xf32, #tpu.memory_space<hbm>>
      tpu.wait_dma2 semaphore(%run_scoped3A : memref<!tpu.dma_semaphore, #tpu.memory_space<semaphore_mem>>) src(%arg10 : memref<32x128xf32, #tpu.memory_space<vmem>>) dst(%dma_wait3A_101 : memref<32x128xf32, #tpu.memory_space<hbm>>)
      tpu.yield
    }) : () -> ()
    %add3A_82 = arith.constant 480 : i32
    %add3A_83 = arith.addi %mul3A_8, %add3A_82 : i32
    "tpu.region"() ({
      %run_scoped3A = tpu.sem_alloc : memref<!tpu.dma_semaphore, #tpu.memory_space<semaphore_mem>>
      %dma_start3A = arith.constant 0 : i32
      %dma_start3A_92 = tpu.memref_slice %arg11[%add3A_83, %dma_start3A] : memref<10240x128xf32, #tpu.memory_space<vmem_shared>> -> memref<32x128xf32, #tpu.memory_space<vmem_shared>>
      %dma_start3A_93 = arith.constant 0 : i32
      %dma_start3A_94 = tpu.memref_slice %arg11[%add3A_83, %dma_start3A_93] : memref<10240x128xf32, #tpu.memory_space<vmem_shared>> -> memref<32x128xf32, #tpu.memory_space<vmem_shared>>
      tpu.enqueue_dma source(%dma_start3A_94 : memref<32x128xf32, #tpu.memory_space<vmem_shared>>) target(%arg10 : memref<32x128xf32, #tpu.memory_space<vmem>>) target_semaphore(%run_scoped3A : memref<!tpu.dma_semaphore, #tpu.memory_space<semaphore_mem>>)
      %dma_wait3A = arith.constant 0 : i32
      %dma_wait3A_95 = tpu.memref_slice %arg11[%add3A_83, %dma_wait3A] : memref<10240x128xf32, #tpu.memory_space<vmem_shared>> -> memref<32x128xf32, #tpu.memory_space<vmem_shared>>
      %dma_wait3A_96 = arith.constant 0 : i32
      %dma_wait3A_97 = tpu.memref_slice %arg11[%add3A_83, %dma_wait3A_96] : memref<10240x128xf32, #tpu.memory_space<vmem_shared>> -> memref<32x128xf32, #tpu.memory_space<vmem_shared>>
      tpu.wait_dma2 semaphore(%run_scoped3A : memref<!tpu.dma_semaphore, #tpu.memory_space<semaphore_mem>>) src(%dma_wait3A_97 : memref<32x128xf32, #tpu.memory_space<vmem_shared>>) dst(%arg10 : memref<32x128xf32, #tpu.memory_space<vmem>>)
      tpu.yield
    }) : () -> ()
    "tpu.region"() ({
      %run_scoped3A = tpu.sem_alloc : memref<!tpu.dma_semaphore, #tpu.memory_space<semaphore_mem>>
      %dma_start3A = arith.constant 0 : i32
      %dma_start3A_92 = tpu.memref_slice %arg5[%arg0, %add3A_83, %dma_start3A] : memref<2x10240x128xf32, #tpu.memory_space<hbm>> -> memref<1x32x128xf32, #tpu.memory_space<hbm>>
      %dma_start3A_93 = tpu.memref_squeeze %dma_start3A_92 : memref<1x32x128xf32, #tpu.memory_space<hbm>> -> memref<32x128xf32, #tpu.memory_space<hbm>>
      %dma_start3A_94 = arith.constant 0 : i32
      %dma_start3A_95 = tpu.memref_slice %arg5[%arg0, %add3A_83, %dma_start3A_94] : memref<2x10240x128xf32, #tpu.memory_space<hbm>> -> memref<1x32x128xf32, #tpu.memory_space<hbm>>
      %dma_start3A_96 = tpu.memref_squeeze %dma_start3A_95 : memref<1x32x128xf32, #tpu.memory_space<hbm>> -> memref<32x128xf32, #tpu.memory_space<hbm>>
      tpu.enqueue_dma source(%arg10 : memref<32x128xf32, #tpu.memory_space<vmem>>) target(%dma_start3A_96 : memref<32x128xf32, #tpu.memory_space<hbm>>) target_semaphore(%run_scoped3A : memref<!tpu.dma_semaphore, #tpu.memory_space<semaphore_mem>>)
      %dma_wait3A = arith.constant 0 : i32
      %dma_wait3A_97 = tpu.memref_slice %arg5[%arg0, %add3A_83, %dma_wait3A] : memref<2x10240x128xf32, #tpu.memory_space<hbm>> -> memref<1x32x128xf32, #tpu.memory_space<hbm>>
      %dma_wait3A_98 = tpu.memref_squeeze %dma_wait3A_97 : memref<1x32x128xf32, #tpu.memory_space<hbm>> -> memref<32x128xf32, #tpu.memory_space<hbm>>
      %dma_wait3A_99 = arith.constant 0 : i32
      %dma_wait3A_100 = tpu.memref_slice %arg5[%arg0, %add3A_83, %dma_wait3A_99] : memref<2x10240x128xf32, #tpu.memory_space<hbm>> -> memref<1x32x128xf32, #tpu.memory_space<hbm>>
      %dma_wait3A_101 = tpu.memref_squeeze %dma_wait3A_100 : memref<1x32x128xf32, #tpu.memory_space<hbm>> -> memref<32x128xf32, #tpu.memory_space<hbm>>
      tpu.wait_dma2 semaphore(%run_scoped3A : memref<!tpu.dma_semaphore, #tpu.memory_space<semaphore_mem>>) src(%arg10 : memref<32x128xf32, #tpu.memory_space<vmem>>) dst(%dma_wait3A_101 : memref<32x128xf32, #tpu.memory_space<hbm>>)
      tpu.yield
    }) : () -> ()
    %add3A_84 = arith.constant 512 : i32
    %add3A_85 = arith.addi %mul3A_8, %add3A_84 : i32
    "tpu.region"() ({
      %run_scoped3A = tpu.sem_alloc : memref<!tpu.dma_semaphore, #tpu.memory_space<semaphore_mem>>
      %dma_start3A = arith.constant 0 : i32
      %dma_start3A_92 = tpu.memref_slice %arg11[%add3A_85, %dma_start3A] : memref<10240x128xf32, #tpu.memory_space<vmem_shared>> -> memref<32x128xf32, #tpu.memory_space<vmem_shared>>
      %dma_start3A_93 = arith.constant 0 : i32
      %dma_start3A_94 = tpu.memref_slice %arg11[%add3A_85, %dma_start3A_93] : memref<10240x128xf32, #tpu.memory_space<vmem_shared>> -> memref<32x128xf32, #tpu.memory_space<vmem_shared>>
      tpu.enqueue_dma source(%dma_start3A_94 : memref<32x128xf32, #tpu.memory_space<vmem_shared>>) target(%arg10 : memref<32x128xf32, #tpu.memory_space<vmem>>) target_semaphore(%run_scoped3A : memref<!tpu.dma_semaphore, #tpu.memory_space<semaphore_mem>>)
      %dma_wait3A = arith.constant 0 : i32
      %dma_wait3A_95 = tpu.memref_slice %arg11[%add3A_85, %dma_wait3A] : memref<10240x128xf32, #tpu.memory_space<vmem_shared>> -> memref<32x128xf32, #tpu.memory_space<vmem_shared>>
      %dma_wait3A_96 = arith.constant 0 : i32
      %dma_wait3A_97 = tpu.memref_slice %arg11[%add3A_85, %dma_wait3A_96] : memref<10240x128xf32, #tpu.memory_space<vmem_shared>> -> memref<32x128xf32, #tpu.memory_space<vmem_shared>>
      tpu.wait_dma2 semaphore(%run_scoped3A : memref<!tpu.dma_semaphore, #tpu.memory_space<semaphore_mem>>) src(%dma_wait3A_97 : memref<32x128xf32, #tpu.memory_space<vmem_shared>>) dst(%arg10 : memref<32x128xf32, #tpu.memory_space<vmem>>)
      tpu.yield
    }) : () -> ()
    "tpu.region"() ({
      %run_scoped3A = tpu.sem_alloc : memref<!tpu.dma_semaphore, #tpu.memory_space<semaphore_mem>>
      %dma_start3A = arith.constant 0 : i32
      %dma_start3A_92 = tpu.memref_slice %arg5[%arg0, %add3A_85, %dma_start3A] : memref<2x10240x128xf32, #tpu.memory_space<hbm>> -> memref<1x32x128xf32, #tpu.memory_space<hbm>>
      %dma_start3A_93 = tpu.memref_squeeze %dma_start3A_92 : memref<1x32x128xf32, #tpu.memory_space<hbm>> -> memref<32x128xf32, #tpu.memory_space<hbm>>
      %dma_start3A_94 = arith.constant 0 : i32
      %dma_start3A_95 = tpu.memref_slice %arg5[%arg0, %add3A_85, %dma_start3A_94] : memref<2x10240x128xf32, #tpu.memory_space<hbm>> -> memref<1x32x128xf32, #tpu.memory_space<hbm>>
      %dma_start3A_96 = tpu.memref_squeeze %dma_start3A_95 : memref<1x32x128xf32, #tpu.memory_space<hbm>> -> memref<32x128xf32, #tpu.memory_space<hbm>>
      tpu.enqueue_dma source(%arg10 : memref<32x128xf32, #tpu.memory_space<vmem>>) target(%dma_start3A_96 : memref<32x128xf32, #tpu.memory_space<hbm>>) target_semaphore(%run_scoped3A : memref<!tpu.dma_semaphore, #tpu.memory_space<semaphore_mem>>)
      %dma_wait3A = arith.constant 0 : i32
      %dma_wait3A_97 = tpu.memref_slice %arg5[%arg0, %add3A_85, %dma_wait3A] : memref<2x10240x128xf32, #tpu.memory_space<hbm>> -> memref<1x32x128xf32, #tpu.memory_space<hbm>>
      %dma_wait3A_98 = tpu.memref_squeeze %dma_wait3A_97 : memref<1x32x128xf32, #tpu.memory_space<hbm>> -> memref<32x128xf32, #tpu.memory_space<hbm>>
      %dma_wait3A_99 = arith.constant 0 : i32
      %dma_wait3A_100 = tpu.memref_slice %arg5[%arg0, %add3A_85, %dma_wait3A_99] : memref<2x10240x128xf32, #tpu.memory_space<hbm>> -> memref<1x32x128xf32, #tpu.memory_space<hbm>>
      %dma_wait3A_101 = tpu.memref_squeeze %dma_wait3A_100 : memref<1x32x128xf32, #tpu.memory_space<hbm>> -> memref<32x128xf32, #tpu.memory_space<hbm>>
      tpu.wait_dma2 semaphore(%run_scoped3A : memref<!tpu.dma_semaphore, #tpu.memory_space<semaphore_mem>>) src(%arg10 : memref<32x128xf32, #tpu.memory_space<vmem>>) dst(%dma_wait3A_101 : memref<32x128xf32, #tpu.memory_space<hbm>>)
      tpu.yield
    }) : () -> ()
    %add3A_86 = arith.constant 544 : i32
    %add3A_87 = arith.addi %mul3A_8, %add3A_86 : i32
    "tpu.region"() ({
      %run_scoped3A = tpu.sem_alloc : memref<!tpu.dma_semaphore, #tpu.memory_space<semaphore_mem>>
      %dma_start3A = arith.constant 0 : i32
      %dma_start3A_92 = tpu.memref_slice %arg11[%add3A_87, %dma_start3A] : memref<10240x128xf32, #tpu.memory_space<vmem_shared>> -> memref<32x128xf32, #tpu.memory_space<vmem_shared>>
      %dma_start3A_93 = arith.constant 0 : i32
      %dma_start3A_94 = tpu.memref_slice %arg11[%add3A_87, %dma_start3A_93] : memref<10240x128xf32, #tpu.memory_space<vmem_shared>> -> memref<32x128xf32, #tpu.memory_space<vmem_shared>>
      tpu.enqueue_dma source(%dma_start3A_94 : memref<32x128xf32, #tpu.memory_space<vmem_shared>>) target(%arg10 : memref<32x128xf32, #tpu.memory_space<vmem>>) target_semaphore(%run_scoped3A : memref<!tpu.dma_semaphore, #tpu.memory_space<semaphore_mem>>)
      %dma_wait3A = arith.constant 0 : i32
      %dma_wait3A_95 = tpu.memref_slice %arg11[%add3A_87, %dma_wait3A] : memref<10240x128xf32, #tpu.memory_space<vmem_shared>> -> memref<32x128xf32, #tpu.memory_space<vmem_shared>>
      %dma_wait3A_96 = arith.constant 0 : i32
      %dma_wait3A_97 = tpu.memref_slice %arg11[%add3A_87, %dma_wait3A_96] : memref<10240x128xf32, #tpu.memory_space<vmem_shared>> -> memref<32x128xf32, #tpu.memory_space<vmem_shared>>
      tpu.wait_dma2 semaphore(%run_scoped3A : memref<!tpu.dma_semaphore, #tpu.memory_space<semaphore_mem>>) src(%dma_wait3A_97 : memref<32x128xf32, #tpu.memory_space<vmem_shared>>) dst(%arg10 : memref<32x128xf32, #tpu.memory_space<vmem>>)
      tpu.yield
    }) : () -> ()
    "tpu.region"() ({
      %run_scoped3A = tpu.sem_alloc : memref<!tpu.dma_semaphore, #tpu.memory_space<semaphore_mem>>
      %dma_start3A = arith.constant 0 : i32
      %dma_start3A_92 = tpu.memref_slice %arg5[%arg0, %add3A_87, %dma_start3A] : memref<2x10240x128xf32, #tpu.memory_space<hbm>> -> memref<1x32x128xf32, #tpu.memory_space<hbm>>
      %dma_start3A_93 = tpu.memref_squeeze %dma_start3A_92 : memref<1x32x128xf32, #tpu.memory_space<hbm>> -> memref<32x128xf32, #tpu.memory_space<hbm>>
      %dma_start3A_94 = arith.constant 0 : i32
      %dma_start3A_95 = tpu.memref_slice %arg5[%arg0, %add3A_87, %dma_start3A_94] : memref<2x10240x128xf32, #tpu.memory_space<hbm>> -> memref<1x32x128xf32, #tpu.memory_space<hbm>>
      %dma_start3A_96 = tpu.memref_squeeze %dma_start3A_95 : memref<1x32x128xf32, #tpu.memory_space<hbm>> -> memref<32x128xf32, #tpu.memory_space<hbm>>
      tpu.enqueue_dma source(%arg10 : memref<32x128xf32, #tpu.memory_space<vmem>>) target(%dma_start3A_96 : memref<32x128xf32, #tpu.memory_space<hbm>>) target_semaphore(%run_scoped3A : memref<!tpu.dma_semaphore, #tpu.memory_space<semaphore_mem>>)
      %dma_wait3A = arith.constant 0 : i32
      %dma_wait3A_97 = tpu.memref_slice %arg5[%arg0, %add3A_87, %dma_wait3A] : memref<2x10240x128xf32, #tpu.memory_space<hbm>> -> memref<1x32x128xf32, #tpu.memory_space<hbm>>
      %dma_wait3A_98 = tpu.memref_squeeze %dma_wait3A_97 : memref<1x32x128xf32, #tpu.memory_space<hbm>> -> memref<32x128xf32, #tpu.memory_space<hbm>>
      %dma_wait3A_99 = arith.constant 0 : i32
      %dma_wait3A_100 = tpu.memref_slice %arg5[%arg0, %add3A_87, %dma_wait3A_99] : memref<2x10240x128xf32, #tpu.memory_space<hbm>> -> memref<1x32x128xf32, #tpu.memory_space<hbm>>
      %dma_wait3A_101 = tpu.memref_squeeze %dma_wait3A_100 : memref<1x32x128xf32, #tpu.memory_space<hbm>> -> memref<32x128xf32, #tpu.memory_space<hbm>>
      tpu.wait_dma2 semaphore(%run_scoped3A : memref<!tpu.dma_semaphore, #tpu.memory_space<semaphore_mem>>) src(%arg10 : memref<32x128xf32, #tpu.memory_space<vmem>>) dst(%dma_wait3A_101 : memref<32x128xf32, #tpu.memory_space<hbm>>)
      tpu.yield
    }) : () -> ()
    %add3A_88 = arith.constant 576 : i32
    %add3A_89 = arith.addi %mul3A_8, %add3A_88 : i32
    "tpu.region"() ({
      %run_scoped3A = tpu.sem_alloc : memref<!tpu.dma_semaphore, #tpu.memory_space<semaphore_mem>>
      %dma_start3A = arith.constant 0 : i32
      %dma_start3A_92 = tpu.memref_slice %arg11[%add3A_89, %dma_start3A] : memref<10240x128xf32, #tpu.memory_space<vmem_shared>> -> memref<32x128xf32, #tpu.memory_space<vmem_shared>>
      %dma_start3A_93 = arith.constant 0 : i32
      %dma_start3A_94 = tpu.memref_slice %arg11[%add3A_89, %dma_start3A_93] : memref<10240x128xf32, #tpu.memory_space<vmem_shared>> -> memref<32x128xf32, #tpu.memory_space<vmem_shared>>
      tpu.enqueue_dma source(%dma_start3A_94 : memref<32x128xf32, #tpu.memory_space<vmem_shared>>) target(%arg10 : memref<32x128xf32, #tpu.memory_space<vmem>>) target_semaphore(%run_scoped3A : memref<!tpu.dma_semaphore, #tpu.memory_space<semaphore_mem>>)
      %dma_wait3A = arith.constant 0 : i32
      %dma_wait3A_95 = tpu.memref_slice %arg11[%add3A_89, %dma_wait3A] : memref<10240x128xf32, #tpu.memory_space<vmem_shared>> -> memref<32x128xf32, #tpu.memory_space<vmem_shared>>
      %dma_wait3A_96 = arith.constant 0 : i32
      %dma_wait3A_97 = tpu.memref_slice %arg11[%add3A_89, %dma_wait3A_96] : memref<10240x128xf32, #tpu.memory_space<vmem_shared>> -> memref<32x128xf32, #tpu.memory_space<vmem_shared>>
      tpu.wait_dma2 semaphore(%run_scoped3A : memref<!tpu.dma_semaphore, #tpu.memory_space<semaphore_mem>>) src(%dma_wait3A_97 : memref<32x128xf32, #tpu.memory_space<vmem_shared>>) dst(%arg10 : memref<32x128xf32, #tpu.memory_space<vmem>>)
      tpu.yield
    }) : () -> ()
    "tpu.region"() ({
      %run_scoped3A = tpu.sem_alloc : memref<!tpu.dma_semaphore, #tpu.memory_space<semaphore_mem>>
      %dma_start3A = arith.constant 0 : i32
      %dma_start3A_92 = tpu.memref_slice %arg5[%arg0, %add3A_89, %dma_start3A] : memref<2x10240x128xf32, #tpu.memory_space<hbm>> -> memref<1x32x128xf32, #tpu.memory_space<hbm>>
      %dma_start3A_93 = tpu.memref_squeeze %dma_start3A_92 : memref<1x32x128xf32, #tpu.memory_space<hbm>> -> memref<32x128xf32, #tpu.memory_space<hbm>>
      %dma_start3A_94 = arith.constant 0 : i32
      %dma_start3A_95 = tpu.memref_slice %arg5[%arg0, %add3A_89, %dma_start3A_94] : memref<2x10240x128xf32, #tpu.memory_space<hbm>> -> memref<1x32x128xf32, #tpu.memory_space<hbm>>
      %dma_start3A_96 = tpu.memref_squeeze %dma_start3A_95 : memref<1x32x128xf32, #tpu.memory_space<hbm>> -> memref<32x128xf32, #tpu.memory_space<hbm>>
      tpu.enqueue_dma source(%arg10 : memref<32x128xf32, #tpu.memory_space<vmem>>) target(%dma_start3A_96 : memref<32x128xf32, #tpu.memory_space<hbm>>) target_semaphore(%run_scoped3A : memref<!tpu.dma_semaphore, #tpu.memory_space<semaphore_mem>>)
      %dma_wait3A = arith.constant 0 : i32
      %dma_wait3A_97 = tpu.memref_slice %arg5[%arg0, %add3A_89, %dma_wait3A] : memref<2x10240x128xf32, #tpu.memory_space<hbm>> -> memref<1x32x128xf32, #tpu.memory_space<hbm>>
      %dma_wait3A_98 = tpu.memref_squeeze %dma_wait3A_97 : memref<1x32x128xf32, #tpu.memory_space<hbm>> -> memref<32x128xf32, #tpu.memory_space<hbm>>
      %dma_wait3A_99 = arith.constant 0 : i32
      %dma_wait3A_100 = tpu.memref_slice %arg5[%arg0, %add3A_89, %dma_wait3A_99] : memref<2x10240x128xf32, #tpu.memory_space<hbm>> -> memref<1x32x128xf32, #tpu.memory_space<hbm>>
      %dma_wait3A_101 = tpu.memref_squeeze %dma_wait3A_100 : memref<1x32x128xf32, #tpu.memory_space<hbm>> -> memref<32x128xf32, #tpu.memory_space<hbm>>
      tpu.wait_dma2 semaphore(%run_scoped3A : memref<!tpu.dma_semaphore, #tpu.memory_space<semaphore_mem>>) src(%arg10 : memref<32x128xf32, #tpu.memory_space<vmem>>) dst(%dma_wait3A_101 : memref<32x128xf32, #tpu.memory_space<hbm>>)
      tpu.yield
    }) : () -> ()
    %add3A_90 = arith.constant 608 : i32
    %add3A_91 = arith.addi %mul3A_8, %add3A_90 : i32
    "tpu.region"() ({
      %run_scoped3A = tpu.sem_alloc : memref<!tpu.dma_semaphore, #tpu.memory_space<semaphore_mem>>
      %dma_start3A = arith.constant 0 : i32
      %dma_start3A_92 = tpu.memref_slice %arg11[%add3A_91, %dma_start3A] : memref<10240x128xf32, #tpu.memory_space<vmem_shared>> -> memref<32x128xf32, #tpu.memory_space<vmem_shared>>
      %dma_start3A_93 = arith.constant 0 : i32
      %dma_start3A_94 = tpu.memref_slice %arg11[%add3A_91, %dma_start3A_93] : memref<10240x128xf32, #tpu.memory_space<vmem_shared>> -> memref<32x128xf32, #tpu.memory_space<vmem_shared>>
      tpu.enqueue_dma source(%dma_start3A_94 : memref<32x128xf32, #tpu.memory_space<vmem_shared>>) target(%arg10 : memref<32x128xf32, #tpu.memory_space<vmem>>) target_semaphore(%run_scoped3A : memref<!tpu.dma_semaphore, #tpu.memory_space<semaphore_mem>>)
      %dma_wait3A = arith.constant 0 : i32
      %dma_wait3A_95 = tpu.memref_slice %arg11[%add3A_91, %dma_wait3A] : memref<10240x128xf32, #tpu.memory_space<vmem_shared>> -> memref<32x128xf32, #tpu.memory_space<vmem_shared>>
      %dma_wait3A_96 = arith.constant 0 : i32
      %dma_wait3A_97 = tpu.memref_slice %arg11[%add3A_91, %dma_wait3A_96] : memref<10240x128xf32, #tpu.memory_space<vmem_shared>> -> memref<32x128xf32, #tpu.memory_space<vmem_shared>>
      tpu.wait_dma2 semaphore(%run_scoped3A : memref<!tpu.dma_semaphore, #tpu.memory_space<semaphore_mem>>) src(%dma_wait3A_97 : memref<32x128xf32, #tpu.memory_space<vmem_shared>>) dst(%arg10 : memref<32x128xf32, #tpu.memory_space<vmem>>)
      tpu.yield
    }) : () -> ()
    "tpu.region"() ({
      %run_scoped3A = tpu.sem_alloc : memref<!tpu.dma_semaphore, #tpu.memory_space<semaphore_mem>>
      %dma_start3A = arith.constant 0 : i32
      %dma_start3A_92 = tpu.memref_slice %arg5[%arg0, %add3A_91, %dma_start3A] : memref<2x10240x128xf32, #tpu.memory_space<hbm>> -> memref<1x32x128xf32, #tpu.memory_space<hbm>>
      %dma_start3A_93 = tpu.memref_squeeze %dma_start3A_92 : memref<1x32x128xf32, #tpu.memory_space<hbm>> -> memref<32x128xf32, #tpu.memory_space<hbm>>
      %dma_start3A_94 = arith.constant 0 : i32
      %dma_start3A_95 = tpu.memref_slice %arg5[%arg0, %add3A_91, %dma_start3A_94] : memref<2x10240x128xf32, #tpu.memory_space<hbm>> -> memref<1x32x128xf32, #tpu.memory_space<hbm>>
      %dma_start3A_96 = tpu.memref_squeeze %dma_start3A_95 : memref<1x32x128xf32, #tpu.memory_space<hbm>> -> memref<32x128xf32, #tpu.memory_space<hbm>>
      tpu.enqueue_dma source(%arg10 : memref<32x128xf32, #tpu.memory_space<vmem>>) target(%dma_start3A_96 : memref<32x128xf32, #tpu.memory_space<hbm>>) target_semaphore(%run_scoped3A : memref<!tpu.dma_semaphore, #tpu.memory_space<semaphore_mem>>)
      %dma_wait3A = arith.constant 0 : i32
      %dma_wait3A_97 = tpu.memref_slice %arg5[%arg0, %add3A_91, %dma_wait3A] : memref<2x10240x128xf32, #tpu.memory_space<hbm>> -> memref<1x32x128xf32, #tpu.memory_space<hbm>>
      %dma_wait3A_98 = tpu.memref_squeeze %dma_wait3A_97 : memref<1x32x128xf32, #tpu.memory_space<hbm>> -> memref<32x128xf32, #tpu.memory_space<hbm>>
      %dma_wait3A_99 = arith.constant 0 : i32
      %dma_wait3A_100 = tpu.memref_slice %arg5[%arg0, %add3A_91, %dma_wait3A_99] : memref<2x10240x128xf32, #tpu.memory_space<hbm>> -> memref<1x32x128xf32, #tpu.memory_space<hbm>>
      %dma_wait3A_101 = tpu.memref_squeeze %dma_wait3A_100 : memref<1x32x128xf32, #tpu.memory_space<hbm>> -> memref<32x128xf32, #tpu.memory_space<hbm>>
      tpu.wait_dma2 semaphore(%run_scoped3A : memref<!tpu.dma_semaphore, #tpu.memory_space<semaphore_mem>>) src(%arg10 : memref<32x128xf32, #tpu.memory_space<vmem>>) dst(%dma_wait3A_101 : memref<32x128xf32, #tpu.memory_space<hbm>>)
      tpu.yield
    }) : () -> ()
    return
  }
}

#map = affine_map<(d0, d1) -> (0)>
#map1 = affine_map<(d0, d1) -> (0, 0)>
module attributes {stable_mosaic.version = 14 : i64} {
  func.func @_deg_kernel(%arg0: i32, %arg1: i32, %arg2: memref<327680xi32, #tpu.memory_space<hbm>>, %arg3: memref<2x10240xi32, #tpu.memory_space<hbm>>, %arg4: memref<10240xi32, #tpu.memory_space<vmem>>, %arg5: memref<10240xi32, #tpu.memory_space<vmem>>, %arg6: memref<16x640xi32, #tpu.memory_space<vmem>>, %arg7: memref<640xi32, #tpu.memory_space<vmem>>, %arg8: memref<16x10240xi32, #tpu.memory_space<vmem_shared>>) attributes {dimension_semantics = [#tpu.dimension_semantics<core_parallel>, #tpu.dimension_semantics<subcore_parallel>], iteration_bounds = array<i64: 2, 16>, scalar_prefetch = 0 : i64, scratch_operands = 5 : i64, tpu.core_type = #tpu.core_type<sc_vector_subcore>, window_params = [{transform_indices = #map}, {transform_indices = #map1}]} {
    %mul3A = arith.constant 2 : i32
    %mul3A_0 = arith.muli %arg1, %mul3A : i32
    %add3A = arith.addi %mul3A_0, %arg0 : i32
    %broadcast_in_dim3A = arith.constant 0 : i32
    %broadcast_in_dim3A_1 = vector.broadcast %broadcast_in_dim3A : i32 to vector<16xi32>
    %broadcast_in_dim3A_2 = arith.constant 1 : i32
    %broadcast_in_dim3A_3 = vector.broadcast %broadcast_in_dim3A_2 : i32 to vector<16xi32>
    %scan3A = arith.constant 0 : i32
    %scan3A_4 = arith.constant 0 : i32
    %scan3A_5 = arith.constant 640 : i32
    %scan3A_6 = arith.addi %scan3A_4, %scan3A_5 : i32
    %scan3A_7 = arith.constant 1 : i32
    scf.for %scan3A_31 = %scan3A_4 to %scan3A_6 step %scan3A_7  : i32 {
      %mul3A_32 = arith.constant 16 : i32
      %mul3A_33 = arith.muli %scan3A_31, %mul3A_32 : i32
      %swap3A = arith.index_cast %mul3A_33 : i32 to index
      %swap3A_34 = tpu.vector_load %arg4[%swap3A] {strides = array<i32>} : memref<10240xi32, #tpu.memory_space<vmem>>, vector<16xi32>,
      tpu.vector_store %arg4[%swap3A], %broadcast_in_dim3A_1 {strides = array<i32>} : memref<10240xi32, #tpu.memory_space<vmem>>, vector<16xi32>,
    }
    %scan3A_8 = arith.constant 640 : i32
    %mul3A_9 = arith.constant 10240 : i32
    %mul3A_10 = arith.muli %add3A, %mul3A_9 : i32
    "tpu.region"() ({
      %run_scoped3A = tpu.sem_alloc : memref<!tpu.dma_semaphore, #tpu.memory_space<semaphore_mem>>
      %dma_start3A = tpu.memref_slice %arg2[%mul3A_10] : memref<327680xi32, #tpu.memory_space<hbm>> -> memref<10240xi32, #tpu.memory_space<hbm>>
      %dma_start3A_31 = tpu.memref_slice %arg2[%mul3A_10] : memref<327680xi32, #tpu.memory_space<hbm>> -> memref<10240xi32, #tpu.memory_space<hbm>>
      tpu.enqueue_dma source(%dma_start3A_31 : memref<10240xi32, #tpu.memory_space<hbm>>) target(%arg5 : memref<10240xi32, #tpu.memory_space<vmem>>) target_semaphore(%run_scoped3A : memref<!tpu.dma_semaphore, #tpu.memory_space<semaphore_mem>>)
      %dma_wait3A = tpu.memref_slice %arg2[%mul3A_10] : memref<327680xi32, #tpu.memory_space<hbm>> -> memref<10240xi32, #tpu.memory_space<hbm>>
      %dma_wait3A_32 = tpu.memref_slice %arg2[%mul3A_10] : memref<327680xi32, #tpu.memory_space<hbm>> -> memref<10240xi32, #tpu.memory_space<hbm>>
      tpu.wait_dma2 semaphore(%run_scoped3A : memref<!tpu.dma_semaphore, #tpu.memory_space<semaphore_mem>>) src(%dma_wait3A_32 : memref<10240xi32, #tpu.memory_space<hbm>>) dst(%arg5 : memref<10240xi32, #tpu.memory_space<vmem>>)
      tpu.yield
    }) : () -> ()
    %scan3A_11 = arith.constant 0 : i32
    %scan3A_12 = arith.constant 0 : i32
    %scan3A_13 = arith.constant 640 : i32
    %scan3A_14 = arith.addi %scan3A_12, %scan3A_13 : i32
    %scan3A_15 = arith.constant 1 : i32
    scf.for %scan3A_31 = %scan3A_12 to %scan3A_14 step %scan3A_15  : i32 {
      %mul3A_32 = arith.constant 16 : i32
      %mul3A_33 = arith.muli %scan3A_31, %mul3A_32 : i32
      %get3A = arith.index_cast %mul3A_33 : i32 to index
      %get3A_34 = tpu.vector_load %arg5[%get3A] {strides = array<i32>} : memref<10240xi32, #tpu.memory_space<vmem>>, vector<16xi32>,
      tpu.vector_store_idx %arg4[%get3A_34], %broadcast_in_dim3A_3 {add = true} : memref<10240xi32, #tpu.memory_space<vmem>>[vector<16xi32>], vector<16xi32>,
    }
    %scan3A_16 = arith.constant 640 : i32
    "tpu.region"() ({
      %run_scoped3A = tpu.sem_alloc : memref<!tpu.dma_semaphore, #tpu.memory_space<semaphore_mem>>
      %dma_start3A = arith.constant 0 : i32
      %dma_start3A_31 = tpu.memref_slice %arg8[%arg1, %dma_start3A] : memref<16x10240xi32, #tpu.memory_space<vmem_shared>> -> memref<1x10240xi32, #tpu.memory_space<vmem_shared>>
      %dma_start3A_32 = tpu.memref_squeeze %dma_start3A_31 : memref<1x10240xi32, #tpu.memory_space<vmem_shared>> -> memref<10240xi32, #tpu.memory_space<vmem_shared>>
      %dma_start3A_33 = arith.constant 0 : i32
      %dma_start3A_34 = tpu.memref_slice %arg8[%arg1, %dma_start3A_33] : memref<16x10240xi32, #tpu.memory_space<vmem_shared>> -> memref<1x10240xi32, #tpu.memory_space<vmem_shared>>
      %dma_start3A_35 = tpu.memref_squeeze %dma_start3A_34 : memref<1x10240xi32, #tpu.memory_space<vmem_shared>> -> memref<10240xi32, #tpu.memory_space<vmem_shared>>
      tpu.enqueue_dma source(%arg4 : memref<10240xi32, #tpu.memory_space<vmem>>) target(%dma_start3A_35 : memref<10240xi32, #tpu.memory_space<vmem_shared>>) target_semaphore(%run_scoped3A : memref<!tpu.dma_semaphore, #tpu.memory_space<semaphore_mem>>)
      %dma_wait3A = arith.constant 0 : i32
      %dma_wait3A_36 = tpu.memref_slice %arg8[%arg1, %dma_wait3A] : memref<16x10240xi32, #tpu.memory_space<vmem_shared>> -> memref<1x10240xi32, #tpu.memory_space<vmem_shared>>
      %dma_wait3A_37 = tpu.memref_squeeze %dma_wait3A_36 : memref<1x10240xi32, #tpu.memory_space<vmem_shared>> -> memref<10240xi32, #tpu.memory_space<vmem_shared>>
      %dma_wait3A_38 = arith.constant 0 : i32
      %dma_wait3A_39 = tpu.memref_slice %arg8[%arg1, %dma_wait3A_38] : memref<16x10240xi32, #tpu.memory_space<vmem_shared>> -> memref<1x10240xi32, #tpu.memory_space<vmem_shared>>
      %dma_wait3A_40 = tpu.memref_squeeze %dma_wait3A_39 : memref<1x10240xi32, #tpu.memory_space<vmem_shared>> -> memref<10240xi32, #tpu.memory_space<vmem_shared>>
      tpu.wait_dma2 semaphore(%run_scoped3A : memref<!tpu.dma_semaphore, #tpu.memory_space<semaphore_mem>>) src(%arg4 : memref<10240xi32, #tpu.memory_space<vmem>>) dst(%dma_wait3A_40 : memref<10240xi32, #tpu.memory_space<vmem_shared>>)
      tpu.yield
    }) : () -> ()
    %barrier3A = arith.constant 0 : index
    tpu.barrier barrier_id(%barrier3A)
    %scan3A_17 = arith.constant 0 : i32
    %scan3A_18 = arith.constant 0 : i32
    %scan3A_19 = arith.constant 16 : i32
    %scan3A_20 = arith.addi %scan3A_18, %scan3A_19 : i32
    %scan3A_21 = arith.constant 1 : i32
    scf.for %scan3A_31 = %scan3A_18 to %scan3A_20 step %scan3A_21  : i32 {
      %mul3A_32 = arith.constant 640 : i32
      %mul3A_33 = arith.muli %arg1, %mul3A_32 : i32
      "tpu.region"() ({
        %run_scoped3A = tpu.sem_alloc : memref<!tpu.dma_semaphore, #tpu.memory_space<semaphore_mem>>
        %dma_start3A = arith.constant 0 : i32
        %dma_start3A_34 = tpu.memref_slice %arg6[%scan3A_31, %dma_start3A] : memref<16x640xi32, #tpu.memory_space<vmem>> -> memref<1x640xi32, #tpu.memory_space<vmem>>
        %dma_start3A_35 = tpu.memref_squeeze %dma_start3A_34 : memref<1x640xi32, #tpu.memory_space<vmem>> -> memref<640xi32, #tpu.memory_space<vmem>>
        %dma_start3A_36 = tpu.memref_slice %arg8[%scan3A_31, %mul3A_33] : memref<16x10240xi32, #tpu.memory_space<vmem_shared>> -> memref<1x640xi32, #tpu.memory_space<vmem_shared>>
        %dma_start3A_37 = tpu.memref_squeeze %dma_start3A_36 : memref<1x640xi32, #tpu.memory_space<vmem_shared>> -> memref<640xi32, #tpu.memory_space<vmem_shared>>
        %dma_start3A_38 = arith.constant 0 : i32
        %dma_start3A_39 = tpu.memref_slice %arg6[%scan3A_31, %dma_start3A_38] : memref<16x640xi32, #tpu.memory_space<vmem>> -> memref<1x640xi32, #tpu.memory_space<vmem>>
        %dma_start3A_40 = tpu.memref_squeeze %dma_start3A_39 : memref<1x640xi32, #tpu.memory_space<vmem>> -> memref<640xi32, #tpu.memory_space<vmem>>
        %dma_start3A_41 = tpu.memref_slice %arg8[%scan3A_31, %mul3A_33] : memref<16x10240xi32, #tpu.memory_space<vmem_shared>> -> memref<1x640xi32, #tpu.memory_space<vmem_shared>>
        %dma_start3A_42 = tpu.memref_squeeze %dma_start3A_41 : memref<1x640xi32, #tpu.memory_space<vmem_shared>> -> memref<640xi32, #tpu.memory_space<vmem_shared>>
        tpu.enqueue_dma source(%dma_start3A_42 : memref<640xi32, #tpu.memory_space<vmem_shared>>) target(%dma_start3A_40 : memref<640xi32, #tpu.memory_space<vmem>>) target_semaphore(%run_scoped3A : memref<!tpu.dma_semaphore, #tpu.memory_space<semaphore_mem>>)
        %dma_wait3A = arith.constant 0 : i32
        %dma_wait3A_43 = tpu.memref_slice %arg6[%scan3A_31, %dma_wait3A] : memref<16x640xi32, #tpu.memory_space<vmem>> -> memref<1x640xi32, #tpu.memory_space<vmem>>
        %dma_wait3A_44 = tpu.memref_squeeze %dma_wait3A_43 : memref<1x640xi32, #tpu.memory_space<vmem>> -> memref<640xi32, #tpu.memory_space<vmem>>
        %dma_wait3A_45 = tpu.memref_slice %arg8[%scan3A_31, %mul3A_33] : memref<16x10240xi32, #tpu.memory_space<vmem_shared>> -> memref<1x640xi32, #tpu.memory_space<vmem_shared>>
        %dma_wait3A_46 = tpu.memref_squeeze %dma_wait3A_45 : memref<1x640xi32, #tpu.memory_space<vmem_shared>> -> memref<640xi32, #tpu.memory_space<vmem_shared>>
        %dma_wait3A_47 = arith.constant 0 : i32
        %dma_wait3A_48 = tpu.memref_slice %arg6[%scan3A_31, %dma_wait3A_47] : memref<16x640xi32, #tpu.memory_space<vmem>> -> memref<1x640xi32, #tpu.memory_space<vmem>>
        %dma_wait3A_49 = tpu.memref_squeeze %dma_wait3A_48 : memref<1x640xi32, #tpu.memory_space<vmem>> -> memref<640xi32, #tpu.memory_space<vmem>>
        %dma_wait3A_50 = tpu.memref_slice %arg8[%scan3A_31, %mul3A_33] : memref<16x10240xi32, #tpu.memory_space<vmem_shared>> -> memref<1x640xi32, #tpu.memory_space<vmem_shared>>
        %dma_wait3A_51 = tpu.memref_squeeze %dma_wait3A_50 : memref<1x640xi32, #tpu.memory_space<vmem_shared>> -> memref<640xi32, #tpu.memory_space<vmem_shared>>
        tpu.wait_dma2 semaphore(%run_scoped3A : memref<!tpu.dma_semaphore, #tpu.memory_space<semaphore_mem>>) src(%dma_wait3A_51 : memref<640xi32, #tpu.memory_space<vmem_shared>>) dst(%dma_wait3A_49 : memref<640xi32, #tpu.memory_space<vmem>>)
        tpu.yield
      }) : () -> ()
    }
    %scan3A_22 = arith.constant 16 : i32
    %scan3A_23 = arith.constant 0 : i32
    %scan3A_24 = arith.constant 0 : i32
    %scan3A_25 = arith.constant 40 : i32
    %scan3A_26 = arith.addi %scan3A_24, %scan3A_25 : i32
    %scan3A_27 = arith.constant 1 : i32
    scf.for %scan3A_31 = %scan3A_24 to %scan3A_26 step %scan3A_27  : i32 {
      %mul3A_32 = arith.constant 16 : i32
      %mul3A_33 = arith.muli %scan3A_31, %mul3A_32 : i32
      %get3A = arith.constant 0 : i32
      %get3A_34 = arith.index_cast %get3A : i32 to index
      %get3A_35 = arith.index_cast %mul3A_33 : i32 to index
      %get3A_36 = tpu.vector_load %arg6[%get3A_34, %get3A_35] {strides = array<i32>} : memref<16x640xi32, #tpu.memory_space<vmem>>, vector<16xi32>,
      %mul3A_37 = arith.constant 16 : i32
      %mul3A_38 = arith.muli %scan3A_31, %mul3A_37 : i32
      %get3A_39 = arith.constant 1 : i32
      %get3A_40 = arith.index_cast %get3A_39 : i32 to index
      %get3A_41 = arith.index_cast %mul3A_38 : i32 to index
      %get3A_42 = tpu.vector_load %arg6[%get3A_40, %get3A_41] {strides = array<i32>} : memref<16x640xi32, #tpu.memory_space<vmem>>, vector<16xi32>,
      %add3A_43 = arith.addi %get3A_36, %get3A_42 : vector<16xi32>
      %mul3A_44 = arith.constant 16 : i32
      %mul3A_45 = arith.muli %scan3A_31, %mul3A_44 : i32
      %get3A_46 = arith.constant 2 : i32
      %get3A_47 = arith.index_cast %get3A_46 : i32 to index
      %get3A_48 = arith.index_cast %mul3A_45 : i32 to index
      %get3A_49 = tpu.vector_load %arg6[%get3A_47, %get3A_48] {strides = array<i32>} : memref<16x640xi32, #tpu.memory_space<vmem>>, vector<16xi32>,
      %add3A_50 = arith.addi %add3A_43, %get3A_49 : vector<16xi32>
      %mul3A_51 = arith.constant 16 : i32
      %mul3A_52 = arith.muli %scan3A_31, %mul3A_51 : i32
      %get3A_53 = arith.constant 3 : i32
      %get3A_54 = arith.index_cast %get3A_53 : i32 to index
      %get3A_55 = arith.index_cast %mul3A_52 : i32 to index
      %get3A_56 = tpu.vector_load %arg6[%get3A_54, %get3A_55] {strides = array<i32>} : memref<16x640xi32, #tpu.memory_space<vmem>>, vector<16xi32>,
      %add3A_57 = arith.addi %add3A_50, %get3A_56 : vector<16xi32>
      %mul3A_58 = arith.constant 16 : i32
      %mul3A_59 = arith.muli %scan3A_31, %mul3A_58 : i32
      %get3A_60 = arith.constant 4 : i32
      %get3A_61 = arith.index_cast %get3A_60 : i32 to index
      %get3A_62 = arith.index_cast %mul3A_59 : i32 to index
      %get3A_63 = tpu.vector_load %arg6[%get3A_61, %get3A_62] {strides = array<i32>} : memref<16x640xi32, #tpu.memory_space<vmem>>, vector<16xi32>,
      %add3A_64 = arith.addi %add3A_57, %get3A_63 : vector<16xi32>
      %mul3A_65 = arith.constant 16 : i32
      %mul3A_66 = arith.muli %scan3A_31, %mul3A_65 : i32
      %get3A_67 = arith.constant 5 : i32
      %get3A_68 = arith.index_cast %get3A_67 : i32 to index
      %get3A_69 = arith.index_cast %mul3A_66 : i32 to index
      %get3A_70 = tpu.vector_load %arg6[%get3A_68, %get3A_69] {strides = array<i32>} : memref<16x640xi32, #tpu.memory_space<vmem>>, vector<16xi32>,
      %add3A_71 = arith.addi %add3A_64, %get3A_70 : vector<16xi32>
      %mul3A_72 = arith.constant 16 : i32
      %mul3A_73 = arith.muli %scan3A_31, %mul3A_72 : i32
      %get3A_74 = arith.constant 6 : i32
      %get3A_75 = arith.index_cast %get3A_74 : i32 to index
      %get3A_76 = arith.index_cast %mul3A_73 : i32 to index
      %get3A_77 = tpu.vector_load %arg6[%get3A_75, %get3A_76] {strides = array<i32>} : memref<16x640xi32, #tpu.memory_space<vmem>>, vector<16xi32>,
      %add3A_78 = arith.addi %add3A_71, %get3A_77 : vector<16xi32>
      %mul3A_79 = arith.constant 16 : i32
      %mul3A_80 = arith.muli %scan3A_31, %mul3A_79 : i32
      %get3A_81 = arith.constant 7 : i32
      %get3A_82 = arith.index_cast %get3A_81 : i32 to index
      %get3A_83 = arith.index_cast %mul3A_80 : i32 to index
      %get3A_84 = tpu.vector_load %arg6[%get3A_82, %get3A_83] {strides = array<i32>} : memref<16x640xi32, #tpu.memory_space<vmem>>, vector<16xi32>,
      %add3A_85 = arith.addi %add3A_78, %get3A_84 : vector<16xi32>
      %mul3A_86 = arith.constant 16 : i32
      %mul3A_87 = arith.muli %scan3A_31, %mul3A_86 : i32
      %get3A_88 = arith.constant 8 : i32
      %get3A_89 = arith.index_cast %get3A_88 : i32 to index
      %get3A_90 = arith.index_cast %mul3A_87 : i32 to index
      %get3A_91 = tpu.vector_load %arg6[%get3A_89, %get3A_90] {strides = array<i32>} : memref<16x640xi32, #tpu.memory_space<vmem>>, vector<16xi32>,
      %add3A_92 = arith.addi %add3A_85, %get3A_91 : vector<16xi32>
      %mul3A_93 = arith.constant 16 : i32
      %mul3A_94 = arith.muli %scan3A_31, %mul3A_93 : i32
      %get3A_95 = arith.constant 9 : i32
      %get3A_96 = arith.index_cast %get3A_95 : i32 to index
      %get3A_97 = arith.index_cast %mul3A_94 : i32 to index
      %get3A_98 = tpu.vector_load %arg6[%get3A_96, %get3A_97] {strides = array<i32>} : memref<16x640xi32, #tpu.memory_space<vmem>>, vector<16xi32>,
      %add3A_99 = arith.addi %add3A_92, %get3A_98 : vector<16xi32>
      %mul3A_100 = arith.constant 16 : i32
      %mul3A_101 = arith.muli %scan3A_31, %mul3A_100 : i32
      %get3A_102 = arith.constant 10 : i32
      %get3A_103 = arith.index_cast %get3A_102 : i32 to index
      %get3A_104 = arith.index_cast %mul3A_101 : i32 to index
      %get3A_105 = tpu.vector_load %arg6[%get3A_103, %get3A_104] {strides = array<i32>} : memref<16x640xi32, #tpu.memory_space<vmem>>, vector<16xi32>,
      %add3A_106 = arith.addi %add3A_99, %get3A_105 : vector<16xi32>
      %mul3A_107 = arith.constant 16 : i32
      %mul3A_108 = arith.muli %scan3A_31, %mul3A_107 : i32
      %get3A_109 = arith.constant 11 : i32
      %get3A_110 = arith.index_cast %get3A_109 : i32 to index
      %get3A_111 = arith.index_cast %mul3A_108 : i32 to index
      %get3A_112 = tpu.vector_load %arg6[%get3A_110, %get3A_111] {strides = array<i32>} : memref<16x640xi32, #tpu.memory_space<vmem>>, vector<16xi32>,
      %add3A_113 = arith.addi %add3A_106, %get3A_112 : vector<16xi32>
      %mul3A_114 = arith.constant 16 : i32
      %mul3A_115 = arith.muli %scan3A_31, %mul3A_114 : i32
      %get3A_116 = arith.constant 12 : i32
      %get3A_117 = arith.index_cast %get3A_116 : i32 to index
      %get3A_118 = arith.index_cast %mul3A_115 : i32 to index
      %get3A_119 = tpu.vector_load %arg6[%get3A_117, %get3A_118] {strides = array<i32>} : memref<16x640xi32, #tpu.memory_space<vmem>>, vector<16xi32>,
      %add3A_120 = arith.addi %add3A_113, %get3A_119 : vector<16xi32>
      %mul3A_121 = arith.constant 16 : i32
      %mul3A_122 = arith.muli %scan3A_31, %mul3A_121 : i32
      %get3A_123 = arith.constant 13 : i32
      %get3A_124 = arith.index_cast %get3A_123 : i32 to index
      %get3A_125 = arith.index_cast %mul3A_122 : i32 to index
      %get3A_126 = tpu.vector_load %arg6[%get3A_124, %get3A_125] {strides = array<i32>} : memref<16x640xi32, #tpu.memory_space<vmem>>, vector<16xi32>,
      %add3A_127 = arith.addi %add3A_120, %get3A_126 : vector<16xi32>
      %mul3A_128 = arith.constant 16 : i32
      %mul3A_129 = arith.muli %scan3A_31, %mul3A_128 : i32
      %get3A_130 = arith.constant 14 : i32
      %get3A_131 = arith.index_cast %get3A_130 : i32 to index
      %get3A_132 = arith.index_cast %mul3A_129 : i32 to index
      %get3A_133 = tpu.vector_load %arg6[%get3A_131, %get3A_132] {strides = array<i32>} : memref<16x640xi32, #tpu.memory_space<vmem>>, vector<16xi32>,
      %add3A_134 = arith.addi %add3A_127, %get3A_133 : vector<16xi32>
      %mul3A_135 = arith.constant 16 : i32
      %mul3A_136 = arith.muli %scan3A_31, %mul3A_135 : i32
      %get3A_137 = arith.constant 15 : i32
      %get3A_138 = arith.index_cast %get3A_137 : i32 to index
      %get3A_139 = arith.index_cast %mul3A_136 : i32 to index
      %get3A_140 = tpu.vector_load %arg6[%get3A_138, %get3A_139] {strides = array<i32>} : memref<16x640xi32, #tpu.memory_space<vmem>>, vector<16xi32>,
      %add3A_141 = arith.addi %add3A_134, %get3A_140 : vector<16xi32>
      %mul3A_142 = arith.constant 16 : i32
      %mul3A_143 = arith.muli %scan3A_31, %mul3A_142 : i32
      %swap3A = arith.index_cast %mul3A_143 : i32 to index
      %swap3A_144 = tpu.vector_load %arg7[%swap3A] {strides = array<i32>} : memref<640xi32, #tpu.memory_space<vmem>>, vector<16xi32>,
      tpu.vector_store %arg7[%swap3A], %add3A_141 {strides = array<i32>} : memref<640xi32, #tpu.memory_space<vmem>>, vector<16xi32>,
    }
    %scan3A_28 = arith.constant 40 : i32
    %mul3A_29 = arith.constant 640 : i32
    %mul3A_30 = arith.muli %arg1, %mul3A_29 : i32
    "tpu.region"() ({
      %run_scoped3A = tpu.sem_alloc : memref<!tpu.dma_semaphore, #tpu.memory_space<semaphore_mem>>
      %dma_start3A = tpu.memref_slice %arg3[%arg0, %mul3A_30] : memref<2x10240xi32, #tpu.memory_space<hbm>> -> memref<1x640xi32, #tpu.memory_space<hbm>>
      %dma_start3A_31 = tpu.memref_squeeze %dma_start3A : memref<1x640xi32, #tpu.memory_space<hbm>> -> memref<640xi32, #tpu.memory_space<hbm>>
      %dma_start3A_32 = tpu.memref_slice %arg3[%arg0, %mul3A_30] : memref<2x10240xi32, #tpu.memory_space<hbm>> -> memref<1x640xi32, #tpu.memory_space<hbm>>
      %dma_start3A_33 = tpu.memref_squeeze %dma_start3A_32 : memref<1x640xi32, #tpu.memory_space<hbm>> -> memref<640xi32, #tpu.memory_space<hbm>>
      tpu.enqueue_dma source(%arg7 : memref<640xi32, #tpu.memory_space<vmem>>) target(%dma_start3A_33 : memref<640xi32, #tpu.memory_space<hbm>>) target_semaphore(%run_scoped3A : memref<!tpu.dma_semaphore, #tpu.memory_space<semaphore_mem>>)
      %dma_wait3A = tpu.memref_slice %arg3[%arg0, %mul3A_30] : memref<2x10240xi32, #tpu.memory_space<hbm>> -> memref<1x640xi32, #tpu.memory_space<hbm>>
      %dma_wait3A_34 = tpu.memref_squeeze %dma_wait3A : memref<1x640xi32, #tpu.memory_space<hbm>> -> memref<640xi32, #tpu.memory_space<hbm>>
      %dma_wait3A_35 = tpu.memref_slice %arg3[%arg0, %mul3A_30] : memref<2x10240xi32, #tpu.memory_space<hbm>> -> memref<1x640xi32, #tpu.memory_space<hbm>>
      %dma_wait3A_36 = tpu.memref_squeeze %dma_wait3A_35 : memref<1x640xi32, #tpu.memory_space<hbm>> -> memref<640xi32, #tpu.memory_space<hbm>>
      tpu.wait_dma2 semaphore(%run_scoped3A : memref<!tpu.dma_semaphore, #tpu.memory_space<semaphore_mem>>) src(%arg7 : memref<640xi32, #tpu.memory_space<vmem>>) dst(%dma_wait3A_36 : memref<640xi32, #tpu.memory_space<hbm>>)
      tpu.yield
    }) : () -> ()
    return
  }
}

module attributes {stable_mosaic.version = 14 : i64} {
  func.func @_prescale_body(%arg0: i32, %arg1: memref<1024x2xi32, #tpu.memory_space<vmem>>, %arg2: memref<1024x128xf32, #tpu.memory_space<vmem>>, %arg3: memref<1024x128xf32, #tpu.memory_space<vmem>>) attributes {dimension_semantics = [#tpu.dimension_semantics<arbitrary>], iteration_bounds = array<i64: 10>, scalar_prefetch = 0 : i64, scratch_operands = 0 : i64, tpu.core_type = #tpu.core_type<tc>, window_params = [{transform_indices = @transform_0, window_bounds = array<i64: 1024, 2>}, {transform_indices = @transform_1, window_bounds = array<i64: 1024, 128>}, {transform_indices = @transform_2, window_bounds = array<i64: 1024, 128>}]} {
    %get3A = arith.constant 0 : index
    %get3A_0 = arith.constant 0 : index
    %get3A_1 = vector.load %arg1[%get3A, %get3A_0] : memref<1024x2xi32, #tpu.memory_space<vmem>>, vector<1024x1xi32>
    %get3A_2 = vector.shape_cast %get3A_1 : vector<1024x1xi32> to vector<1024xi32>
    %get3A_3 = arith.constant 0 : index
    %get3A_4 = arith.constant 1 : index
    %get3A_5 = vector.load %arg1[%get3A_3, %get3A_4] : memref<1024x2xi32, #tpu.memory_space<vmem>>, vector<1024x1xi32>
    %get3A_6 = vector.shape_cast %get3A_5 : vector<1024x1xi32> to vector<1024xi32>
    %add3A = arith.addi %get3A_2, %get3A_6 : vector<1024xi32>
    %add3A_7 = arith.constant 1 : i32
    %add3A_8 = vector.broadcast %add3A_7 : i32 to vector<1024xi32>
    %add3A_9 = arith.addi %add3A, %add3A_8 : vector<1024xi32>
    %convert_element_type3A = arith.sitofp %add3A_9 : vector<1024xi32> to vector<1024xf32>
    %rsqrt3A = math.rsqrt %convert_element_type3A : vector<1024xf32>
    %get3A_10 = arith.constant 0 : index
    %get3A_11 = arith.constant 0 : index
    %get3A_12 = vector.load %arg2[%get3A_10, %get3A_11] : memref<1024x128xf32, #tpu.memory_space<vmem>>, vector<1024x128xf32>
    %broadcast_in_dim3A = vector.shape_cast %rsqrt3A : vector<1024xf32> to vector<1024x1xf32>
    %mul3A = vector.broadcast %broadcast_in_dim3A : vector<1024x1xf32> to vector<1024x128xf32>
    %mul3A_13 = arith.mulf %get3A_12, %mul3A : vector<1024x128xf32>
    %swap3A = arith.constant 0 : index
    %swap3A_14 = arith.constant 0 : index
    %swap3A_15 = vector.load %arg3[%swap3A, %swap3A_14] : memref<1024x128xf32, #tpu.memory_space<vmem>>, vector<1024x128xf32>
    tpu.vector_store %arg3[%swap3A, %swap3A_14], %mul3A_13 {strides = array<i32>} : memref<1024x128xf32, #tpu.memory_space<vmem>>, vector<1024x128xf32>,
    return
  }
  func.func @transform_0(%arg0: i32) -> (i32, i32) {
    %c0_i32 = arith.constant 0 : i32
    %c0_i32_0 = arith.constant 0 : i32
    return %arg0, %c0_i32 : i32, i32
  }
  func.func @transform_1(%arg0: i32) -> (i32, i32) {
    %c0_i32 = arith.constant 0 : i32
    %c0_i32_0 = arith.constant 0 : i32
    return %arg0, %c0_i32 : i32, i32
  }
  func.func @transform_2(%arg0: i32) -> (i32, i32) {
    %c0_i32 = arith.constant 0 : i32
    %c0_i32_0 = arith.constant 0 : i32
    return %arg0, %c0_i32 : i32, i32
  }
}

module attributes {stable_mosaic.version = 14 : i64} {
  func.func @_out_body(%arg0: i32, %arg1: memref<512x2xi32, #tpu.memory_space<vmem>>, %arg2: memref<512x128xf32, #tpu.memory_space<vmem>>, %arg3: memref<512x128xf32, #tpu.memory_space<vmem>>, %arg4: memref<512x128xf32, #tpu.memory_space<vmem>>, %arg5: memref<128x128xf32, #tpu.memory_space<vmem>>, %arg6: memref<1x128xf32, #tpu.memory_space<vmem>>, %arg7: memref<1x128xf32, #tpu.memory_space<vmem>>, %arg8: memref<512x128xf32, #tpu.memory_space<vmem>>) attributes {dimension_semantics = [#tpu.dimension_semantics<arbitrary>], iteration_bounds = array<i64: 20>, scalar_prefetch = 0 : i64, scratch_operands = 0 : i64, tpu.core_type = #tpu.core_type<tc>, window_params = [{transform_indices = @transform_0, window_bounds = array<i64: 512, 2>}, {transform_indices = @transform_1, window_bounds = array<i64: 512, 128>}, {transform_indices = @transform_2, window_bounds = array<i64: 512, 128>}, {transform_indices = @transform_3, window_bounds = array<i64: 512, 128>}, {pipeline_mode = #tpu.pipeline_mode<synchronous>, transform_indices = @transform_4, window_bounds = array<i64: 128, 128>}, {pipeline_mode = #tpu.pipeline_mode<synchronous>, transform_indices = @transform_5, window_bounds = array<i64: 1, 128>}, {pipeline_mode = #tpu.pipeline_mode<synchronous>, transform_indices = @transform_6, window_bounds = array<i64: 1, 128>}, {transform_indices = @transform_7, window_bounds = array<i64: 512, 128>}]} {
    %get3A = arith.constant 0 : index
    %get3A_0 = arith.constant 0 : index
    %get3A_1 = vector.load %arg1[%get3A, %get3A_0] : memref<512x2xi32, #tpu.memory_space<vmem>>, vector<512x1xi32>
    %get3A_2 = vector.shape_cast %get3A_1 : vector<512x1xi32> to vector<512xi32>
    %get3A_3 = arith.constant 0 : index
    %get3A_4 = arith.constant 1 : index
    %get3A_5 = vector.load %arg1[%get3A_3, %get3A_4] : memref<512x2xi32, #tpu.memory_space<vmem>>, vector<512x1xi32>
    %get3A_6 = vector.shape_cast %get3A_5 : vector<512x1xi32> to vector<512xi32>
    %add3A = arith.addi %get3A_2, %get3A_6 : vector<512xi32>
    %add3A_7 = arith.constant 1 : i32
    %add3A_8 = vector.broadcast %add3A_7 : i32 to vector<512xi32>
    %add3A_9 = arith.addi %add3A, %add3A_8 : vector<512xi32>
    %convert_element_type3A = arith.sitofp %add3A_9 : vector<512xi32> to vector<512xf32>
    %rsqrt3A = math.rsqrt %convert_element_type3A : vector<512xf32>
    %get3A_10 = arith.constant 0 : index
    %get3A_11 = arith.constant 0 : index
    %get3A_12 = vector.load %arg2[%get3A_10, %get3A_11] : memref<512x128xf32, #tpu.memory_space<vmem>>, vector<512x128xf32>
    %get3A_13 = arith.constant 0 : index
    %get3A_14 = arith.constant 0 : index
    %get3A_15 = vector.load %arg3[%get3A_13, %get3A_14] : memref<512x128xf32, #tpu.memory_space<vmem>>, vector<512x128xf32>
    %add3A_16 = arith.addf %get3A_12, %get3A_15 : vector<512x128xf32>
    %get3A_17 = arith.constant 0 : index
    %get3A_18 = arith.constant 0 : index
    %get3A_19 = vector.load %arg4[%get3A_17, %get3A_18] : memref<512x128xf32, #tpu.memory_space<vmem>>, vector<512x128xf32>
    %add3A_20 = arith.addf %add3A_16, %get3A_19 : vector<512x128xf32>
    %broadcast_in_dim3A = vector.shape_cast %rsqrt3A : vector<512xf32> to vector<512x1xf32>
    %mul3A = vector.broadcast %broadcast_in_dim3A : vector<512x1xf32> to vector<512x128xf32>
    %mul3A_21 = arith.mulf %add3A_20, %mul3A : vector<512x128xf32>
    %get3A_22 = arith.constant 0 : index
    %get3A_23 = arith.constant 0 : index
    %get3A_24 = vector.load %arg5[%get3A_22, %get3A_23] : memref<128x128xf32, #tpu.memory_space<vmem>>, vector<128x128xf32>
    %dot_general3A = arith.constant dense<0.000000e+00> : vector<512x128xf32>
    %dot_general3A_25 = tpu.matmul %mul3A_21, %get3A_24, %dot_general3A {dimension_numbers = #tpu.dot_dimension_numbers<[1], [0], [0], [1], [0, 0, 1, 1], [], []>, transpose_lhs_hint = false} : vector<512x128xf32>, vector<128x128xf32>, vector<512x128xf32> -> vector<512x128xf32>
    %get3A_26 = arith.constant 0 : index
    %get3A_27 = arith.constant 0 : index
    %get3A_28 = vector.load %arg6[%get3A_26, %get3A_27] : memref<1x128xf32, #tpu.memory_space<vmem>>, vector<1x128xf32>
    %add3A_29 = vector.broadcast %get3A_28 : vector<1x128xf32> to vector<512x128xf32>
    %add3A_30 = arith.addf %dot_general3A_25, %add3A_29 : vector<512x128xf32>
    %gt3A = arith.constant 0.000000e+00 : f32
    %gt3A_31 = vector.broadcast %gt3A : f32 to vector<512x128xf32>
    %gt3A_32 = arith.cmpf ogt, %add3A_30, %gt3A_31 : vector<512x128xf32>
    %get3A_33 = arith.constant 0 : index
    %get3A_34 = arith.constant 0 : index
    %get3A_35 = vector.load %arg7[%get3A_33, %get3A_34] : memref<1x128xf32, #tpu.memory_space<vmem>>, vector<1x128xf32>
    %mul3A_36 = vector.broadcast %get3A_35 : vector<1x128xf32> to vector<512x128xf32>
    %mul3A_37 = arith.mulf %mul3A_36, %add3A_30 : vector<512x128xf32>
    %select_n3A = arith.select %gt3A_32, %add3A_30, %mul3A_37 : vector<512x128xi1>, vector<512x128xf32>
    %swap3A = arith.constant 0 : index
    %swap3A_38 = arith.constant 0 : index
    %swap3A_39 = vector.load %arg8[%swap3A, %swap3A_38] : memref<512x128xf32, #tpu.memory_space<vmem>>, vector<512x128xf32>
    tpu.vector_store %arg8[%swap3A, %swap3A_38], %select_n3A {strides = array<i32>} : memref<512x128xf32, #tpu.memory_space<vmem>>, vector<512x128xf32>,
    return
  }
  func.func @transform_0(%arg0: i32) -> (i32, i32) {
    %c0_i32 = arith.constant 0 : i32
    %c0_i32_0 = arith.constant 0 : i32
    return %arg0, %c0_i32 : i32, i32
  }
  func.func @transform_1(%arg0: i32) -> (i32, i32) {
    %c0_i32 = arith.constant 0 : i32
    %c0_i32_0 = arith.constant 0 : i32
    return %arg0, %c0_i32 : i32, i32
  }
  func.func @transform_2(%arg0: i32) -> (i32, i32) {
    %c0_i32 = arith.constant 0 : i32
    %c0_i32_0 = arith.constant 0 : i32
    return %arg0, %c0_i32 : i32, i32
  }
  func.func @transform_3(%arg0: i32) -> (i32, i32) {
    %c0_i32 = arith.constant 0 : i32
    %c0_i32_0 = arith.constant 0 : i32
    return %arg0, %c0_i32 : i32, i32
  }
  func.func @transform_4(%arg0: i32) -> (i32, i32) {
    %c0_i32 = arith.constant 0 : i32
    %c0_i32_0 = arith.constant 0 : i32
    %c0_i32_1 = arith.constant 0 : i32
    return %c0_i32, %c0_i32_0 : i32, i32
  }
  func.func @transform_5(%arg0: i32) -> (i32, i32) {
    %c0_i32 = arith.constant 0 : i32
    %c0_i32_0 = arith.constant 0 : i32
    %c0_i32_1 = arith.constant 0 : i32
    return %c0_i32, %c0_i32_0 : i32, i32
  }
  func.func @transform_6(%arg0: i32) -> (i32, i32) {
    %c0_i32 = arith.constant 0 : i32
    %c0_i32_0 = arith.constant 0 : i32
    %c0_i32_1 = arith.constant 0 : i32
    return %c0_i32, %c0_i32_0 : i32, i32
  }
  func.func @transform_7(%arg0: i32) -> (i32, i32) {
    %c0_i32 = arith.constant 0 : i32
    %c0_i32_0 = arith.constant 0 : i32
    return %arg0, %c0_i32 : i32, i32
  }
}

</mosaic_0001>

<sc_bundles>
// kernel: kernel.6.cloned.1.call-start
scs
__scs_entry_jumppad:
0x0: {  	(pc) =	sbr.rel $0x88, $3  }
0x1: {  	(tag) =	ssettag $0x0;
	lr =	simm.s32 $0x1  }
0x2: {  	[smem:$0x3F9C] =	sst lr;
	_ =	strace $0xD0000000  }
0x3: {  	_ = 	snop  }
0x4: {  	_ = 	snop  }
0x5: {  	_ = 	snop  }
0x6: {  	_ = 	snop  }
0x7: {  	_ = 	snop  }
__scs_overlays_trampoline_lowered:
0x8: {  	[smem:$0x3FAB] =	sst s0  }
0x9: {  	[smem:$0x3FAC] =	sst s1  }
0xa: {  	[smem:$0x3FAD] =	sst s2  }
0xb: {  	[smem:$0x3FAE] =	sst s3  }
0xc: {  	[smem:$0x3FAF] =	sst s4  }
0xd: {  	[smem:$0x3FB0] =	sst s5  }
0xe: {  	[smem:$0x3FB1] =	sst s6  }
0xf: {  	[smem:$0x3FB2] =	sst s7  }
0x10: {  	[smem:$0x3FB3] =	sst s8  }
0x11: {  	[smem:$0x3FB4] =	sst s9;
	s0 =	simm.s32 @!p0 $0x0  }
0x12: {  	s1 =	sld [smem:$0x3F9A];
	s0 =	simm.s32 @p0 $0x1  }
0x13: {  	[smem:$0x3FB5] =	sst s0;
	s0 =	simm.s32 @!p1 $0x0  }
0x14: {  	s2 =	sld [smem:$0x3F99];
	s0 =	simm.s32 @p1 $0x1  }
0x15: {  	[smem:$0x3FB6] =	sst s0;
	s0 =	simm.s32 @!p2 $0x0  }
0x16: {  	s3 =	sld [smem:$0x3FDB];
	s0 =	simm.s32 @p2 $0x1  }
0x17: {  	s4 =	simm.s32 $0x1BF5;
	[smem:$0x3FB8] =	sst s0  }
0x18: {  	s0 =	sld [smem:$0x3F9B];
	_ =	swait.ge [sflag:s4], $0x0  }
0x19: {  	s7 =	sld [smem:$0x3F9C]  }
0x1a: {  	s8 =	sadd.s32 $0xFFFFE003, lr  }
0x1b: {  	s9 =	sadd.s32 $0xFFFFFEF7, lr;
	s5 =	simm.s32 $0xFFFFFFFF;
	p2 =	slt.u32 s8, $0xFFFFF086  }
0x1c: {  	p1 =	slt.u32 s9, $0xF7A;
	s5 =	simm.s32 @!p2 $0x0  }
0x1d: {  	s5 =	simm.s32 @p1 $0x1;
	p0 =	seq.s32 s7, s2  }
0x1e: {  	s7 =	smul.u32 @!p0 $0xF7A, s2;
	p2 =	seq.s32 @!p0 s5, $0x0  }
0x1f: {  	s9 =	smul.u32 $0xF7A, s1;
	s8 =	simm.s32 @!p0 $0x1BF5;
	p2 =	por !p2, p0  }
0x20: {  	[sflag:s8] =	ssyncset.s32 @!p0 $0xFFFFF086;
	s6 =	sadd.s32 @!p0 s3, s7;
	s7 =	simm.s32 @!p0 $0x108  }
0x21: {  	s3 =	sadd.s32 s3, s9;
	s6 =	sadd.s32 @!p0 $0x88, s6;
	s7 =	simm.s32 @p2 $0x1082  }
0x22: {  	[simem:s7], [sflag:s8] =	dma.local @!p0 [hbm:s6], $0xF7A  }
0x23: {  	s9 =	sor.u32 $0xD0000000, s2;
	s6 =	simm.s32 $0x108;
	_ =	swait.ge @!p0 [sflag:s8], $0x0  }
0x24: {  	s3 =	sadd.s32 $0x88, s3;
	s6 =	simm.s32 @!p1 $0x1082;
	[sflag:s4] =	ssyncset.s32 $0xFFFFF086  }
0x25: {  	[simem:s6], [sflag:s4] =	dma.local [hbm:s3], $0xF7A  }
0x26: {  	[smem:$0x3F9C] =	sst s1;
	(tag) =	ssettag s2;
	_ =	strace s9  }
0x27: {  	s1 =	sld [smem:$0x3FAC]  }
0x28: {  	s2 =	sld [smem:$0x3FAD]  }
0x29: {  	s4 =	sld [smem:$0x3FAF]  }
0x2a: {  	p0 =	seq.s32 s5, $0x0;
	s5 =	sld [smem:$0x3FB0]  }
0x2b: {  	s6 =	sld [smem:$0x3FB1]  }
0x2c: {  	s7 =	sld [smem:$0x3FB2]  }
0x2d: {  	s3 =	simm.s32 $0x108;
	s8 =	sld [smem:$0x3FB3]  }
0x2e: {  	s3 =	simm.s32 @!p0 $0x1082;
	s9 =	sld [smem:$0x3FB4]  }
0x2f: {  	lr =	sadd.s32 s0, s3;
	s0 =	sld [smem:$0x3FAB]  }
0x30: {  	s3 =	sld [smem:$0x3FAE]  }
0x31: {  	[smem:$0x3FB7] =	sst s10  }
0x32: {  	s10 =	sld [smem:$0x3FB5];
	_ =	sdelay $0x3  }
0x33: {  	p0 =	seq.s32 s10, $0x1;
	s10 =	sld [smem:$0x3FB7];
	_ =	sdelay $0x3  }
0x34: {  	[smem:$0x3FB7] =	sst s10  }
0x35: {  	s10 =	sld [smem:$0x3FB6];
	_ =	sdelay $0x3  }
0x36: {  	p1 =	seq.s32 s10, $0x1;
	s10 =	sld [smem:$0x3FB7];
	_ =	sdelay $0x3  }
0x37: {  	[smem:$0x3FB7] =	sst s10  }
0x38: {  	s10 =	sld [smem:$0x3FB8]  }
0x39: {  	_ = 	snop;
	(pc) =	sbr.ind lr, $3  }
0x3a: {  	_ = 	snop  }
0x3b: {  	_ = 	snop  }
0x3c: {  	p2 =	seq.s32 s10, $0x1;
	s10 =	sld [smem:$0x3FB7]  }
0x3d: {  	_ =	shalt  }
0x3e: {  	_ =	shalt  }
0x3f: {  	_ =	shalt  }
0x40: {  	_ =	shalt  }
0x41: {  	_ =	shalt  }
0x42: {  	_ =	shalt  }
0x43: {  	_ =	shalt  }
0x44: {  	_ =	shalt  }
0x45: {  	_ =	shalt  }
0x46: {  	_ =	shalt  }
0x47: {  	_ =	shalt  }
0x48: {  	_ =	shalt  }
0x49: {  	_ =	shalt  }
0x4a: {  	_ =	shalt  }
0x4b: {  	_ =	shalt  }
0x4c: {  	_ =	shalt  }
0x4d: {  	_ =	shalt  }
0x4e: {  	_ =	shalt  }
0x4f: {  	_ =	shalt  }
0x50: {  	_ =	shalt  }
0x51: {  	_ =	shalt  }
0x52: {  	_ =	shalt  }
0x53: {  	_ =	shalt  }
0x54: {  	_ =	shalt  }
0x55: {  	_ =	shalt  }
0x56: {  	_ =	shalt  }
0x57: {  	_ =	shalt  }
0x58: {  	_ =	shalt  }
0x59: {  	_ =	shalt  }
0x5a: {  	_ =	shalt  }
0x5b: {  	_ =	shalt  }
0x5c: {  	_ =	shalt  }
0x5d: {  	_ =	shalt  }
0x5e: {  	_ =	shalt  }
0x5f: {  	_ =	shalt  }
0x60: {  	_ =	shalt  }
0x61: {  	_ =	shalt  }
0x62: {  	_ =	shalt  }
0x63: {  	_ =	shalt  }
0x64: {  	_ =	shalt  }
0x65: {  	_ =	shalt  }
0x66: {  	_ =	shalt  }
0x67: {  	_ =	shalt  }
0x68: {  	_ =	shalt  }
0x69: {  	_ =	shalt  }
0x6a: {  	_ =	shalt  }
0x6b: {  	_ =	shalt  }
0x6c: {  	_ =	shalt  }
0x6d: {  	_ =	shalt  }
0x6e: {  	_ =	shalt  }
0x6f: {  	_ =	shalt  }
0x70: {  	_ =	shalt  }
0x71: {  	_ =	shalt  }
0x72: {  	_ =	shalt  }
0x73: {  	_ =	shalt  }
0x74: {  	_ =	shalt  }
0x75: {  	_ =	shalt  }
0x76: {  	_ =	shalt  }
0x77: {  	_ =	shalt  }
0x78: {  	_ =	shalt  }
0x79: {  	_ =	shalt  }
0x7a: {  	_ =	shalt  }
0x7b: {  	_ =	shalt  }
0x7c: {  	_ =	shalt  }
0x7d: {  	_ =	shalt  }
0x7e: {  	_ =	shalt  }
0x7f: {  	_ =	shalt  }
0x80: {  	_ =	shalt  }
0x81: {  	_ =	shalt  }
0x82: {  	_ =	shalt  }
0x83: {  	_ =	shalt  }
0x84: {  	_ =	shalt  }
0x85: {  	_ =	shalt  }
0x86: {  	_ =	shalt  }
0x87: {  	_ =	shalt  }
.Lfunc_end0:
.L_simem_size_0:
called_computation_lowered:
.L_overlay_start_0:
0x88: {  	s2 =	sld [smem:$0x3FD9]  }
0x89: {  	s3 =	sld [smem:$0x3FFE];
	_ =	sdelay $0x1  }
0x8a: {  	s1 =	srdreg.scid  }
0x8b: {  	s0 =	sand.u32 $0x1, s1  }
0x8c: {  	s16 =	sshll.u32 s0, $0xA;
	s2 =	sadd.s32 s3, s2  }
0x8d: {  	s2 =	sadd.s32 s2, s16  }
0x8e: {  	[smem:$0x3FC3] =	sst s2  }
0x8f: {  	_ = 	snop  }
0x90: {  	(tm) =	ssettm $0x1  }
0x91: {  	s17 =	sld [smem:$0x3FFB];
	_ =	sdelay $0x3  }
0x92: {  	_ =	strace s17  }
0x93: {  	s2 =	sld [smem:$0x3FFC];
	_ =	sdelay $0x3  }
0x94: {  	_ =	strace s2  }
0x95: {  	s2 =	sld [smem:$0x3FFD];
	_ =	sdelay $0x3  }
0x96: {  	_ =	strace s2  }
0x97: {  	_ =	strace $0x8FFFFFFF  }
0x98: {  	s18 =	sld [smem:$0x3FDB];
	_ =	sdelay $0x1  }
0x99: {  	s19 =	simm.s32 $_scs_section_size  }
0x9a: {  	s4 =	simm.s32 $_size__tile_overlayer_lowered;
	s5 =	simm.s32 $_tile_overlayer_lowered  }
0x9b: {  	s22 =	simm.s32 $0x1BFF;
	s21 =	sshll.u32 s5, $0x1;
	s2 =	sadd.s32 s19, s18  }
0x9c: {  	s6 =	simm.s32 $0x0;
	s20 =	sshll.u32 s4, $0x1;
	s4 =	sadd.s32 s21, s2  }
0x9d: {  	[timem:s6], [sflag:s22] =	dma.local [hbm:s4], s20  }
0x9e: {  	_ =	swait.ge [sflag:s22], s20  }
0x9f: {  	s3 =	ssub.s32 $0x0, s20;
	[sflag:s22] =	ssyncset.done $0x0  }
0xa0: {  	[sflag:s22] =	ssyncadd.s32 s3;
	_ =	sdelay $0x1  }
0xa1: {  	s23 =	simm.s32 $0x1B8B  }
0xa2: {  	_ =	swait.ge [sflag:s23], $0x1  }
0xa3: {  	[sflag:s23] =	ssyncset.done $0x0  }
0xa4: {  	s25 =	simm.s32 $0x1B8E;
	s24 =	sld [smem:$0x3FFE];
	[sflag:s23] =	ssyncadd.s32 $0xFFFFFFFF  }
0xa5: {  	s26 =	simm.s32 $execute0_lowered;
	[smem:$0x3FD2] =	sst s25  }
0xa6: {  	s4 =	sshll.u32 s26, $0x1;
	_ =	strace $0x80000046;
	[dreg:$0x1] =	wrdreg $0xFFFFFFFF  }
0xa7: {  	s28 =	simm.s32 $_size_execute0_lowered;
	s2 =	sadd.s32 s2, s4;
	[dreg:$0x0] =	wrdreg $0x0  }
0xa8: {  	s4 =	sshll.u32 s28, $0x1;
	[dreg:$0x2] =	wrdreg s2  }
0xa9: {  	[dreg:$0x3] =	wrdreg s4  }
0xaa: {  	[dreg:$0x4] =	wrdreg $0xC0  }
0xab: {  	_ =	task [dreg:s6], $0x5FFFF  }
0xac: {  	[dreg:$0x1] =	wrdreg $0xFFFFFFFF  }
0xad: {  	[dreg:$0x0] =	wrdreg $0x60  }
0xae: {  	[dreg:$0x2] =	wrdreg s24  }
0xaf: {  	[dreg:$0x3] =	wrdreg $0x7A800  }
0xb0: {  	[dreg:$0x4] =	wrdreg $0x9  }
0xb1: {  	_ =	task.clear_ibuf [dreg:s6], $0x5FFFF;
	_ =	strace $0x90000046  }
0xb2: {  	s29 =	simm.s32 $0x9;
	_ =	strace $0x80000048  }
0xb3: {  	_ =	swait.ge [sflag:s29], $0x1  }
0xb4: {  	[sflag:s29] =	ssyncadd.s32 $0xFFFFFFFF  }
0xb5: {  	_ =	strace $0x90000048  }
0xb6: {  	_ =	sfence  }
0xb7: {  	s30 =	sld [smem:$0x0];
	_ =	sdelay $0x2  }
0xb8: {  	s31 =	sshll.u32 s1, $0xD;
	s1 =	sshrl.u32 s1, $0x2  }
0xb9: {  	s3 =	sand.u32 $0x4000, s31;
	s1 =	sadd.s32 s1, s30  }
0xba: {  	s0 =	sor.u32 s3, s0;
	s1 =	sshll.u32 s1, $0x11  }
0xbb: {  	s0 =	sor.u32 s1, s0  }
0xbc: {  	s0 =	sadd.s32 $0x8F2B, s0  }
0xbd: {  	[sflag:s0] =	ssyncadd.remote.s32 $0x1  }
0xbe: {  	_ =	sfence.sel $0xFFFF  }
0xbf: {  	[dreg:$0x0] =	wrdreg $0xFFFFFFFF;
	(pc) =	sbr.abs _section_cstart, $3  }
0xc0: {  	[dreg:$0x1] =	wrdreg $0xFFFFFFFF  }
0xc1: {  	_ =	task.clear_ibuf [dreg:s6], $0x2FFFF;
	_ =	strace $0x9FFFFFFF  }
0xc2: {  	(tm) =	ssettm $0x7FFFFFFF  }
0xc3: {  	_ =	shalt  }
tec
execute0_lowered:
.L_overlay_start_1:
0x0: {  	(tag) =	ssettag $0x1  }
0x1: {  	s1 =	srdreg.scid;
	s3 =	rddreg [dreg:$0x0]  }
0x2: {  	s0 =	stileid.u32;
	s5 =	rddreg [dreg:$0x1];
	s2 =	simm.s32 $0x0  }
0x3: {  	s11 =	simm.s32 $0x400;
	s12 =	simm.s32 $0x100;
	s13 =	simm.s32 $0x7800  }
0x4: {  	s14 =	simm.s32 $0x0;
	s4 =	sand.u32 $0x1, s1;
	s1 =	rddreg [dreg:$0x2]  }
0x5: {  	s25 =	sshll.u32 s0, $0x1;
	[smem:$0x7FF] =	sst s2;
	s7 =	smul.u32 $0x500, s0  }
0x6: {  	s26 =	sshrl.u32 s0, $0x3;
	s9 =	smul.u32 $0x5000, s0;
	s29 =	sshll.u32 s0, $0x7  }
0x7: {  	s6 =	sor.u32 s4, s25;
	_ =	strace $0x80000047;
	s8 =	sshll.u32 s4, $0x7  }
0x8: {  	s4 =	ssub.s32 $0x2, s4;
	s31 =	sand.u32 $0x380, s29;
	s6 =	smul.u32 $0x500, s6  }
0x9: {  	s7 =	sor.u32 s8, s7;
	s8 =	smul.u32 $0x50000, s26;
	s28 =	sshrl.u32 s4, $0x1  }
0xa: {  	s9 =	sshrl.u32 s9, $0x2;
	s7 =	sshrl.u32 s7, $0x3;
	s10 =	ssub.s32 s4, s28  }
0xb: {  	s6 =	sadd.s32 s6, s3;
	s7 =	sadd.s32 s7, s3;
	s30 =	sshrl.u32 s8, $0x2  }
0xc: {  	s8 =	simm.s32 $0x2800;
	s4 =	sadd.s32 s30, s5;
	s3 =	sadd.s32 $0x1400, s6  }
0xd: {  	s5 =	sadd.s32 s9, s5;
	s6 =	sadd.s32 $0xB400, s7;
	s7 =	smax.u32 s10, $0x1  }
0xe: {  	v0 =	vimm.s32 $0x0;
	v1 =	vimm.s32 $0x1;
	s9 =	simm.s32 $0x1;
	s10 =	simm.s32 $0x80;
	s4 =	sadd.s32 s31, s4  }
.LBB2_1:
0xf: {  	s15 =	simm.s32 $0x40;
	s16 =	simm.s32 $0x0  }
.LBB2_2:
0x10: {  	p0 =	sne.s32 s15, $0x9FC0;
	[tilespmem:s16+$0x0] =	vst v0;
	s16 =	smov.u32 s15;
	s15 =	sadd.s32 $0x40, s15  }
.Ltmp0:
0x11: {  	(pc) =	sbr.rel @p0 .LBB2_2-.Ltmp0, $2  }
0x12: {  	_ =	sdelay $0x2  }
0x13: {  	s16 =	sshra.s32 s16, $0x2  }
0x14: {  	[tilespmem:s16+$0x0] =	vst v0;
	s15 =	simm.s32 $0x0  }
0x15: {  	[tilespmem:s8], [sflag:$0x1] =	stream.linear.gather [hbm4b:s3+s15], $0x2800, $0x38;
	[tilespmem:$0xA280] =	vst v63  }
0x16: {  	_ =	swait.ge [sflag:s9], $0x2800  }
0x17: {  	[sflag:s9] =	ssyncset.done $0x0  }
0x18: {  	s16 =	simm.s32 $0x0;
	s15 =	simm.s32 $0x40;
	[sflag:s9] =	ssyncadd.s32 $0xFFFFD800  }
.LBB2_4:
0x19: {  	p0 =	sne.s32 s15, $0x9FC0;
	v2 =	vld [tilespmem:s16+$0x2800];
	_ =	sdelay $0x3  }
.Ltmp1:
0x1a: {  	(pc) =	sbr.rel @p0 .LBB2_4-.Ltmp1, $2  }
0x1b: {  	_ =	sdelay $0x2  }
0x1c: {  	s16 =	sshra.s32 s15, $0x2;
	s15 =	sadd.s32 $0x40, s15;
	[tilespmem:v2+s2+$0x0] =	vst.idx.add.s32.msk $0xffff, v1  }
0x1d: {  	v2 =	vld [tilespmem:s16+$0x2800];
	_ =	sdelay $0x5  }
0x1e: {  	s24 =	simm.s32 $0x0  }
0x1f: {  	s17 =	smul.u32 $0x5000, s24  }
0x20: {  	s15 =	simm.s32 $0x0;
	s16 =	smul.u32 $0x50000, s24;
	[tilespmem:v2+s2+$0x0] =	vst.idx.add.s32.msk $0xffff, v1  }
0x21: {  	[spmem:s4] =	stream.strided.scatter [tilespmem:s15], [sflag:$0x1], $0x2800, s11, s10, $0x38;
	[tilespmem:$0xA280] =	vst v63  }
0x22: {  	s18 =	sand.u32 $0x380, s15;
	_ =	swait.ge [sflag:s9], $0x2800  }
0x23: {  	s17 =	sshra.s32 s17, $0x2;
	s16 =	sshra.s32 s16, $0x2;
	[sflag:s9] =	ssyncset.done $0x0  }
0x24: {  	s17 =	sor.u32 s18, s17;
	s16 =	sadd.s32 s16, s5;
	[sflag:s9] =	ssyncadd.s32 $0xFFFFD800  }
0x25: {  	s19 =	sadd.s32 $0x5000, s17;
	s16 =	sadd.s32 s18, s16;
	[bflag:$0x0] =	sbarrier.arrive $0xFFFF  }
0x26: {  	[tilespmem:s19], [sflag:$0x1] =	stream.linear.gather [spmem:s16], $0x80, $0x38;
	[tilespmem:$0xA280] =	vst v63  }
0x27: {  	s25 =	sadd.s32 $0x5400, s17;
	s26 =	sadd.s32 $0x400, s16  }
0x28: {  	[tilespmem:s25], [sflag:$0x1] =	stream.linear.gather [spmem:s26], $0x80, $0x38;
	[tilespmem:$0xA280] =	vst v63  }
0x29: {  	s29 =	sadd.s32 $0x5800, s17;
	s28 =	sadd.s32 $0x800, s16  }
0x2a: {  	[tilespmem:s29], [sflag:$0x1] =	stream.linear.gather [spmem:s28], $0x80, $0x38;
	[tilespmem:$0xA280] =	vst v63  }
0x2b: {  	s31 =	sadd.s32 $0x5C00, s17;
	s17 =	sadd.s32 $0x6000, s17;
	s30 =	sadd.s32 $0xC00, s16  }
0x2c: {  	[tilespmem:s31], [sflag:$0x1] =	stream.linear.gather [spmem:s30], $0x80, $0x38;
	[tilespmem:$0xA280] =	vst v63  }
0x2d: {  	s18 =	simm.s32 $0x2;
	s16 =	sadd.s32 $0x1000, s16;
	s19 =	simm.s32 $0x0  }
0x2e: {  	[tilespmem:s17], [sflag:$0x1] =	stream.linear.gather [spmem:s16], $0x80, $0x38;
	[tilespmem:$0xA280] =	vst v63  }
0x2f: {  	s17 =	smul.u32 $0x5000, s19;
	s16 =	simm.s32 $0x80;
	_ =	swait.ge [sflag:s9], $0x280  }
.LBB2_6:
0x30: {  	s19 =	smul.u32 $0x50000, s19  }
0x31: {  	[sflag:s9] =	ssyncset.done $0x0;
	s20 =	smov.u32 s18;
	s21 =	sadd.s32 $0x1, s18  }
0x32: {  	s22 =	sand.u32 $0x380, s16;
	s17 =	sshra.s32 s17, $0x2;
	[sflag:s9] =	ssyncadd.s32 $0xFFFFFD80  }
0x33: {  	p0 =	sne.s32 s18, $0xF;
	s17 =	sor.u32 s22, s17;
	s18 =	sshra.s32 s19, $0x2  }
0x34: {  	s19 =	sadd.s32 $0x5000, s17;
	s18 =	sadd.s32 s18, s5  }
0x35: {  	s18 =	sadd.s32 s22, s18;
	s22 =	sadd.s32 $0x5400, s17  }
0x36: {  	[tilespmem:s19], [sflag:$0x1] =	stream.linear.gather [spmem:s18], $0x80, $0x38;
	[tilespmem:$0xA280] =	vst v63  }
0x37: {  	s24 =	sadd.s32 $0x5800, s17;
	s19 =	sadd.s32 $0x400, s18;
	s23 =	sadd.s32 $0x800, s18  }
0x38: {  	[tilespmem:s22], [sflag:$0x1] =	stream.linear.gather [spmem:s19], $0x80, $0x38;
	[tilespmem:$0xA280] =	vst v63  }
0x39: {  	s19 =	sadd.s32 $0xC00, s18;
	s22 =	sadd.s32 $0x5C00, s17  }
0x3a: {  	[tilespmem:s24], [sflag:$0x1] =	stream.linear.gather [spmem:s23], $0x80, $0x38;
	[tilespmem:$0xA280] =	vst v63  }
.Ltmp2:
0x3b: {  	s18 =	sadd.s32 $0x1000, s18;
	s17 =	sadd.s32 $0x6000, s17;
	(pc) =	sbr.rel @p0 .LBB2_6-.Ltmp2, $4  }
0x3c: {  	[tilespmem:s22], [sflag:$0x1] =	stream.linear.gather [spmem:s19], $0x80, $0x38;
	[tilespmem:$0xA280] =	vst v63  }
0x3d: {  	s16 =	sadd.s32 $0x80, s16;
	s19 =	sshrl.u32 s20, $0x3  }
0x3e: {  	[tilespmem:s17], [sflag:$0x1] =	stream.linear.gather [spmem:s18], $0x80, $0x38;
	[tilespmem:$0xA280] =	vst v63  }
0x3f: {  	s17 =	smul.u32 $0x5000, s19;
	s18 =	smov.u32 s21;
	_ =	swait.ge [sflag:s9], $0x280  }
0x40: {  	s18 =	smul.u32 $0x50000, s19;
	_ =	sdelay $0x1  }
0x41: {  	s16 =	sand.u32 $0x380, s16;
	s17 =	sshra.s32 s17, $0x2;
	s18 =	sshra.s32 s18, $0x2  }
0x42: {  	[sflag:s9] =	ssyncset.done $0x0;
	s17 =	sor.u32 s16, s17;
	s18 =	sadd.s32 s18, s5  }
0x43: {  	[sflag:s9] =	ssyncadd.s32 $0xFFFFFD80;
	s20 =	sadd.s32 $0x5000, s17;
	s16 =	sadd.s32 s16, s18  }
0x44: {  	[tilespmem:s20], [sflag:$0x1] =	stream.linear.gather [spmem:s16], $0x80, $0x38;
	[tilespmem:$0xA280] =	vst v63  }
0x45: {  	s21 =	sadd.s32 $0x5400, s17;
	s22 =	sadd.s32 $0x400, s16  }
0x46: {  	[tilespmem:s21], [sflag:$0x1] =	stream.linear.gather [spmem:s22], $0x80, $0x38;
	[tilespmem:$0xA280] =	vst v63  }
0x47: {  	s24 =	sadd.s32 $0x5800, s17;
	s23 =	sadd.s32 $0x800, s16  }
0x48: {  	[tilespmem:s24], [sflag:$0x1] =	stream.linear.gather [spmem:s23], $0x80, $0x38;
	[tilespmem:$0xA280] =	vst v63  }
0x49: {  	s26 =	sadd.s32 $0x5C00, s17;
	s25 =	sadd.s32 $0xC00, s16  }
0x4a: {  	[tilespmem:s26], [sflag:$0x1] =	stream.linear.gather [spmem:s25], $0x80, $0x38;
	[tilespmem:$0xA280] =	vst v63  }
0x4b: {  	s17 =	sadd.s32 $0x6000, s17;
	s16 =	sadd.s32 $0x1000, s16  }
0x4c: {  	[tilespmem:s17], [sflag:$0x1] =	stream.linear.gather [spmem:s16], $0x80, $0x38;
	[tilespmem:$0xA280] =	vst v63  }
0x4d: {  	_ =	swait.ge [sflag:s9], $0x280  }
0x4e: {  	s28 =	sand.u32 $0x70, s15;
	s29 =	sand.u32 $0x1C00, s15;
	[sflag:s9] =	ssyncset.done $0x0  }
0x4f: {  	s15 =	sor.u32 s28, s29;
	[sflag:s9] =	ssyncadd.s32 $0xFFFFFD80  }
0x50: {  	v2 =	vld [tilespmem:s15+$0x5080]  }
0x51: {  	v3 =	vld [tilespmem:s15+$0x5000]  }
0x52: {  	v4 =	vld [tilespmem:s15+$0x5100]  }
0x53: {  	v5 =	vld [tilespmem:s15+$0x5180]  }
0x54: {  	v6 =	vld [tilespmem:s15+$0x5200]  }
0x55: {  	v7 =	vld [tilespmem:s15+$0x5280]  }
0x56: {  	v2 =	vadd.s32 v3, v2;
	v3 =	vld [tilespmem:s15+$0x5300]  }
0x57: {  	v56 =	vld [tilespmem:s15+$0x5380];
	v2 =	vadd.s32 v4, v2  }
0x58: {  	v57 =	vld [tilespmem:s15+$0x6400];
	v2 =	vadd.s32 v5, v2  }
0x59: {  	v58 =	vld [tilespmem:s15+$0x6480];
	v2 =	vadd.s32 v6, v2  }
0x5a: {  	v59 =	vld [tilespmem:s15+$0x6500];
	v2 =	vadd.s32 v7, v2  }
0x5b: {  	v2 =	vadd.s32 v3, v2;
	v3 =	vld [tilespmem:s15+$0x6580]  }
0x5c: {  	v60 =	vld [tilespmem:s15+$0x6600];
	v2 =	vadd.s32 v56, v2  }
0x5d: {  	v61 =	vld [tilespmem:s15+$0x6680];
	v2 =	vadd.s32 v57, v2  }
0x5e: {  	v62 =	vld [tilespmem:s15+$0x6700];
	v2 =	vadd.s32 v58, v2  }
0x5f: {  	v63 =	vld [tilespmem:s15+$0x6780];
	v2 =	vadd.s32 v59, v2  }
0x60: {  	v2 =	vadd.s32 v3, v2  }
0x61: {  	v2 =	vadd.s32 v60, v2  }
0x62: {  	v2 =	vadd.s32 v61, v2  }
0x63: {  	s30 =	simm.s32 $0x10;
	s17 =	simm.s32 $0x80;
	v2 =	vadd.s32 v62, v2  }
0x64: {  	s16 =	sand.u32 $0x70, s30;
	s31 =	sand.u32 $0x1C00, s17;
	s15 =	simm.s32 $0x7800;
	v2 =	vadd.s32 v63, v2  }
0x65: {  	s18 =	simm.s32 $0x20;
	s16 =	sor.u32 s16, s31;
	[tilespmem:s15+$0x0] =	vst v2  }
.LBB2_8:
0x66: {  	p0 =	sne.s32 s18, $0x270;
	v2 =	vld [tilespmem:s16+$0x5080]  }
0x67: {  	v3 =	vld [tilespmem:s16+$0x5000]  }
0x68: {  	v4 =	vld [tilespmem:s16+$0x5100]  }
0x69: {  	v5 =	vld [tilespmem:s16+$0x5180]  }
0x6a: {  	v6 =	vld [tilespmem:s16+$0x5200]  }
0x6b: {  	v7 =	vld [tilespmem:s16+$0x5280]  }
0x6c: {  	v2 =	vadd.s32 v3, v2;
	v3 =	vld [tilespmem:s16+$0x5300]  }
0x6d: {  	v2 =	vadd.s32 v4, v2;
	v4 =	vld [tilespmem:s16+$0x5380]  }
0x6e: {  	v2 =	vadd.s32 v5, v2;
	v5 =	vld [tilespmem:s16+$0x6400]  }
0x6f: {  	v2 =	vadd.s32 v6, v2;
	v6 =	vld [tilespmem:s16+$0x6480]  }
0x70: {  	v2 =	vadd.s32 v7, v2;
	v7 =	vld [tilespmem:s16+$0x6500]  }
0x71: {  	v2 =	vadd.s32 v3, v2;
	v3 =	vld [tilespmem:s16+$0x6580]  }
0x72: {  	v2 =	vadd.s32 v4, v2;
	v4 =	vld [tilespmem:s16+$0x6600]  }
0x73: {  	v2 =	vadd.s32 v5, v2;
	v5 =	vld [tilespmem:s16+$0x6680]  }
0x74: {  	v2 =	vadd.s32 v6, v2;
	v6 =	vld [tilespmem:s16+$0x6700]  }
0x75: {  	v2 =	vadd.s32 v7, v2;
	v7 =	vld [tilespmem:s16+$0x6780]  }
0x76: {  	v2 =	vadd.s32 v3, v2  }
.Ltmp3:
0x77: {  	v2 =	vadd.s32 v4, v2;
	(pc) =	sbr.rel @p0 .LBB2_8-.Ltmp3, $4  }
0x78: {  	v2 =	vadd.s32 v5, v2  }
0x79: {  	s17 =	sadd.s32 $0x80, s17;
	v2 =	vadd.s32 v6, v2  }
0x7a: {  	s15 =	sadd.s32 $0x10, s15;
	s19 =	sand.u32 $0x1C00, s17;
	s16 =	sand.u32 $0x70, s18;
	v2 =	vadd.s32 v7, v2  }
0x7b: {  	s18 =	sadd.s32 $0x10, s18;
	s16 =	sor.u32 s16, s19;
	[tilespmem:s15+$0x0] =	vst v2  }
0x7c: {  	v2 =	vld [tilespmem:s16+$0x5080]  }
0x7d: {  	v3 =	vld [tilespmem:s16+$0x5000]  }
0x7e: {  	v4 =	vld [tilespmem:s16+$0x5100]  }
0x7f: {  	v5 =	vld [tilespmem:s16+$0x5180]  }
0x80: {  	v6 =	vld [tilespmem:s16+$0x5200]  }
0x81: {  	v7 =	vld [tilespmem:s16+$0x5280]  }
0x82: {  	v2 =	vadd.s32 v3, v2;
	v3 =	vld [tilespmem:s16+$0x5300]  }
0x83: {  	v56 =	vld [tilespmem:s16+$0x5380];
	v2 =	vadd.s32 v4, v2  }
0x84: {  	v57 =	vld [tilespmem:s16+$0x6400];
	v2 =	vadd.s32 v5, v2  }
0x85: {  	v58 =	vld [tilespmem:s16+$0x6480];
	v2 =	vadd.s32 v6, v2  }
0x86: {  	v59 =	vld [tilespmem:s16+$0x6500];
	v2 =	vadd.s32 v7, v2  }
0x87: {  	v2 =	vadd.s32 v3, v2;
	v3 =	vld [tilespmem:s16+$0x6580]  }
0x88: {  	v60 =	vld [tilespmem:s16+$0x6600];
	v2 =	vadd.s32 v56, v2  }
0x89: {  	v61 =	vld [tilespmem:s16+$0x6680];
	v2 =	vadd.s32 v57, v2  }
0x8a: {  	v62 =	vld [tilespmem:s16+$0x6700];
	v2 =	vadd.s32 v58, v2  }
0x8b: {  	v63 =	vld [tilespmem:s16+$0x6780];
	v2 =	vadd.s32 v59, v2  }
0x8c: {  	v2 =	vadd.s32 v3, v2  }
0x8d: {  	v2 =	vadd.s32 v60, v2  }
0x8e: {  	v2 =	vadd.s32 v61, v2  }
0x8f: {  	s14 =	sadd.s32 $0x1, s14;
	v2 =	vadd.s32 v62, v2  }
0x90: {  	s15 =	sadd.s32 $0x10, s15;
	p0 =	sne.s32 s14, s7;
	v2 =	vadd.s32 v63, v2  }
.Ltmp4:
0x91: {  	[tilespmem:s15+$0x0] =	vst v2;
	(pc) =	sbr.rel @p0 .LBB2_1-.Ltmp4, $4  }
0x92: {  	[hbm4b:s6+s10] =	stream.strided.scatter [tilespmem:s13], [sflag:$0x1], $0x280, s12, s10, $0x38;
	[tilespmem:$0xA280] =	vst v63  }
0x93: {  	_ =	swait.ge [sflag:s9], $0x280  }
0x94: {  	[sflag:s9] =	ssyncset.done $0x0  }
0x95: {  	[sflag:s9] =	ssyncadd.s32 $0xFFFFFD80  }
0x96: {  	_ =	sfence.sel $0x180000  }
0x97: {  	[bflag:$0x0] =	sbarrier.arrive $0xFFFF  }
0x98: {  	p0 =	sne.s32 s0, $0x0;
	_ =	strace $0x90000047  }
0x99: {  	s0 =	sadd.s32 @!p0 $0x100000, s1;
	[bflag:$0x2] =	sbarrier.arrive $0xFFFF  }
0x9a: {  	[sflag:s0] =	ssyncadd.tile.s32 @!p0 $0x1;
	_ =	shalt  }
.Lfunc_end2:
_tile_overlayer_lowered:
.L_overlay_start_2:
0x9b: {  	(tag) =	ssettag $0x2  }
0x9c: {  	s0 =	rddreg [dreg:$0x0];
	s2 =	stileid.u32  }
0x9d: {  	s1 =	rddreg [dreg:$0x1];
	p0 =	sne.s32 s2, $0x0  }
0x9e: {  	s3 =	rddreg [dreg:$0x2];
	[bflag:$0x3] =	sbarrier.arrive $0xFFFF;
	s2 =	simm.s32 @!p0 $0x1C01  }
0x9f: {  	[timem:s3], [sflag:s2] =	dma.local @!p0 [hbm:s0], s1  }
0xa0: {  	s0 =	simm.s32 @!p0 $0x1  }
0xa1: {  	_ =	swait.ge @!p0 [sflag:s0], s1  }
0xa2: {  	s1 =	ssub.s32 @!p0 $0x0, s1;
	[sflag:s0] =	ssyncset.done @!p0 $0x0  }
0xa3: {  	[sflag:s0] =	ssyncadd.s32 @!p0 s1  }
0xa4: {  	[bflag:$0x3] =	sbarrier.arrive $0xFFFF  }
0xa5: {  	_ =	shalt  }

// kernel: kernel.9.cloned.1.call-start
scs
__scs_entry_jumppad:
0x0: {  	(pc) =	sbr.rel $0x88, $3  }
0x1: {  	(tag) =	ssettag $0x0;
	lr =	simm.s32 $0x1  }
0x2: {  	[smem:$0x3F9C] =	sst lr;
	_ =	strace $0xD0000000  }
0x3: {  	_ = 	snop  }
0x4: {  	_ = 	snop  }
0x5: {  	_ = 	snop  }
0x6: {  	_ = 	snop  }
0x7: {  	_ = 	snop  }
__scs_overlays_trampoline_lowered:
0x8: {  	[smem:$0x3FAB] =	sst s0  }
0x9: {  	[smem:$0x3FAC] =	sst s1  }
0xa: {  	[smem:$0x3FAD] =	sst s2  }
0xb: {  	[smem:$0x3FAE] =	sst s3  }
0xc: {  	[smem:$0x3FAF] =	sst s4  }
0xd: {  	[smem:$0x3FB0] =	sst s5  }
0xe: {  	[smem:$0x3FB1] =	sst s6  }
0xf: {  	[smem:$0x3FB2] =	sst s7  }
0x10: {  	[smem:$0x3FB3] =	sst s8  }
0x11: {  	[smem:$0x3FB4] =	sst s9;
	s0 =	simm.s32 @!p0 $0x0  }
0x12: {  	s1 =	sld [smem:$0x3F9A];
	s0 =	simm.s32 @p0 $0x1  }
0x13: {  	[smem:$0x3FB5] =	sst s0;
	s0 =	simm.s32 @!p1 $0x0  }
0x14: {  	s2 =	sld [smem:$0x3F99];
	s0 =	simm.s32 @p1 $0x1  }
0x15: {  	[smem:$0x3FB6] =	sst s0;
	s0 =	simm.s32 @!p2 $0x0  }
0x16: {  	s3 =	sld [smem:$0x3FDB];
	s0 =	simm.s32 @p2 $0x1  }
0x17: {  	s4 =	simm.s32 $0x1BF5;
	[smem:$0x3FB8] =	sst s0  }
0x18: {  	s0 =	sld [smem:$0x3F9B];
	_ =	swait.ge [sflag:s4], $0x0  }
0x19: {  	s7 =	sld [smem:$0x3F9C]  }
0x1a: {  	s8 =	sadd.s32 $0xFFFFE003, lr  }
0x1b: {  	s9 =	sadd.s32 $0xFFFFFEF7, lr;
	s5 =	simm.s32 $0xFFFFFFFF;
	p2 =	slt.u32 s8, $0xFFFFF086  }
0x1c: {  	p1 =	slt.u32 s9, $0xF7A;
	s5 =	simm.s32 @!p2 $0x0  }
0x1d: {  	s5 =	simm.s32 @p1 $0x1;
	p0 =	seq.s32 s7, s2  }
0x1e: {  	s7 =	smul.u32 @!p0 $0xF7A, s2;
	p2 =	seq.s32 @!p0 s5, $0x0  }
0x1f: {  	s9 =	smul.u32 $0xF7A, s1;
	s8 =	simm.s32 @!p0 $0x1BF5;
	p2 =	por !p2, p0  }
0x20: {  	[sflag:s8] =	ssyncset.s32 @!p0 $0xFFFFF086;
	s6 =	sadd.s32 @!p0 s3, s7;
	s7 =	simm.s32 @!p0 $0x108  }
0x21: {  	s3 =	sadd.s32 s3, s9;
	s6 =	sadd.s32 @!p0 $0x88, s6;
	s7 =	simm.s32 @p2 $0x1082  }
0x22: {  	[simem:s7], [sflag:s8] =	dma.local @!p0 [hbm:s6], $0xF7A  }
0x23: {  	s9 =	sor.u32 $0xD0000000, s2;
	s6 =	simm.s32 $0x108;
	_ =	swait.ge @!p0 [sflag:s8], $0x0  }
0x24: {  	s3 =	sadd.s32 $0x88, s3;
	s6 =	simm.s32 @!p1 $0x1082;
	[sflag:s4] =	ssyncset.s32 $0xFFFFF086  }
0x25: {  	[simem:s6], [sflag:s4] =	dma.local [hbm:s3], $0xF7A  }
0x26: {  	[smem:$0x3F9C] =	sst s1;
	(tag) =	ssettag s2;
	_ =	strace s9  }
0x27: {  	s1 =	sld [smem:$0x3FAC]  }
0x28: {  	s2 =	sld [smem:$0x3FAD]  }
0x29: {  	s4 =	sld [smem:$0x3FAF]  }
0x2a: {  	p0 =	seq.s32 s5, $0x0;
	s5 =	sld [smem:$0x3FB0]  }
0x2b: {  	s6 =	sld [smem:$0x3FB1]  }
0x2c: {  	s7 =	sld [smem:$0x3FB2]  }
0x2d: {  	s3 =	simm.s32 $0x108;
	s8 =	sld [smem:$0x3FB3]  }
0x2e: {  	s3 =	simm.s32 @!p0 $0x1082;
	s9 =	sld [smem:$0x3FB4]  }
0x2f: {  	lr =	sadd.s32 s0, s3;
	s0 =	sld [smem:$0x3FAB]  }
0x30: {  	s3 =	sld [smem:$0x3FAE]  }
0x31: {  	[smem:$0x3FB7] =	sst s10  }
0x32: {  	s10 =	sld [smem:$0x3FB5];
	_ =	sdelay $0x3  }
0x33: {  	p0 =	seq.s32 s10, $0x1;
	s10 =	sld [smem:$0x3FB7];
	_ =	sdelay $0x3  }
0x34: {  	[smem:$0x3FB7] =	sst s10  }
0x35: {  	s10 =	sld [smem:$0x3FB6];
	_ =	sdelay $0x3  }
0x36: {  	p1 =	seq.s32 s10, $0x1;
	s10 =	sld [smem:$0x3FB7];
	_ =	sdelay $0x3  }
0x37: {  	[smem:$0x3FB7] =	sst s10  }
0x38: {  	s10 =	sld [smem:$0x3FB8]  }
0x39: {  	_ = 	snop;
	(pc) =	sbr.ind lr, $3  }
0x3a: {  	_ = 	snop  }
0x3b: {  	_ = 	snop  }
0x3c: {  	p2 =	seq.s32 s10, $0x1;
	s10 =	sld [smem:$0x3FB7]  }
0x3d: {  	_ =	shalt  }
0x3e: {  	_ =	shalt  }
0x3f: {  	_ =	shalt  }
0x40: {  	_ =	shalt  }
0x41: {  	_ =	shalt  }
0x42: {  	_ =	shalt  }
0x43: {  	_ =	shalt  }
0x44: {  	_ =	shalt  }
0x45: {  	_ =	shalt  }
0x46: {  	_ =	shalt  }
0x47: {  	_ =	shalt  }
0x48: {  	_ =	shalt  }
0x49: {  	_ =	shalt  }
0x4a: {  	_ =	shalt  }
0x4b: {  	_ =	shalt  }
0x4c: {  	_ =	shalt  }
0x4d: {  	_ =	shalt  }
0x4e: {  	_ =	shalt  }
0x4f: {  	_ =	shalt  }
0x50: {  	_ =	shalt  }
0x51: {  	_ =	shalt  }
0x52: {  	_ =	shalt  }
0x53: {  	_ =	shalt  }
0x54: {  	_ =	shalt  }
0x55: {  	_ =	shalt  }
0x56: {  	_ =	shalt  }
0x57: {  	_ =	shalt  }
0x58: {  	_ =	shalt  }
0x59: {  	_ =	shalt  }
0x5a: {  	_ =	shalt  }
0x5b: {  	_ =	shalt  }
0x5c: {  	_ =	shalt  }
0x5d: {  	_ =	shalt  }
0x5e: {  	_ =	shalt  }
0x5f: {  	_ =	shalt  }
0x60: {  	_ =	shalt  }
0x61: {  	_ =	shalt  }
0x62: {  	_ =	shalt  }
0x63: {  	_ =	shalt  }
0x64: {  	_ =	shalt  }
0x65: {  	_ =	shalt  }
0x66: {  	_ =	shalt  }
0x67: {  	_ =	shalt  }
0x68: {  	_ =	shalt  }
0x69: {  	_ =	shalt  }
0x6a: {  	_ =	shalt  }
0x6b: {  	_ =	shalt  }
0x6c: {  	_ =	shalt  }
0x6d: {  	_ =	shalt  }
0x6e: {  	_ =	shalt  }
0x6f: {  	_ =	shalt  }
0x70: {  	_ =	shalt  }
0x71: {  	_ =	shalt  }
0x72: {  	_ =	shalt  }
0x73: {  	_ =	shalt  }
0x74: {  	_ =	shalt  }
0x75: {  	_ =	shalt  }
0x76: {  	_ =	shalt  }
0x77: {  	_ =	shalt  }
0x78: {  	_ =	shalt  }
0x79: {  	_ =	shalt  }
0x7a: {  	_ =	shalt  }
0x7b: {  	_ =	shalt  }
0x7c: {  	_ =	shalt  }
0x7d: {  	_ =	shalt  }
0x7e: {  	_ =	shalt  }
0x7f: {  	_ =	shalt  }
0x80: {  	_ =	shalt  }
0x81: {  	_ =	shalt  }
0x82: {  	_ =	shalt  }
0x83: {  	_ =	shalt  }
0x84: {  	_ =	shalt  }
0x85: {  	_ =	shalt  }
0x86: {  	_ =	shalt  }
0x87: {  	_ =	shalt  }
.Lfunc_end0:
.L_simem_size_0:
called_computation.1_lowered:
.L_overlay_start_0:
0x88: {  	s2 =	sld [smem:$0x3FD9]  }
0x89: {  	s3 =	sld [smem:$0x3FFE];
	_ =	sdelay $0x1  }
0x8a: {  	s1 =	srdreg.scid  }
0x8b: {  	s0 =	sand.u32 $0x1, s1  }
0x8c: {  	s17 =	sshll.u32 s0, $0xA;
	s2 =	sadd.s32 s3, s2  }
0x8d: {  	s2 =	sadd.s32 s2, s17  }
0x8e: {  	[smem:$0x3FC3] =	sst s2  }
0x8f: {  	_ = 	snop  }
0x90: {  	s2 =	sld [smem:$0x3FD0];
	(tm) =	ssettm $0x1  }
0x91: {  	s18 =	sld [smem:$0x3FFB];
	_ =	sdelay $0x3  }
0x92: {  	_ =	strace s18  }
0x93: {  	s3 =	sld [smem:$0x3FFC];
	_ =	sdelay $0x3  }
0x94: {  	_ =	strace s3  }
0x95: {  	s3 =	sld [smem:$0x3FFD];
	_ =	sdelay $0x3  }
0x96: {  	_ =	strace s3  }
0x97: {  	_ =	strace $0x8FFFFFFF  }
0x98: {  	s19 =	sld [smem:$0x3FDB];
	_ =	sdelay $0x1  }
0x99: {  	s4 =	simm.s32 $_scs_section_size  }
0x9a: {  	s5 =	simm.s32 $_size__tile_overlayer_lowered;
	s6 =	simm.s32 $_tile_overlayer_lowered  }
0x9b: {  	s22 =	simm.s32 $0x1BFF;
	s21 =	sshll.u32 s6, $0x1;
	s3 =	sadd.s32 s4, s19  }
0x9c: {  	s7 =	simm.s32 $0x0;
	s20 =	sshll.u32 s5, $0x1;
	s5 =	sadd.s32 s21, s3  }
0x9d: {  	[timem:s7], [sflag:s22] =	dma.local [hbm:s5], s20  }
0x9e: {  	_ =	swait.ge [sflag:s22], s20  }
0x9f: {  	s4 =	ssub.s32 $0x0, s20;
	[sflag:s22] =	ssyncset.done $0x0  }
0xa0: {  	[sflag:s22] =	ssyncadd.s32 s4;
	_ =	sdelay $0x1  }
0xa1: {  	s23 =	simm.s32 $0x1B8B  }
0xa2: {  	_ =	swait.ge [sflag:s23], $0x1  }
0xa3: {  	[sflag:s23] =	ssyncset.done $0x0  }
0xa4: {  	s25 =	simm.s32 $0x1B8E;
	s24 =	sld [smem:$0x3FFE];
	[sflag:s23] =	ssyncadd.s32 $0xFFFFFFFF  }
0xa5: {  	s26 =	simm.s32 $execute0_lowered;
	[smem:$0x3FD2] =	sst s25  }
0xa6: {  	s5 =	sshll.u32 s26, $0x1;
	_ =	strace $0x80000049;
	[dreg:$0x1] =	wrdreg $0xFFFFFFFF  }
0xa7: {  	s28 =	simm.s32 $_size_execute0_lowered;
	s3 =	sadd.s32 s3, s5;
	[dreg:$0x0] =	wrdreg $0x0  }
0xa8: {  	s5 =	sshll.u32 s28, $0x1;
	[dreg:$0x2] =	wrdreg s3  }
0xa9: {  	[dreg:$0x3] =	wrdreg s5  }
0xaa: {  	[dreg:$0x4] =	wrdreg $0xC0  }
0xab: {  	_ =	task [dreg:s7], $0x5FFFF  }
0xac: {  	[dreg:$0x1] =	wrdreg $0xFFFFFFFF  }
0xad: {  	[dreg:$0x0] =	wrdreg $0x60  }
0xae: {  	[dreg:$0x2] =	wrdreg s24  }
0xaf: {  	[dreg:$0x3] =	wrdreg s2  }
0xb0: {  	[dreg:$0x4] =	wrdreg $0xB8000  }
0xb1: {  	[dreg:$0x5] =	wrdreg $0x9  }
0xb2: {  	_ =	task.clear_ibuf [dreg:s7], $0x6FFFF;
	_ =	strace $0x90000049  }
0xb3: {  	s29 =	simm.s32 $0x9;
	_ =	strace $0x8000004B  }
0xb4: {  	_ =	swait.ge [sflag:s29], $0x1  }
0xb5: {  	[sflag:s29] =	ssyncadd.s32 $0xFFFFFFFF  }
0xb6: {  	_ =	strace $0x9000004B  }
0xb7: {  	_ =	sfence  }
0xb8: {  	s30 =	sld [smem:$0x0];
	_ =	sdelay $0x2  }
0xb9: {  	s31 =	sshll.u32 s1, $0xD;
	s1 =	sshrl.u32 s1, $0x2  }
0xba: {  	s3 =	sand.u32 $0x4000, s31;
	s1 =	sadd.s32 s1, s30  }
0xbb: {  	s0 =	sor.u32 s3, s0;
	s1 =	sshll.u32 s1, $0x11  }
0xbc: {  	s0 =	sor.u32 s1, s0  }
0xbd: {  	s0 =	sadd.s32 $0x8F2B, s0  }
0xbe: {  	[sflag:s0] =	ssyncadd.remote.s32 $0x1  }
0xbf: {  	_ =	sfence.sel $0xFFFF  }
0xc0: {  	[dreg:$0x0] =	wrdreg $0xFFFFFFFF;
	(pc) =	sbr.abs _section_cstart, $3  }
0xc1: {  	[dreg:$0x1] =	wrdreg $0xFFFFFFFF  }
0xc2: {  	_ =	task.clear_ibuf [dreg:s7], $0x2FFFF;
	_ =	strace $0x9FFFFFFF  }
0xc3: {  	(tm) =	ssettm $0x7FFFFFFF  }
tec
execute0_lowered:
.L_overlay_start_1:
0x0: {  	(tag) =	ssettag $0x1  }
0x1: {  	s0 =	rddreg [dreg:$0x0]  }
0x2: {  	s12 =	rddreg [dreg:$0x1];
	s2 =	srdreg.scid;
	s1 =	simm.s32 $0x0  }
0x3: {  	s29 =	stileid.u32;
	s31 =	rddreg [dreg:$0x2];
	s30 =	simm.s32 $0x1  }
0x4: {  	s2 =	sand.u32 $0x1, s2;
	[smem:$0x7FF] =	sst s1;
	s23 =	smul.u32 $0x14000, s29  }
0x5: {  	s13 =	sadd.s32 $0xBE00, s0;
	s11 =	sadd.s32 $0x3DE00, s0;
	s14 =	smul.u32 $0x5000, s29  }
0x6: {  	s15 =	smul.u32 $0xA00, s29;
	s0 =	sadd.s32 $0x15E00, s0;
	s3 =	ssub.s32 $0x2, s2  }
0x7: {  	s24 =	smul.u32 $0x140000, s2;
	p0 =	seq.s32 s2, $0x0;
	s4 =	sshrl.u32 s3, $0x1  }
0x8: {  	s5 =	sor.u32 $0x3000, s23;
	s6 =	sadd.s32 $0x4000, s23;
	s7 =	sadd.s32 $0x5000, s23  }
0x9: {  	s8 =	sadd.s32 $0x6000, s23;
	s9 =	sadd.s32 $0x7000, s23;
	s10 =	sadd.s32 $0x8000, s23  }
0xa: {  	s14 =	sshrl.u32 s14, $0x3;
	s16 =	sadd.s32 s13, s15;
	s15 =	sadd.s32 s12, s15  }
0xb: {  	s22 =	ssub.s32 s3, s4;
	s3 =	sor.u32 $0x1000, s23;
	[dreg:$0x4] =	wrdreg s16  }
0xc: {  	s4 =	sor.u32 $0x2000, s23;
	[dreg:$0x5] =	wrdreg s15;
	s17 =	sadd.s32 $0x280, s14  }
0xd: {  	s19 =	sadd.s32 $0x500, s14;
	s14 =	sadd.s32 $0x780, s14;
	s25 =	sadd.s32 s23, s24  }
0xe: {  	s16 =	sadd.s32 $0xD000, s23;
	s28 =	sadd.s32 s24, s5;
	s18 =	sadd.s32 s13, s17  }
0xf: {  	s15 =	sadd.s32 s12, s17;
	s20 =	sadd.s32 s13, s19;
	s21 =	sadd.s32 s12, s19  }
0x10: {  	s13 =	sadd.s32 s13, s14;
	s12 =	sadd.s32 s12, s14;
	s25 =	sshrl.u32 s25, $0x3  }
0x11: {  	s26 =	sadd.s32 s24, s3;
	[dreg:$0x6] =	wrdreg s18;
	s25 =	sadd.s32 s11, s25  }
0x12: {  	s14 =	sadd.s32 $0xB000, s23;
	[dreg:$0xc] =	wrdreg s25;
	s25 =	sshrl.u32 s26, $0x3  }
0x13: {  	[dreg:$0x7] =	wrdreg s15;
	s26 =	sadd.s32 s24, s4;
	s25 =	sadd.s32 s11, s25  }
0x14: {  	[dreg:$0xd] =	wrdreg s25;
	s25 =	sshrl.u32 s26, $0x3;
	s26 =	sshrl.u32 s28, $0x3  }
0x15: {  	s17 =	sadd.s32 $0xE000, s23;
	[dreg:$0x8] =	wrdreg s20;
	s26 =	sadd.s32 s11, s26  }
0x16: {  	s25 =	sadd.s32 s11, s25;
	[dreg:$0xf] =	wrdreg s26;
	s26 =	sadd.s32 s24, s6  }
0x17: {  	s19 =	sadd.s32 $0x10000, s23;
	[dreg:$0xe] =	wrdreg s25;
	s25 =	sshrl.u32 s26, $0x3  }
0x18: {  	s28 =	sadd.s32 s24, s8;
	s26 =	sadd.s32 s24, s7;
	s25 =	sadd.s32 s11, s25  }
0x19: {  	[dreg:$0x10] =	wrdreg s25;
	s25 =	sshrl.u32 s26, $0x3;
	s26 =	sshrl.u32 s28, $0x3  }
0x1a: {  	s3 =	sadd.s32 s3, s31;
	[dreg:$0xb] =	wrdreg s12;
	s26 =	sadd.s32 s11, s26  }
0x1b: {  	s25 =	sadd.s32 s11, s25;
	[dreg:$0x12] =	wrdreg s26;
	s26 =	sadd.s32 s24, s9  }
0x1c: {  	s12 =	sadd.s32 $0x9000, s23;
	[dreg:$0x11] =	wrdreg s25;
	s25 =	sshrl.u32 s26, $0x3  }
0x1d: {  	s28 =	sadd.s32 s24, s12;
	s26 =	sadd.s32 s24, s10;
	s25 =	sadd.s32 s11, s25  }
0x1e: {  	[dreg:$0x13] =	wrdreg s25;
	s25 =	sshrl.u32 s26, $0x3;
	s26 =	sshrl.u32 s28, $0x3  }
0x1f: {  	[dreg:$0xa] =	wrdreg s13;
	s13 =	sadd.s32 $0xA000, s23;
	s26 =	sadd.s32 s11, s26  }
0x20: {  	s25 =	sadd.s32 s11, s25;
	[dreg:$0x15] =	wrdreg s26;
	s26 =	sadd.s32 s24, s13  }
0x21: {  	s15 =	sadd.s32 $0xC000, s23;
	[dreg:$0x14] =	wrdreg s25;
	s25 =	sshrl.u32 s26, $0x3  }
0x22: {  	s28 =	sadd.s32 s24, s15;
	s26 =	sadd.s32 s24, s14;
	s25 =	sadd.s32 s11, s25  }
0x23: {  	[dreg:$0x16] =	wrdreg s25;
	s25 =	sshrl.u32 s26, $0x3;
	s26 =	sshrl.u32 s28, $0x3  }
0x24: {  	[dreg:$0x9] =	wrdreg s21;
	s18 =	sadd.s32 $0xF000, s23;
	s26 =	sadd.s32 s11, s26  }
0x25: {  	s25 =	sadd.s32 s11, s25;
	[dreg:$0x18] =	wrdreg s26;
	s26 =	sadd.s32 s24, s16  }
0x26: {  	s20 =	sadd.s32 $0x11000, s23;
	[dreg:$0x17] =	wrdreg s25;
	s25 =	sshrl.u32 s26, $0x3  }
0x27: {  	s28 =	sadd.s32 s24, s18;
	s26 =	sadd.s32 s24, s17;
	s25 =	sadd.s32 s11, s25  }
0x28: {  	[dreg:$0x19] =	wrdreg s25;
	s25 =	sshrl.u32 s26, $0x3;
	s26 =	sshrl.u32 s28, $0x3  }
0x29: {  	s21 =	sadd.s32 $0x12000, s23;
	s23 =	sadd.s32 $0x13000, s23;
	s26 =	sadd.s32 s11, s26  }
0x2a: {  	s25 =	sadd.s32 s11, s25;
	[dreg:$0x1b] =	wrdreg s26;
	s26 =	sadd.s32 s24, s19  }
0x2b: {  	s8 =	sadd.s32 s8, s31;
	[dreg:$0x1a] =	wrdreg s25;
	s25 =	sshrl.u32 s26, $0x3  }
0x2c: {  	s7 =	sadd.s32 s7, s31;
	s26 =	sadd.s32 s24, s20;
	s25 =	sadd.s32 s11, s25  }
0x2d: {  	s28 =	sadd.s32 s24, s21;
	[dreg:$0x1c] =	wrdreg s25;
	s25 =	sshrl.u32 s26, $0x3  }
0x2e: {  	s24 =	sadd.s32 s24, s23;
	s26 =	sshrl.u32 s28, $0x3;
	s25 =	sadd.s32 s11, s25  }
0x2f: {  	s24 =	sshrl.u32 s24, $0x3;
	s26 =	sadd.s32 s11, s26;
	[dreg:$0x1d] =	wrdreg s25  }
0x30: {  	s9 =	sadd.s32 s9, s31;
	s11 =	sadd.s32 s11, s24;
	[dreg:$0x1e] =	wrdreg s26  }
0x31: {  	s10 =	sadd.s32 s10, s31;
	s28 =	simm.s32 $0x2800;
	[dreg:$0x1f] =	wrdreg s11  }
0x32: {  	s11 =	sadd.s32 s4, s31;
	_ =	strace $0x8000004A;
	[smem:$0x7F8] =	sst s3  }
0x33: {  	s24 =	sadd.s32 s5, s31;
	s26 =	smul.u32 $0x50000, s29;
	[smem:$0x7F9] =	sst s11  }
0x34: {  	s25 =	sadd.s32 s6, s31;
	s29 =	simm.s32 $0x6800;
	[smem:$0x7FA] =	sst s24  }
0x35: {  	[smem:$0x7FB] =	sst s25;
	s11 =	sadd.s32 s12, s31;
	s12 =	sadd.s32 s13, s31  }
0x36: {  	s13 =	sadd.s32 s14, s31;
	s14 =	sadd.s32 s15, s31;
	s15 =	sadd.s32 s16, s31  }
0x37: {  	s16 =	sadd.s32 s17, s31;
	s17 =	sadd.s32 s18, s31;
	s18 =	sadd.s32 s19, s31  }
.Ltmp0:
0x38: {  	s19 =	sadd.s32 s20, s31;
	s20 =	sadd.s32 s21, s31;
	(pc) =	sbr.rel .LBB2_1-.Ltmp0, $4  }
0x39: {  	s21 =	sadd.s32 s23, s31;
	s23 =	simm.s32 $0xA800;
	s26 =	sshrl.u32 s26, $0x2  }
0x3a: {  	s24 =	simm.s32 $0x3;
	s2 =	sadd.s32 s26, s31;
	s26 =	smax.u32 s22, $0x1  }
0x3b: {  	s25 =	simm.s32 $0x2;
	s6 =	smov.u32 s2;
	[smem:$0x7FC] =	sst s26  }
0x3c: {  	v0 =	vimm.f32 $0.0e+00;
	s22 =	simm.s32 $0x0;
	s26 =	simm.s32 $0x80;
	[smem:$0x7FD] =	sst s6  }
.LBB2_12:
0x3d: {  	s3 =	sadd.s32 $0x80, s2;
	[sflag:s24] =	ssyncadd.s32 $0xFFFFC000  }
0x3e: {  	[tilespmem:s29], [sflag:$0x2] =	stream.indirect.gather [hbm4b:s0+s26], $0x80, s3, s26, $0xb8;
	[tilespmem:$0x1F800] =	vst v63  }
0x3f: {  	_ =	swait.ge [sflag:s30], $0x4000  }
0x40: {  	[sflag:s30] =	ssyncset.done $0x0  }
0x41: {  	s5 =	sadd.s32 $0x1400, s2;
	[sflag:s30] =	ssyncadd.s32 $0xFFFFC000  }
0x42: {  	[spmem:s31] =	stream.indirect.scatter.add.f32 [tilespmem:s28], [sflag:$0x3], $0x80, s5, s26, $0xb8;
	[tilespmem:$0x1F800] =	vst v63  }
0x43: {  	_ =	swait.ge [sflag:s24], $0x4000  }
0x44: {  	[sflag:s24] =	ssyncset.done $0x0  }
0x45: {  	s6 =	sadd.s32 $0x100, s2;
	[sflag:s24] =	ssyncadd.s32 $0xFFFFC000  }
0x46: {  	[tilespmem:s28], [sflag:$0x1] =	stream.indirect.gather [hbm4b:s0+s26], $0x80, s6, s26, $0xb8;
	[tilespmem:$0x1F800] =	vst v63  }
0x47: {  	_ =	swait.ge [sflag:s25], $0x4000  }
0x48: {  	[sflag:s25] =	ssyncset.done $0x0  }
0x49: {  	s3 =	sadd.s32 $0x1480, s2;
	[sflag:s25] =	ssyncadd.s32 $0xFFFFC000  }
0x4a: {  	[spmem:s31] =	stream.indirect.scatter.add.f32 [tilespmem:s29], [sflag:$0x3], $0x80, s3, s26, $0xb8;
	[tilespmem:$0x1F800] =	vst v63  }
0x4b: {  	_ =	swait.ge [sflag:s24], $0x4000  }
0x4c: {  	[sflag:s24] =	ssyncset.done $0x0  }
0x4d: {  	s4 =	simm.s32 $0x1380;
	[sflag:s24] =	ssyncadd.s32 $0xFFFFC000  }
0x4e: {  	[tilespmem:s29], [sflag:$0x2] =	stream.indirect.gather [hbm4b:s0+s26], $0x80, s4, s26, $0xb8;
	[tilespmem:$0x1F800] =	vst v63  }
0x4f: {  	_ =	swait.ge [sflag:s30], $0x4000  }
0x50: {  	[sflag:s30] =	ssyncset.done $0x0  }
0x51: {  	s5 =	simm.s32 $0x2700;
	[sflag:s30] =	ssyncadd.s32 $0xFFFFC000  }
0x52: {  	[spmem:s31] =	stream.indirect.scatter.add.f32 [tilespmem:s28], [sflag:$0x3], $0x80, s5, s26, $0xb8;
	[tilespmem:$0x1F800] =	vst v63  }
0x53: {  	_ =	swait.ge [sflag:s24], $0x4000  }
0x54: {  	[sflag:s24] =	ssyncset.done $0x0  }
0x55: {  	[sflag:s24] =	ssyncadd.s32 $0xFFFFC000  }
0x56: {  	_ =	swait.ge [sflag:s25], $0x4000  }
0x57: {  	[sflag:s25] =	ssyncset.done $0x0  }
0x58: {  	s6 =	simm.s32 $0x2780;
	[sflag:s25] =	ssyncadd.s32 $0xFFFFC000  }
0x59: {  	[spmem:s31] =	stream.indirect.scatter.add.f32 [tilespmem:s29], [sflag:$0x3], $0x80, s6, s26, $0xb8;
	[tilespmem:$0x1F800] =	vst v63  }
0x5a: {  	_ =	swait.ge [sflag:s24], $0x4000  }
0x5b: {  	[sflag:s24] =	ssyncset.done $0x0  }
0x5c: {  	s6 =	sld [smem:$0x7FD];
	[sflag:s24] =	ssyncadd.s32 $0xFFFFC000  }
.LBB2_13:
0x5d: {  	_ = 	snop  }
0x5e: {  	[bflag:$0x0] =	sbarrier.arrive $0xFFFF  }
0x5f: {  	[tilespmem:s23], [sflag:$0x3] =	stream.linear.gather [spmem:s6], $0x1000, $0x38;
	[tilespmem:$0x1F800] =	vst v63  }
0x60: {  	_ =	swait.ge [sflag:s24], $0x1000  }
0x61: {  	[sflag:s24] =	ssyncset.done $0x0  }
0x62: {  	s2 =	rddreg [dreg:$0xc];
	[sflag:s24] =	ssyncadd.s32 $0xFFFFF000  }
0x63: {  	[hbm4b:s2+s1] =	stream.linear.scatter [tilespmem:s23], [sflag:$0x3], $0x1000, $0x38;
	[tilespmem:$0x1F800] =	vst v63  }
0x64: {  	_ =	swait.ge [sflag:s24], $0x1000  }
0x65: {  	s3 =	sld [smem:$0x7F8]  }
0x66: {  	[sflag:s24] =	ssyncset.done $0x0  }
0x67: {  	[sflag:s24] =	ssyncadd.s32 $0xFFFFF000  }
0x68: {  	[tilespmem:s23], [sflag:$0x3] =	stream.linear.gather [spmem:s3], $0x1000, $0x38;
	[tilespmem:$0x1F800] =	vst v63  }
0x69: {  	_ =	swait.ge [sflag:s24], $0x1000  }
0x6a: {  	[sflag:s24] =	ssyncset.done $0x0  }
0x6b: {  	s4 =	rddreg [dreg:$0xd];
	[sflag:s24] =	ssyncadd.s32 $0xFFFFF000  }
0x6c: {  	[hbm4b:s4+s1] =	stream.linear.scatter [tilespmem:s23], [sflag:$0x3], $0x1000, $0x38;
	[tilespmem:$0x1F800] =	vst v63  }
0x6d: {  	_ =	swait.ge [sflag:s24], $0x1000  }
0x6e: {  	s5 =	sld [smem:$0x7F9]  }
0x6f: {  	[sflag:s24] =	ssyncset.done $0x0  }
0x70: {  	[sflag:s24] =	ssyncadd.s32 $0xFFFFF000  }
0x71: {  	[tilespmem:s23], [sflag:$0x3] =	stream.linear.gather [spmem:s5], $0x1000, $0x38;
	[tilespmem:$0x1F800] =	vst v63  }
0x72: {  	_ =	swait.ge [sflag:s24], $0x1000  }
0x73: {  	[sflag:s24] =	ssyncset.done $0x0  }
0x74: {  	s3 =	rddreg [dreg:$0xe];
	[sflag:s24] =	ssyncadd.s32 $0xFFFFF000  }
0x75: {  	[hbm4b:s3+s1] =	stream.linear.scatter [tilespmem:s23], [sflag:$0x3], $0x1000, $0x38;
	[tilespmem:$0x1F800] =	vst v63  }
0x76: {  	_ =	swait.ge [sflag:s24], $0x1000  }
0x77: {  	s4 =	sld [smem:$0x7FA]  }
0x78: {  	[sflag:s24] =	ssyncset.done $0x0  }
0x79: {  	[sflag:s24] =	ssyncadd.s32 $0xFFFFF000  }
0x7a: {  	[tilespmem:s23], [sflag:$0x3] =	stream.linear.gather [spmem:s4], $0x1000, $0x38;
	[tilespmem:$0x1F800] =	vst v63  }
0x7b: {  	_ =	swait.ge [sflag:s24], $0x1000  }
0x7c: {  	[sflag:s24] =	ssyncset.done $0x0  }
0x7d: {  	s5 =	rddreg [dreg:$0xf];
	[sflag:s24] =	ssyncadd.s32 $0xFFFFF000  }
0x7e: {  	[hbm4b:s5+s1] =	stream.linear.scatter [tilespmem:s23], [sflag:$0x3], $0x1000, $0x38;
	[tilespmem:$0x1F800] =	vst v63  }
0x7f: {  	_ =	swait.ge [sflag:s24], $0x1000  }
0x80: {  	s3 =	sld [smem:$0x7FB]  }
0x81: {  	[sflag:s24] =	ssyncset.done $0x0  }
0x82: {  	[sflag:s24] =	ssyncadd.s32 $0xFFFFF000  }
0x83: {  	[tilespmem:s23], [sflag:$0x3] =	stream.linear.gather [spmem:s3], $0x1000, $0x38;
	[tilespmem:$0x1F800] =	vst v63  }
0x84: {  	_ =	swait.ge [sflag:s24], $0x1000  }
0x85: {  	[sflag:s24] =	ssyncset.done $0x0  }
0x86: {  	s4 =	rddreg [dreg:$0x10];
	[sflag:s24] =	ssyncadd.s32 $0xFFFFF000  }
0x87: {  	[hbm4b:s4+s1] =	stream.linear.scatter [tilespmem:s23], [sflag:$0x3], $0x1000, $0x38;
	[tilespmem:$0x1F800] =	vst v63  }
0x88: {  	_ =	swait.ge [sflag:s24], $0x1000  }
0x89: {  	[sflag:s24] =	ssyncset.done $0x0  }
0x8a: {  	[sflag:s24] =	ssyncadd.s32 $0xFFFFF000  }
0x8b: {  	[tilespmem:s23], [sflag:$0x3] =	stream.linear.gather [spmem:s7], $0x1000, $0x38;
	[tilespmem:$0x1F800] =	vst v63  }
0x8c: {  	_ =	swait.ge [sflag:s24], $0x1000  }
0x8d: {  	[sflag:s24] =	ssyncset.done $0x0  }
0x8e: {  	s5 =	rddreg [dreg:$0x11];
	[sflag:s24] =	ssyncadd.s32 $0xFFFFF000  }
0x8f: {  	[hbm4b:s5+s1] =	stream.linear.scatter [tilespmem:s23], [sflag:$0x3], $0x1000, $0x38;
	[tilespmem:$0x1F800] =	vst v63  }
0x90: {  	_ =	swait.ge [sflag:s24], $0x1000  }
0x91: {  	[sflag:s24] =	ssyncset.done $0x0  }
0x92: {  	[sflag:s24] =	ssyncadd.s32 $0xFFFFF000  }
0x93: {  	[tilespmem:s23], [sflag:$0x3] =	stream.linear.gather [spmem:s8], $0x1000, $0x38;
	[tilespmem:$0x1F800] =	vst v63  }
0x94: {  	_ =	swait.ge [sflag:s24], $0x1000  }
0x95: {  	[sflag:s24] =	ssyncset.done $0x0  }
0x96: {  	s3 =	rddreg [dreg:$0x12];
	[sflag:s24] =	ssyncadd.s32 $0xFFFFF000  }
0x97: {  	[hbm4b:s3+s1] =	stream.linear.scatter [tilespmem:s23], [sflag:$0x3], $0x1000, $0x38;
	[tilespmem:$0x1F800] =	vst v63  }
0x98: {  	_ =	swait.ge [sflag:s24], $0x1000  }
0x99: {  	[sflag:s24] =	ssyncset.done $0x0  }
0x9a: {  	[sflag:s24] =	ssyncadd.s32 $0xFFFFF000  }
0x9b: {  	[tilespmem:s23], [sflag:$0x3] =	stream.linear.gather [spmem:s9], $0x1000, $0x38;
	[tilespmem:$0x1F800] =	vst v63  }
0x9c: {  	_ =	swait.ge [sflag:s24], $0x1000  }
0x9d: {  	[sflag:s24] =	ssyncset.done $0x0  }
0x9e: {  	s4 =	rddreg [dreg:$0x13];
	[sflag:s24] =	ssyncadd.s32 $0xFFFFF000  }
0x9f: {  	[hbm4b:s4+s1] =	stream.linear.scatter [tilespmem:s23], [sflag:$0x3], $0x1000, $0x38;
	[tilespmem:$0x1F800] =	vst v63  }
0xa0: {  	_ =	swait.ge [sflag:s24], $0x1000  }
0xa1: {  	[sflag:s24] =	ssyncset.done $0x0  }
0xa2: {  	[sflag:s24] =	ssyncadd.s32 $0xFFFFF000  }
0xa3: {  	[tilespmem:s23], [sflag:$0x3] =	stream.linear.gather [spmem:s10], $0x1000, $0x38;
	[tilespmem:$0x1F800] =	vst v63  }
0xa4: {  	_ =	swait.ge [sflag:s24], $0x1000  }
0xa5: {  	[sflag:s24] =	ssyncset.done $0x0  }
0xa6: {  	s5 =	rddreg [dreg:$0x14];
	[sflag:s24] =	ssyncadd.s32 $0xFFFFF000  }
0xa7: {  	[hbm4b:s5+s1] =	stream.linear.scatter [tilespmem:s23], [sflag:$0x3], $0x1000, $0x38;
	[tilespmem:$0x1F800] =	vst v63  }
0xa8: {  	_ =	swait.ge [sflag:s24], $0x1000  }
0xa9: {  	[sflag:s24] =	ssyncset.done $0x0  }
0xaa: {  	[sflag:s24] =	ssyncadd.s32 $0xFFFFF000  }
0xab: {  	[tilespmem:s23], [sflag:$0x3] =	stream.linear.gather [spmem:s11], $0x1000, $0x38;
	[tilespmem:$0x1F800] =	vst v63  }
0xac: {  	_ =	swait.ge [sflag:s24], $0x1000  }
0xad: {  	[sflag:s24] =	ssyncset.done $0x0  }
0xae: {  	s3 =	rddreg [dreg:$0x15];
	[sflag:s24] =	ssyncadd.s32 $0xFFFFF000  }
0xaf: {  	[hbm4b:s3+s1] =	stream.linear.scatter [tilespmem:s23], [sflag:$0x3], $0x1000, $0x38;
	[tilespmem:$0x1F800] =	vst v63  }
0xb0: {  	_ =	swait.ge [sflag:s24], $0x1000  }
0xb1: {  	[sflag:s24] =	ssyncset.done $0x0  }
0xb2: {  	[sflag:s24] =	ssyncadd.s32 $0xFFFFF000  }
0xb3: {  	[tilespmem:s23], [sflag:$0x3] =	stream.linear.gather [spmem:s12], $0x1000, $0x38;
	[tilespmem:$0x1F800] =	vst v63  }
0xb4: {  	_ =	swait.ge [sflag:s24], $0x1000  }
0xb5: {  	[sflag:s24] =	ssyncset.done $0x0  }
0xb6: {  	s4 =	rddreg [dreg:$0x16];
	[sflag:s24] =	ssyncadd.s32 $0xFFFFF000  }
0xb7: {  	[hbm4b:s4+s1] =	stream.linear.scatter [tilespmem:s23], [sflag:$0x3], $0x1000, $0x38;
	[tilespmem:$0x1F800] =	vst v63  }
0xb8: {  	_ =	swait.ge [sflag:s24], $0x1000  }
0xb9: {  	[sflag:s24] =	ssyncset.done $0x0  }
0xba: {  	[sflag:s24] =	ssyncadd.s32 $0xFFFFF000  }
0xbb: {  	[tilespmem:s23], [sflag:$0x3] =	stream.linear.gather [spmem:s13], $0x1000, $0x38;
	[tilespmem:$0x1F800] =	vst v63  }
0xbc: {  	_ =	swait.ge [sflag:s24], $0x1000  }
0xbd: {  	[sflag:s24] =	ssyncset.done $0x0  }
0xbe: {  	s5 =	rddreg [dreg:$0x17];
	[sflag:s24] =	ssyncadd.s32 $0xFFFFF000  }
0xbf: {  	[hbm4b:s5+s1] =	stream.linear.scatter [tilespmem:s23], [sflag:$0x3], $0x1000, $0x38;
	[tilespmem:$0x1F800] =	vst v63  }
0xc0: {  	_ =	swait.ge [sflag:s24], $0x1000  }
0xc1: {  	[sflag:s24] =	ssyncset.done $0x0  }
0xc2: {  	[sflag:s24] =	ssyncadd.s32 $0xFFFFF000  }
0xc3: {  	[tilespmem:s23], [sflag:$0x3] =	stream.linear.gather [spmem:s14], $0x1000, $0x38;
	[tilespmem:$0x1F800] =	vst v63  }
0xc4: {  	_ =	swait.ge [sflag:s24], $0x1000  }
0xc5: {  	[sflag:s24] =	ssyncset.done $0x0  }
0xc6: {  	s3 =	rddreg [dreg:$0x18];
	[sflag:s24] =	ssyncadd.s32 $0xFFFFF000  }
0xc7: {  	[hbm4b:s3+s1] =	stream.linear.scatter [tilespmem:s23], [sflag:$0x3], $0x1000, $0x38;
	[tilespmem:$0x1F800] =	vst v63  }
0xc8: {  	_ =	swait.ge [sflag:s24], $0x1000  }
0xc9: {  	[sflag:s24] =	ssyncset.done $0x0  }
0xca: {  	[sflag:s24] =	ssyncadd.s32 $0xFFFFF000  }
0xcb: {  	[tilespmem:s23], [sflag:$0x3] =	stream.linear.gather [spmem:s15], $0x1000, $0x38;
	[tilespmem:$0x1F800] =	vst v63  }
0xcc: {  	_ =	swait.ge [sflag:s24], $0x1000  }
0xcd: {  	[sflag:s24] =	ssyncset.done $0x0  }
0xce: {  	s4 =	rddreg [dreg:$0x19];
	[sflag:s24] =	ssyncadd.s32 $0xFFFFF000  }
0xcf: {  	[hbm4b:s4+s1] =	stream.linear.scatter [tilespmem:s23], [sflag:$0x3], $0x1000, $0x38;
	[tilespmem:$0x1F800] =	vst v63  }
0xd0: {  	_ =	swait.ge [sflag:s24], $0x1000  }
0xd1: {  	[sflag:s24] =	ssyncset.done $0x0  }
0xd2: {  	[sflag:s24] =	ssyncadd.s32 $0xFFFFF000  }
0xd3: {  	[tilespmem:s23], [sflag:$0x3] =	stream.linear.gather [spmem:s16], $0x1000, $0x38;
	[tilespmem:$0x1F800] =	vst v63  }
0xd4: {  	_ =	swait.ge [sflag:s24], $0x1000  }
0xd5: {  	[sflag:s24] =	ssyncset.done $0x0  }
0xd6: {  	s5 =	rddreg [dreg:$0x1a];
	[sflag:s24] =	ssyncadd.s32 $0xFFFFF000  }
0xd7: {  	[hbm4b:s5+s1] =	stream.linear.scatter [tilespmem:s23], [sflag:$0x3], $0x1000, $0x38;
	[tilespmem:$0x1F800] =	vst v63  }
0xd8: {  	_ =	swait.ge [sflag:s24], $0x1000  }
0xd9: {  	[sflag:s24] =	ssyncset.done $0x0  }
0xda: {  	[sflag:s24] =	ssyncadd.s32 $0xFFFFF000  }
0xdb: {  	[tilespmem:s23], [sflag:$0x3] =	stream.linear.gather [spmem:s17], $0x1000, $0x38;
	[tilespmem:$0x1F800] =	vst v63  }
0xdc: {  	_ =	swait.ge [sflag:s24], $0x1000  }
0xdd: {  	[sflag:s24] =	ssyncset.done $0x0  }
0xde: {  	s3 =	rddreg [dreg:$0x1b];
	[sflag:s24] =	ssyncadd.s32 $0xFFFFF000  }
0xdf: {  	[hbm4b:s3+s1] =	stream.linear.scatter [tilespmem:s23], [sflag:$0x3], $0x1000, $0x38;
	[tilespmem:$0x1F800] =	vst v63  }
0xe0: {  	_ =	swait.ge [sflag:s24], $0x1000  }
0xe1: {  	[sflag:s24] =	ssyncset.done $0x0  }
0xe2: {  	[sflag:s24] =	ssyncadd.s32 $0xFFFFF000  }
0xe3: {  	[tilespmem:s23], [sflag:$0x3] =	stream.linear.gather [spmem:s18], $0x1000, $0x38;
	[tilespmem:$0x1F800] =	vst v63  }
0xe4: {  	_ =	swait.ge [sflag:s24], $0x1000  }
0xe5: {  	[sflag:s24] =	ssyncset.done $0x0  }
0xe6: {  	s4 =	rddreg [dreg:$0x1c];
	[sflag:s24] =	ssyncadd.s32 $0xFFFFF000  }
0xe7: {  	[hbm4b:s4+s1] =	stream.linear.scatter [tilespmem:s23], [sflag:$0x3], $0x1000, $0x38;
	[tilespmem:$0x1F800] =	vst v63  }
0xe8: {  	_ =	swait.ge [sflag:s24], $0x1000  }
0xe9: {  	[sflag:s24] =	ssyncset.done $0x0  }
0xea: {  	[sflag:s24] =	ssyncadd.s32 $0xFFFFF000  }
0xeb: {  	[tilespmem:s23], [sflag:$0x3] =	stream.linear.gather [spmem:s19], $0x1000, $0x38;
	[tilespmem:$0x1F800] =	vst v63  }
0xec: {  	_ =	swait.ge [sflag:s24], $0x1000  }
0xed: {  	[sflag:s24] =	ssyncset.done $0x0  }
0xee: {  	s5 =	rddreg [dreg:$0x1d];
	[sflag:s24] =	ssyncadd.s32 $0xFFFFF000  }
0xef: {  	[hbm4b:s5+s1] =	stream.linear.scatter [tilespmem:s23], [sflag:$0x3], $0x1000, $0x38;
	[tilespmem:$0x1F800] =	vst v63  }
0xf0: {  	_ =	swait.ge [sflag:s24], $0x1000  }
0xf1: {  	[sflag:s24] =	ssyncset.done $0x0  }
0xf2: {  	[sflag:s24] =	ssyncadd.s32 $0xFFFFF000  }
0xf3: {  	[tilespmem:s23], [sflag:$0x3] =	stream.linear.gather [spmem:s20], $0x1000, $0x38;
	[tilespmem:$0x1F800] =	vst v63  }
0xf4: {  	_ =	swait.ge [sflag:s24], $0x1000  }
0xf5: {  	[sflag:s24] =	ssyncset.done $0x0  }
0xf6: {  	s3 =	rddreg [dreg:$0x1e];
	[sflag:s24] =	ssyncadd.s32 $0xFFFFF000  }
0xf7: {  	[hbm4b:s3+s1] =	stream.linear.scatter [tilespmem:s23], [sflag:$0x3], $0x1000, $0x38;
	[tilespmem:$0x1F800] =	vst v63  }
0xf8: {  	_ =	swait.ge [sflag:s24], $0x1000  }
0xf9: {  	[sflag:s24] =	ssyncset.done $0x0  }
0xfa: {  	[sflag:s24] =	ssyncadd.s32 $0xFFFFF000  }
0xfb: {  	[tilespmem:s23], [sflag:$0x3] =	stream.linear.gather [spmem:s21], $0x1000, $0x38;
	[tilespmem:$0x1F800] =	vst v63  }
0xfc: {  	_ =	swait.ge [sflag:s24], $0x1000  }
0xfd: {  	[sflag:s24] =	ssyncset.done $0x0  }
0xfe: {  	s4 =	rddreg [dreg:$0x1f];
	[sflag:s24] =	ssyncadd.s32 $0xFFFFF000  }
0xff: {  	[hbm4b:s4+s1] =	stream.linear.scatter [tilespmem:s23], [sflag:$0x3], $0x1000, $0x38;
	[tilespmem:$0x1F800] =	vst v63  }
0x100: {  	_ =	swait.ge [sflag:s24], $0x1000  }
0x101: {  	s5 =	sld [smem:$0x7FC];
	_ =	sdelay $0x1  }
0x102: {  	s22 =	sadd.s32 $0x1, s22  }
0x103: {  	p1 =	sne.s32 s22, s5  }
.Ltmp1:
0x104: {  	_ = 	snop;
	(pc) =	sbr.rel @!p1 .LBB2_14-.Ltmp1, $3  }
0x105: {  	_ =	sdelay $0x1  }
0x106: {  	[sflag:s24] =	ssyncset.done $0x0  }
0x107: {  	[sflag:s24] =	ssyncadd.s32 $0xFFFFF000  }
.LBB2_1:
0x108: {  	s2 =	sand.u32 $0x3E00, s1  }
0x109: {  	s3 =	sand.u32 $0x70, s1;
	s4 =	sshrl.u32 s2, $0x2  }
0x10a: {  	s2 =	simm.s32 $0x40;
	s4 =	sor.u32 s3, s4;
	s3 =	simm.s32 $0x0  }
.LBB2_2:
0x10b: {  	p1 =	sne.s32 s2, $0x3FC0  }
0x10c: {  	[tilespmem:s4+$0xA800] =	vst v0;
	s3 =	sadd.s32 $0x10, s3;
	s4 =	smov.u32 s2;
	s2 =	sadd.s32 $0x40, s2  }
.Ltmp2:
0x10d: {  	(pc) =	sbr.rel @p1 .LBB2_2-.Ltmp2, $4  }
0x10e: {  	_ = 	snop  }
0x10f: {  	s4 =	sand.u32 $0x3E00, s4  }
0x110: {  	s5 =	sand.u32 $0x70, s3;
	s4 =	sshrl.u32 s4, $0x2  }
0x111: {  	s4 =	sor.u32 s5, s4  }
0x112: {  	[tilespmem:s4+$0xA800] =	vst v0  }
0x113: {  	[spmem:s6] =	stream.linear.scatter [tilespmem:s23], [sflag:$0x3], $0x1000, $0x38;
	[tilespmem:$0x1F800] =	vst v63  }
0x114: {  	_ =	swait.ge [sflag:s24], $0x1000  }
0x115: {  	s2 =	sld [smem:$0x7F8]  }
0x116: {  	[sflag:s24] =	ssyncset.done $0x0  }
0x117: {  	[sflag:s24] =	ssyncadd.s32 $0xFFFFF000  }
0x118: {  	[spmem:s2] =	stream.linear.scatter [tilespmem:s23], [sflag:$0x3], $0x1000, $0x38;
	[tilespmem:$0x1F800] =	vst v63  }
0x119: {  	_ =	swait.ge [sflag:s24], $0x1000  }
0x11a: {  	s3 =	sld [smem:$0x7F9]  }
0x11b: {  	[sflag:s24] =	ssyncset.done $0x0  }
0x11c: {  	[sflag:s24] =	ssyncadd.s32 $0xFFFFF000  }
0x11d: {  	[spmem:s3] =	stream.linear.scatter [tilespmem:s23], [sflag:$0x3], $0x1000, $0x38;
	[tilespmem:$0x1F800] =	vst v63  }
0x11e: {  	_ =	swait.ge [sflag:s24], $0x1000  }
0x11f: {  	s4 =	sld [smem:$0x7FA]  }
0x120: {  	[sflag:s24] =	ssyncset.done $0x0  }
0x121: {  	[sflag:s24] =	ssyncadd.s32 $0xFFFFF000  }
0x122: {  	[spmem:s4] =	stream.linear.scatter [tilespmem:s23], [sflag:$0x3], $0x1000, $0x38;
	[tilespmem:$0x1F800] =	vst v63  }
0x123: {  	_ =	swait.ge [sflag:s24], $0x1000  }
0x124: {  	s5 =	sld [smem:$0x7FB]  }
0x125: {  	[sflag:s24] =	ssyncset.done $0x0  }
0x126: {  	[sflag:s24] =	ssyncadd.s32 $0xFFFFF000  }
0x127: {  	[spmem:s5] =	stream.linear.scatter [tilespmem:s23], [sflag:$0x3], $0x1000, $0x38;
	[tilespmem:$0x1F800] =	vst v63  }
0x128: {  	_ =	swait.ge [sflag:s24], $0x1000  }
0x129: {  	[sflag:s24] =	ssyncset.done $0x0  }
0x12a: {  	[sflag:s24] =	ssyncadd.s32 $0xFFFFF000  }
0x12b: {  	[spmem:s7] =	stream.linear.scatter [tilespmem:s23], [sflag:$0x3], $0x1000, $0x38;
	[tilespmem:$0x1F800] =	vst v63  }
0x12c: {  	_ =	swait.ge [sflag:s24], $0x1000  }
0x12d: {  	[sflag:s24] =	ssyncset.done $0x0  }
0x12e: {  	[sflag:s24] =	ssyncadd.s32 $0xFFFFF000  }
0x12f: {  	[spmem:s8] =	stream.linear.scatter [tilespmem:s23], [sflag:$0x3], $0x1000, $0x38;
	[tilespmem:$0x1F800] =	vst v63  }
0x130: {  	_ =	swait.ge [sflag:s24], $0x1000  }
0x131: {  	[sflag:s24] =	ssyncset.done $0x0  }
0x132: {  	[sflag:s24] =	ssyncadd.s32 $0xFFFFF000  }
0x133: {  	[spmem:s9] =	stream.linear.scatter [tilespmem:s23], [sflag:$0x3], $0x1000, $0x38;
	[tilespmem:$0x1F800] =	vst v63  }
0x134: {  	_ =	swait.ge [sflag:s24], $0x1000  }
0x135: {  	[sflag:s24] =	ssyncset.done $0x0  }
0x136: {  	[sflag:s24] =	ssyncadd.s32 $0xFFFFF000  }
0x137: {  	[spmem:s10] =	stream.linear.scatter [tilespmem:s23], [sflag:$0x3], $0x1000, $0x38;
	[tilespmem:$0x1F800] =	vst v63  }
0x138: {  	_ =	swait.ge [sflag:s24], $0x1000  }
0x139: {  	[sflag:s24] =	ssyncset.done $0x0  }
0x13a: {  	[sflag:s24] =	ssyncadd.s32 $0xFFFFF000  }
0x13b: {  	[spmem:s11] =	stream.linear.scatter [tilespmem:s23], [sflag:$0x3], $0x1000, $0x38;
	[tilespmem:$0x1F800] =	vst v63  }
0x13c: {  	_ =	swait.ge [sflag:s24], $0x1000  }
0x13d: {  	[sflag:s24] =	ssyncset.done $0x0  }
0x13e: {  	[sflag:s24] =	ssyncadd.s32 $0xFFFFF000  }
0x13f: {  	[spmem:s12] =	stream.linear.scatter [tilespmem:s23], [sflag:$0x3], $0x1000, $0x38;
	[tilespmem:$0x1F800] =	vst v63  }
0x140: {  	_ =	swait.ge [sflag:s24], $0x1000  }
0x141: {  	[sflag:s24] =	ssyncset.done $0x0  }
0x142: {  	[sflag:s24] =	ssyncadd.s32 $0xFFFFF000  }
0x143: {  	[spmem:s13] =	stream.linear.scatter [tilespmem:s23], [sflag:$0x3], $0x1000, $0x38;
	[tilespmem:$0x1F800] =	vst v63  }
0x144: {  	_ =	swait.ge [sflag:s24], $0x1000  }
0x145: {  	[sflag:s24] =	ssyncset.done $0x0  }
0x146: {  	[sflag:s24] =	ssyncadd.s32 $0xFFFFF000  }
0x147: {  	[spmem:s14] =	stream.linear.scatter [tilespmem:s23], [sflag:$0x3], $0x1000, $0x38;
	[tilespmem:$0x1F800] =	vst v63  }
0x148: {  	_ =	swait.ge [sflag:s24], $0x1000  }
0x149: {  	[sflag:s24] =	ssyncset.done $0x0  }
0x14a: {  	[sflag:s24] =	ssyncadd.s32 $0xFFFFF000  }
0x14b: {  	[spmem:s15] =	stream.linear.scatter [tilespmem:s23], [sflag:$0x3], $0x1000, $0x38;
	[tilespmem:$0x1F800] =	vst v63  }
0x14c: {  	_ =	swait.ge [sflag:s24], $0x1000  }
0x14d: {  	[sflag:s24] =	ssyncset.done $0x0  }
0x14e: {  	[sflag:s24] =	ssyncadd.s32 $0xFFFFF000  }
0x14f: {  	[spmem:s16] =	stream.linear.scatter [tilespmem:s23], [sflag:$0x3], $0x1000, $0x38;
	[tilespmem:$0x1F800] =	vst v63  }
0x150: {  	_ =	swait.ge [sflag:s24], $0x1000  }
0x151: {  	[sflag:s24] =	ssyncset.done $0x0  }
0x152: {  	[sflag:s24] =	ssyncadd.s32 $0xFFFFF000  }
0x153: {  	[spmem:s17] =	stream.linear.scatter [tilespmem:s23], [sflag:$0x3], $0x1000, $0x38;
	[tilespmem:$0x1F800] =	vst v63  }
0x154: {  	_ =	swait.ge [sflag:s24], $0x1000  }
0x155: {  	[sflag:s24] =	ssyncset.done $0x0  }
0x156: {  	[sflag:s24] =	ssyncadd.s32 $0xFFFFF000  }
0x157: {  	[spmem:s18] =	stream.linear.scatter [tilespmem:s23], [sflag:$0x3], $0x1000, $0x38;
	[tilespmem:$0x1F800] =	vst v63  }
0x158: {  	_ =	swait.ge [sflag:s24], $0x1000  }
0x159: {  	[sflag:s24] =	ssyncset.done $0x0  }
0x15a: {  	[sflag:s24] =	ssyncadd.s32 $0xFFFFF000  }
0x15b: {  	[spmem:s19] =	stream.linear.scatter [tilespmem:s23], [sflag:$0x3], $0x1000, $0x38;
	[tilespmem:$0x1F800] =	vst v63  }
0x15c: {  	_ =	swait.ge [sflag:s24], $0x1000  }
0x15d: {  	[sflag:s24] =	ssyncset.done $0x0  }
0x15e: {  	[sflag:s24] =	ssyncadd.s32 $0xFFFFF000  }
0x15f: {  	[spmem:s20] =	stream.linear.scatter [tilespmem:s23], [sflag:$0x3], $0x1000, $0x38;
	[tilespmem:$0x1F800] =	vst v63  }
0x160: {  	_ =	swait.ge [sflag:s24], $0x1000  }
0x161: {  	[sflag:s24] =	ssyncset.done $0x0  }
0x162: {  	[sflag:s24] =	ssyncadd.s32 $0xFFFFF000  }
0x163: {  	[spmem:s21] =	stream.linear.scatter [tilespmem:s23], [sflag:$0x3], $0x1000, $0x38;
	[tilespmem:$0x1F800] =	vst v63  }
.Ltmp3:
0x164: {  	_ =	swait.ge [sflag:s24], $0x1000;
	(pc) =	sbr.rel @p0 .LBB2_13-.Ltmp3, $3  }
0x165: {  	[sflag:s24] =	ssyncset.done $0x0  }
0x166: {  	[sflag:s24] =	ssyncadd.s32 $0xFFFFF000  }
0x167: {  	[bflag:$0x0] =	sbarrier.arrive $0xFFFF;
	_ =	sdelay $0x1  }
0x168: {  	s2 =	simm.s32 $0x0;
	s3 =	rddreg [dreg:$0x4]  }
0x169: {  	[tilespmem:s2], [sflag:$0x3] =	stream.linear.gather [hbm4b:s3+s2], $0x1400, $0x38;
	[tilespmem:$0x1F800] =	vst v63  }
0x16a: {  	_ =	swait.ge [sflag:s24], $0x1400  }
0x16b: {  	[sflag:s24] =	ssyncset.done $0x0  }
0x16c: {  	s4 =	simm.s32 $0x1400;
	s6 =	rddreg [dreg:$0x5];
	[sflag:s24] =	ssyncadd.s32 $0xFFFFEC00  }
0x16d: {  	[tilespmem:s4], [sflag:$0x3] =	stream.linear.gather [hbm4b:s6+s2], $0x1400, $0x38;
	[tilespmem:$0x1F800] =	vst v63  }
0x16e: {  	_ =	swait.ge [sflag:s24], $0x1400  }
0x16f: {  	[sflag:s24] =	ssyncset.done $0x0  }
0x170: {  	[sflag:s24] =	ssyncadd.s32 $0xFFFFEC00  }
0x171: {  	[tilespmem:s28], [sflag:$0x1] =	stream.indirect.gather [hbm4b:s0+s26], $0x80, s2, s26, $0xb8;
	[tilespmem:$0x1F800] =	vst v63  }
0x172: {  	s3 =	simm.s32 $0x80  }
0x173: {  	[tilespmem:s29], [sflag:$0x2] =	stream.indirect.gather [hbm4b:s0+s26], $0x80, s3, s26, $0xb8;
	[tilespmem:$0x1F800] =	vst v63  }
0x174: {  	_ =	swait.ge [sflag:s30], $0x4000  }
0x175: {  	[sflag:s30] =	ssyncset.done $0x0  }
0x176: {  	s4 =	simm.s32 $0x1400;
	[sflag:s30] =	ssyncadd.s32 $0xFFFFC000  }
0x177: {  	[spmem:s31] =	stream.indirect.scatter.add.f32 [tilespmem:s28], [sflag:$0x3], $0x80, s4, s26, $0xb8;
	[tilespmem:$0x1F800] =	vst v63  }
0x178: {  	_ =	swait.ge [sflag:s24], $0x4000  }
0x179: {  	[sflag:s24] =	ssyncset.done $0x0  }
0x17a: {  	s5 =	simm.s32 $0x100;
	[sflag:s24] =	ssyncadd.s32 $0xFFFFC000  }
0x17b: {  	[tilespmem:s28], [sflag:$0x1] =	stream.indirect.gather [hbm4b:s0+s26], $0x80, s5, s26, $0xb8;
	[tilespmem:$0x1F800] =	vst v63  }
0x17c: {  	_ =	swait.ge [sflag:s25], $0x4000  }
0x17d: {  	[sflag:s25] =	ssyncset.done $0x0  }
0x17e: {  	s6 =	simm.s32 $0x1480;
	[sflag:s25] =	ssyncadd.s32 $0xFFFFC000  }
0x17f: {  	[spmem:s31] =	stream.indirect.scatter.add.f32 [tilespmem:s29], [sflag:$0x3], $0x80, s6, s26, $0xb8;
	[tilespmem:$0x1F800] =	vst v63  }
0x180: {  	_ =	swait.ge [sflag:s24], $0x4000  }
0x181: {  	s2 =	simm.s32 $0x100;
	s3 =	simm.s32 $0x800;
	[sflag:s24] =	ssyncset.done $0x0  }
.LBB2_5:
0x182: {  	s4 =	sadd.s32 $0x80, s2  }
0x183: {  	[sflag:s24] =	ssyncadd.s32 $0xFFFFC000;
	s5 =	smov.u32 s3;
	s6 =	sadd.s32 $0x400, s3  }
0x184: {  	[tilespmem:s29], [sflag:$0x2] =	stream.indirect.gather [hbm4b:s0+s26], $0x80, s4, s26, $0xb8;
	[tilespmem:$0x1F800] =	vst v63  }
0x185: {  	p1 =	sne.s32 s3, $0x4800;
	_ =	swait.ge [sflag:s30], $0x4000  }
0x186: {  	[sflag:s30] =	ssyncset.done $0x0  }
0x187: {  	s3 =	sadd.s32 $0x1400, s2;
	[sflag:s30] =	ssyncadd.s32 $0xFFFFC000  }
0x188: {  	[spmem:s31] =	stream.indirect.scatter.add.f32 [tilespmem:s28], [sflag:$0x3], $0x80, s3, s26, $0xb8;
	[tilespmem:$0x1F800] =	vst v63  }
0x189: {  	_ =	swait.ge [sflag:s24], $0x4000  }
0x18a: {  	[sflag:s24] =	ssyncset.done $0x0  }
0x18b: {  	s3 =	sadd.s32 $0x100, s2;
	[sflag:s24] =	ssyncadd.s32 $0xFFFFC000  }
0x18c: {  	[tilespmem:s28], [sflag:$0x1] =	stream.indirect.gather [hbm4b:s0+s26], $0x80, s3, s26, $0xb8;
	[tilespmem:$0x1F800] =	vst v63  }
0x18d: {  	_ =	swait.ge [sflag:s25], $0x4000  }
.Ltmp4:
0x18e: {  	[sflag:s25] =	ssyncset.done $0x0;
	(pc) =	sbr.rel @p1 .LBB2_5-.Ltmp4, $4  }
0x18f: {  	s2 =	sadd.s32 $0x1480, s2;
	[sflag:s25] =	ssyncadd.s32 $0xFFFFC000  }
0x190: {  	[spmem:s31] =	stream.indirect.scatter.add.f32 [tilespmem:s29], [sflag:$0x3], $0x80, s2, s26, $0xb8;
	[tilespmem:$0x1F800] =	vst v63  }
0x191: {  	_ =	swait.ge [sflag:s24], $0x4000  }
0x192: {  	s3 =	smov.u32 s6;
	s2 =	sshra.s32 s5, $0x2;
	[sflag:s24] =	ssyncset.done $0x0  }
0x193: {  	s3 =	sadd.s32 $0x80, s2;
	[sflag:s24] =	ssyncadd.s32 $0xFFFFC000  }
0x194: {  	[tilespmem:s29], [sflag:$0x2] =	stream.indirect.gather [hbm4b:s0+s26], $0x80, s3, s26, $0xb8;
	[tilespmem:$0x1F800] =	vst v63  }
0x195: {  	_ =	swait.ge [sflag:s30], $0x4000  }
0x196: {  	[sflag:s30] =	ssyncset.done $0x0  }
0x197: {  	s6 =	sadd.s32 $0x1400, s2;
	[sflag:s30] =	ssyncadd.s32 $0xFFFFC000  }
0x198: {  	[spmem:s31] =	stream.indirect.scatter.add.f32 [tilespmem:s28], [sflag:$0x3], $0x80, s6, s26, $0xb8;
	[tilespmem:$0x1F800] =	vst v63  }
0x199: {  	_ =	swait.ge [sflag:s24], $0x4000  }
0x19a: {  	[sflag:s24] =	ssyncset.done $0x0  }
0x19b: {  	s4 =	sadd.s32 $0x100, s2;
	[sflag:s24] =	ssyncadd.s32 $0xFFFFC000  }
0x19c: {  	[tilespmem:s28], [sflag:$0x1] =	stream.indirect.gather [hbm4b:s0+s26], $0x80, s4, s26, $0xb8;
	[tilespmem:$0x1F800] =	vst v63  }
0x19d: {  	_ =	swait.ge [sflag:s25], $0x4000  }
0x19e: {  	[sflag:s25] =	ssyncset.done $0x0  }
0x19f: {  	s5 =	sadd.s32 $0x1480, s2;
	[sflag:s25] =	ssyncadd.s32 $0xFFFFC000  }
0x1a0: {  	[spmem:s31] =	stream.indirect.scatter.add.f32 [tilespmem:s29], [sflag:$0x3], $0x80, s5, s26, $0xb8;
	[tilespmem:$0x1F800] =	vst v63  }
0x1a1: {  	_ =	swait.ge [sflag:s24], $0x4000  }
0x1a2: {  	[sflag:s24] =	ssyncset.done $0x0  }
0x1a3: {  	s6 =	simm.s32 $0x1380;
	[sflag:s24] =	ssyncadd.s32 $0xFFFFC000  }
0x1a4: {  	[tilespmem:s29], [sflag:$0x2] =	stream.indirect.gather [hbm4b:s0+s26], $0x80, s6, s26, $0xb8;
	[tilespmem:$0x1F800] =	vst v63  }
0x1a5: {  	_ =	swait.ge [sflag:s30], $0x4000  }
0x1a6: {  	[sflag:s30] =	ssyncset.done $0x0  }
0x1a7: {  	s3 =	simm.s32 $0x2700;
	[sflag:s30] =	ssyncadd.s32 $0xFFFFC000  }
0x1a8: {  	[spmem:s31] =	stream.indirect.scatter.add.f32 [tilespmem:s28], [sflag:$0x3], $0x80, s3, s26, $0xb8;
	[tilespmem:$0x1F800] =	vst v63  }
0x1a9: {  	_ =	swait.ge [sflag:s24], $0x4000  }
0x1aa: {  	[sflag:s24] =	ssyncset.done $0x0  }
0x1ab: {  	[sflag:s24] =	ssyncadd.s32 $0xFFFFC000  }
0x1ac: {  	_ =	swait.ge [sflag:s25], $0x4000  }
0x1ad: {  	[sflag:s25] =	ssyncset.done $0x0  }
0x1ae: {  	s4 =	simm.s32 $0x2780;
	[sflag:s25] =	ssyncadd.s32 $0xFFFFC000  }
0x1af: {  	[spmem:s31] =	stream.indirect.scatter.add.f32 [tilespmem:s29], [sflag:$0x3], $0x80, s4, s26, $0xb8;
	[tilespmem:$0x1F800] =	vst v63  }
0x1b0: {  	_ =	swait.ge [sflag:s24], $0x4000  }
0x1b1: {  	[sflag:s24] =	ssyncset.done $0x0  }
0x1b2: {  	s2 =	simm.s32 $0x0;
	s5 =	rddreg [dreg:$0x6];
	[sflag:s24] =	ssyncadd.s32 $0xFFFFC000  }
0x1b3: {  	[tilespmem:s2], [sflag:$0x3] =	stream.linear.gather [hbm4b:s5+s2], $0x1400, $0x38;
	[tilespmem:$0x1F800] =	vst v63  }
0x1b4: {  	_ =	swait.ge [sflag:s24], $0x1400  }
0x1b5: {  	[sflag:s24] =	ssyncset.done $0x0  }
0x1b6: {  	s4 =	simm.s32 $0x1400;
	s6 =	rddreg [dreg:$0x7];
	[sflag:s24] =	ssyncadd.s32 $0xFFFFEC00  }
0x1b7: {  	[tilespmem:s4], [sflag:$0x3] =	stream.linear.gather [hbm4b:s6+s2], $0x1400, $0x38;
	[tilespmem:$0x1F800] =	vst v63  }
0x1b8: {  	_ =	swait.ge [sflag:s24], $0x1400  }
0x1b9: {  	[sflag:s24] =	ssyncset.done $0x0  }
0x1ba: {  	[sflag:s24] =	ssyncadd.s32 $0xFFFFEC00  }
0x1bb: {  	[tilespmem:s28], [sflag:$0x1] =	stream.indirect.gather [hbm4b:s0+s26], $0x80, s2, s26, $0xb8;
	[tilespmem:$0x1F800] =	vst v63  }
0x1bc: {  	s3 =	simm.s32 $0x80  }
0x1bd: {  	[tilespmem:s29], [sflag:$0x2] =	stream.indirect.gather [hbm4b:s0+s26], $0x80, s3, s26, $0xb8;
	[tilespmem:$0x1F800] =	vst v63  }
0x1be: {  	_ =	swait.ge [sflag:s30], $0x4000  }
0x1bf: {  	[sflag:s30] =	ssyncset.done $0x0  }
0x1c0: {  	s4 =	simm.s32 $0x1400;
	[sflag:s30] =	ssyncadd.s32 $0xFFFFC000  }
0x1c1: {  	[spmem:s31] =	stream.indirect.scatter.add.f32 [tilespmem:s28], [sflag:$0x3], $0x80, s4, s26, $0xb8;
	[tilespmem:$0x1F800] =	vst v63  }
0x1c2: {  	_ =	swait.ge [sflag:s24], $0x4000  }
0x1c3: {  	[sflag:s24] =	ssyncset.done $0x0  }
0x1c4: {  	s5 =	simm.s32 $0x100;
	[sflag:s24] =	ssyncadd.s32 $0xFFFFC000  }
0x1c5: {  	[tilespmem:s28], [sflag:$0x1] =	stream.indirect.gather [hbm4b:s0+s26], $0x80, s5, s26, $0xb8;
	[tilespmem:$0x1F800] =	vst v63  }
0x1c6: {  	_ =	swait.ge [sflag:s25], $0x4000  }
0x1c7: {  	[sflag:s25] =	ssyncset.done $0x0  }
0x1c8: {  	s6 =	simm.s32 $0x1480;
	[sflag:s25] =	ssyncadd.s32 $0xFFFFC000  }
0x1c9: {  	[spmem:s31] =	stream.indirect.scatter.add.f32 [tilespmem:s29], [sflag:$0x3], $0x80, s6, s26, $0xb8;
	[tilespmem:$0x1F800] =	vst v63  }
0x1ca: {  	_ =	swait.ge [sflag:s24], $0x4000  }
0x1cb: {  	s2 =	simm.s32 $0x100;
	s3 =	simm.s32 $0x800;
	[sflag:s24] =	ssyncset.done $0x0  }
.LBB2_7:
0x1cc: {  	s4 =	sadd.s32 $0x80, s2  }
0x1cd: {  	[sflag:s24] =	ssyncadd.s32 $0xFFFFC000;
	s5 =	smov.u32 s3;
	s6 =	sadd.s32 $0x400, s3  }
0x1ce: {  	[tilespmem:s29], [sflag:$0x2] =	stream.indirect.gather [hbm4b:s0+s26], $0x80, s4, s26, $0xb8;
	[tilespmem:$0x1F800] =	vst v63  }
0x1cf: {  	p1 =	sne.s32 s3, $0x4800;
	_ =	swait.ge [sflag:s30], $0x4000  }
0x1d0: {  	[sflag:s30] =	ssyncset.done $0x0  }
0x1d1: {  	s3 =	sadd.s32 $0x1400, s2;
	[sflag:s30] =	ssyncadd.s32 $0xFFFFC000  }
0x1d2: {  	[spmem:s31] =	stream.indirect.scatter.add.f32 [tilespmem:s28], [sflag:$0x3], $0x80, s3, s26, $0xb8;
	[tilespmem:$0x1F800] =	vst v63  }
0x1d3: {  	_ =	swait.ge [sflag:s24], $0x4000  }
0x1d4: {  	[sflag:s24] =	ssyncset.done $0x0  }
0x1d5: {  	s3 =	sadd.s32 $0x100, s2;
	[sflag:s24] =	ssyncadd.s32 $0xFFFFC000  }
0x1d6: {  	[tilespmem:s28], [sflag:$0x1] =	stream.indirect.gather [hbm4b:s0+s26], $0x80, s3, s26, $0xb8;
	[tilespmem:$0x1F800] =	vst v63  }
0x1d7: {  	_ =	swait.ge [sflag:s25], $0x4000  }
.Ltmp5:
0x1d8: {  	[sflag:s25] =	ssyncset.done $0x0;
	(pc) =	sbr.rel @p1 .LBB2_7-.Ltmp5, $4  }
0x1d9: {  	s2 =	sadd.s32 $0x1480, s2;
	[sflag:s25] =	ssyncadd.s32 $0xFFFFC000  }
0x1da: {  	[spmem:s31] =	stream.indirect.scatter.add.f32 [tilespmem:s29], [sflag:$0x3], $0x80, s2, s26, $0xb8;
	[tilespmem:$0x1F800] =	vst v63  }
0x1db: {  	_ =	swait.ge [sflag:s24], $0x4000  }
0x1dc: {  	s3 =	smov.u32 s6;
	s2 =	sshra.s32 s5, $0x2;
	[sflag:s24] =	ssyncset.done $0x0  }
0x1dd: {  	s3 =	sadd.s32 $0x80, s2;
	[sflag:s24] =	ssyncadd.s32 $0xFFFFC000  }
0x1de: {  	[tilespmem:s29], [sflag:$0x2] =	stream.indirect.gather [hbm4b:s0+s26], $0x80, s3, s26, $0xb8;
	[tilespmem:$0x1F800] =	vst v63  }
0x1df: {  	_ =	swait.ge [sflag:s30], $0x4000  }
0x1e0: {  	[sflag:s30] =	ssyncset.done $0x0  }
0x1e1: {  	s6 =	sadd.s32 $0x1400, s2;
	[sflag:s30] =	ssyncadd.s32 $0xFFFFC000  }
0x1e2: {  	[spmem:s31] =	stream.indirect.scatter.add.f32 [tilespmem:s28], [sflag:$0x3], $0x80, s6, s26, $0xb8;
	[tilespmem:$0x1F800] =	vst v63  }
0x1e3: {  	_ =	swait.ge [sflag:s24], $0x4000  }
0x1e4: {  	[sflag:s24] =	ssyncset.done $0x0  }
0x1e5: {  	s4 =	sadd.s32 $0x100, s2;
	[sflag:s24] =	ssyncadd.s32 $0xFFFFC000  }
0x1e6: {  	[tilespmem:s28], [sflag:$0x1] =	stream.indirect.gather [hbm4b:s0+s26], $0x80, s4, s26, $0xb8;
	[tilespmem:$0x1F800] =	vst v63  }
0x1e7: {  	_ =	swait.ge [sflag:s25], $0x4000  }
0x1e8: {  	[sflag:s25] =	ssyncset.done $0x0  }
0x1e9: {  	s5 =	sadd.s32 $0x1480, s2;
	[sflag:s25] =	ssyncadd.s32 $0xFFFFC000  }
0x1ea: {  	[spmem:s31] =	stream.indirect.scatter.add.f32 [tilespmem:s29], [sflag:$0x3], $0x80, s5, s26, $0xb8;
	[tilespmem:$0x1F800] =	vst v63  }
0x1eb: {  	_ =	swait.ge [sflag:s24], $0x4000  }
0x1ec: {  	[sflag:s24] =	ssyncset.done $0x0  }
0x1ed: {  	s6 =	simm.s32 $0x1380;
	[sflag:s24] =	ssyncadd.s32 $0xFFFFC000  }
0x1ee: {  	[tilespmem:s29], [sflag:$0x2] =	stream.indirect.gather [hbm4b:s0+s26], $0x80, s6, s26, $0xb8;
	[tilespmem:$0x1F800] =	vst v63  }
0x1ef: {  	_ =	swait.ge [sflag:s30], $0x4000  }
0x1f0: {  	[sflag:s30] =	ssyncset.done $0x0  }
0x1f1: {  	s3 =	simm.s32 $0x2700;
	[sflag:s30] =	ssyncadd.s32 $0xFFFFC000  }
0x1f2: {  	[spmem:s31] =	stream.indirect.scatter.add.f32 [tilespmem:s28], [sflag:$0x3], $0x80, s3, s26, $0xb8;
	[tilespmem:$0x1F800] =	vst v63  }
0x1f3: {  	_ =	swait.ge [sflag:s24], $0x4000  }
0x1f4: {  	[sflag:s24] =	ssyncset.done $0x0  }
0x1f5: {  	[sflag:s24] =	ssyncadd.s32 $0xFFFFC000  }
0x1f6: {  	_ =	swait.ge [sflag:s25], $0x4000  }
0x1f7: {  	[sflag:s25] =	ssyncset.done $0x0  }
0x1f8: {  	s4 =	simm.s32 $0x2780;
	[sflag:s25] =	ssyncadd.s32 $0xFFFFC000  }
0x1f9: {  	[spmem:s31] =	stream.indirect.scatter.add.f32 [tilespmem:s29], [sflag:$0x3], $0x80, s4, s26, $0xb8;
	[tilespmem:$0x1F800] =	vst v63  }
0x1fa: {  	_ =	swait.ge [sflag:s24], $0x4000  }
0x1fb: {  	[sflag:s24] =	ssyncset.done $0x0  }
0x1fc: {  	s2 =	simm.s32 $0x0;
	s5 =	rddreg [dreg:$0x8];
	[sflag:s24] =	ssyncadd.s32 $0xFFFFC000  }
0x1fd: {  	[tilespmem:s2], [sflag:$0x3] =	stream.linear.gather [hbm4b:s5+s2], $0x1400, $0x38;
	[tilespmem:$0x1F800] =	vst v63  }
0x1fe: {  	_ =	swait.ge [sflag:s24], $0x1400  }
0x1ff: {  	[sflag:s24] =	ssyncset.done $0x0  }
0x200: {  	s4 =	simm.s32 $0x1400;
	s6 =	rddreg [dreg:$0x9];
	[sflag:s24] =	ssyncadd.s32 $0xFFFFEC00  }
0x201: {  	[tilespmem:s4], [sflag:$0x3] =	stream.linear.gather [hbm4b:s6+s2], $0x1400, $0x38;
	[tilespmem:$0x1F800] =	vst v63  }
0x202: {  	_ =	swait.ge [sflag:s24], $0x1400  }
0x203: {  	[sflag:s24] =	ssyncset.done $0x0  }
0x204: {  	[sflag:s24] =	ssyncadd.s32 $0xFFFFEC00  }
0x205: {  	[tilespmem:s28], [sflag:$0x1] =	stream.indirect.gather [hbm4b:s0+s26], $0x80, s2, s26, $0xb8;
	[tilespmem:$0x1F800] =	vst v63  }
0x206: {  	s3 =	simm.s32 $0x80  }
0x207: {  	[tilespmem:s29], [sflag:$0x2] =	stream.indirect.gather [hbm4b:s0+s26], $0x80, s3, s26, $0xb8;
	[tilespmem:$0x1F800] =	vst v63  }
0x208: {  	_ =	swait.ge [sflag:s30], $0x4000  }
0x209: {  	[sflag:s30] =	ssyncset.done $0x0  }
0x20a: {  	s4 =	simm.s32 $0x1400;
	[sflag:s30] =	ssyncadd.s32 $0xFFFFC000  }
0x20b: {  	[spmem:s31] =	stream.indirect.scatter.add.f32 [tilespmem:s28], [sflag:$0x3], $0x80, s4, s26, $0xb8;
	[tilespmem:$0x1F800] =	vst v63  }
0x20c: {  	_ =	swait.ge [sflag:s24], $0x4000  }
0x20d: {  	[sflag:s24] =	ssyncset.done $0x0  }
0x20e: {  	s5 =	simm.s32 $0x100;
	[sflag:s24] =	ssyncadd.s32 $0xFFFFC000  }
0x20f: {  	[tilespmem:s28], [sflag:$0x1] =	stream.indirect.gather [hbm4b:s0+s26], $0x80, s5, s26, $0xb8;
	[tilespmem:$0x1F800] =	vst v63  }
0x210: {  	_ =	swait.ge [sflag:s25], $0x4000  }
0x211: {  	[sflag:s25] =	ssyncset.done $0x0  }
0x212: {  	s6 =	simm.s32 $0x1480;
	[sflag:s25] =	ssyncadd.s32 $0xFFFFC000  }
0x213: {  	[spmem:s31] =	stream.indirect.scatter.add.f32 [tilespmem:s29], [sflag:$0x3], $0x80, s6, s26, $0xb8;
	[tilespmem:$0x1F800] =	vst v63  }
0x214: {  	_ =	swait.ge [sflag:s24], $0x4000  }
0x215: {  	s2 =	simm.s32 $0x100;
	s3 =	simm.s32 $0x800;
	[sflag:s24] =	ssyncset.done $0x0  }
.LBB2_9:
0x216: {  	s4 =	sadd.s32 $0x80, s2  }
0x217: {  	[sflag:s24] =	ssyncadd.s32 $0xFFFFC000;
	s5 =	smov.u32 s3;
	s6 =	sadd.s32 $0x400, s3  }
0x218: {  	[tilespmem:s29], [sflag:$0x2] =	stream.indirect.gather [hbm4b:s0+s26], $0x80, s4, s26, $0xb8;
	[tilespmem:$0x1F800] =	vst v63  }
0x219: {  	p1 =	sne.s32 s3, $0x4800;
	_ =	swait.ge [sflag:s30], $0x4000  }
0x21a: {  	[sflag:s30] =	ssyncset.done $0x0  }
0x21b: {  	s3 =	sadd.s32 $0x1400, s2;
	[sflag:s30] =	ssyncadd.s32 $0xFFFFC000  }
0x21c: {  	[spmem:s31] =	stream.indirect.scatter.add.f32 [tilespmem:s28], [sflag:$0x3], $0x80, s3, s26, $0xb8;
	[tilespmem:$0x1F800] =	vst v63  }
0x21d: {  	_ =	swait.ge [sflag:s24], $0x4000  }
0x21e: {  	[sflag:s24] =	ssyncset.done $0x0  }
0x21f: {  	s3 =	sadd.s32 $0x100, s2;
	[sflag:s24] =	ssyncadd.s32 $0xFFFFC000  }
0x220: {  	[tilespmem:s28], [sflag:$0x1] =	stream.indirect.gather [hbm4b:s0+s26], $0x80, s3, s26, $0xb8;
	[tilespmem:$0x1F800] =	vst v63  }
0x221: {  	_ =	swait.ge [sflag:s25], $0x4000  }
.Ltmp6:
0x222: {  	[sflag:s25] =	ssyncset.done $0x0;
	(pc) =	sbr.rel @p1 .LBB2_9-.Ltmp6, $4  }
0x223: {  	s2 =	sadd.s32 $0x1480, s2;
	[sflag:s25] =	ssyncadd.s32 $0xFFFFC000  }
0x224: {  	[spmem:s31] =	stream.indirect.scatter.add.f32 [tilespmem:s29], [sflag:$0x3], $0x80, s2, s26, $0xb8;
	[tilespmem:$0x1F800] =	vst v63  }
0x225: {  	_ =	swait.ge [sflag:s24], $0x4000  }
0x226: {  	s3 =	smov.u32 s6;
	s2 =	sshra.s32 s5, $0x2;
	[sflag:s24] =	ssyncset.done $0x0  }
0x227: {  	s3 =	sadd.s32 $0x80, s2;
	[sflag:s24] =	ssyncadd.s32 $0xFFFFC000  }
0x228: {  	[tilespmem:s29], [sflag:$0x2] =	stream.indirect.gather [hbm4b:s0+s26], $0x80, s3, s26, $0xb8;
	[tilespmem:$0x1F800] =	vst v63  }
0x229: {  	_ =	swait.ge [sflag:s30], $0x4000  }
0x22a: {  	[sflag:s30] =	ssyncset.done $0x0  }
0x22b: {  	s6 =	sadd.s32 $0x1400, s2;
	[sflag:s30] =	ssyncadd.s32 $0xFFFFC000  }
0x22c: {  	[spmem:s31] =	stream.indirect.scatter.add.f32 [tilespmem:s28], [sflag:$0x3], $0x80, s6, s26, $0xb8;
	[tilespmem:$0x1F800] =	vst v63  }
0x22d: {  	_ =	swait.ge [sflag:s24], $0x4000  }
0x22e: {  	[sflag:s24] =	ssyncset.done $0x0  }
0x22f: {  	s4 =	sadd.s32 $0x100, s2;
	[sflag:s24] =	ssyncadd.s32 $0xFFFFC000  }
0x230: {  	[tilespmem:s28], [sflag:$0x1] =	stream.indirect.gather [hbm4b:s0+s26], $0x80, s4, s26, $0xb8;
	[tilespmem:$0x1F800] =	vst v63  }
0x231: {  	_ =	swait.ge [sflag:s25], $0x4000  }
0x232: {  	[sflag:s25] =	ssyncset.done $0x0  }
0x233: {  	s5 =	sadd.s32 $0x1480, s2;
	[sflag:s25] =	ssyncadd.s32 $0xFFFFC000  }
0x234: {  	[spmem:s31] =	stream.indirect.scatter.add.f32 [tilespmem:s29], [sflag:$0x3], $0x80, s5, s26, $0xb8;
	[tilespmem:$0x1F800] =	vst v63  }
0x235: {  	_ =	swait.ge [sflag:s24], $0x4000  }
0x236: {  	[sflag:s24] =	ssyncset.done $0x0  }
0x237: {  	s6 =	simm.s32 $0x1380;
	[sflag:s24] =	ssyncadd.s32 $0xFFFFC000  }
0x238: {  	[tilespmem:s29], [sflag:$0x2] =	stream.indirect.gather [hbm4b:s0+s26], $0x80, s6, s26, $0xb8;
	[tilespmem:$0x1F800] =	vst v63  }
0x239: {  	_ =	swait.ge [sflag:s30], $0x4000  }
0x23a: {  	[sflag:s30] =	ssyncset.done $0x0  }
0x23b: {  	s3 =	simm.s32 $0x2700;
	[sflag:s30] =	ssyncadd.s32 $0xFFFFC000  }
0x23c: {  	[spmem:s31] =	stream.indirect.scatter.add.f32 [tilespmem:s28], [sflag:$0x3], $0x80, s3, s26, $0xb8;
	[tilespmem:$0x1F800] =	vst v63  }
0x23d: {  	_ =	swait.ge [sflag:s24], $0x4000  }
0x23e: {  	[sflag:s24] =	ssyncset.done $0x0  }
0x23f: {  	[sflag:s24] =	ssyncadd.s32 $0xFFFFC000  }
0x240: {  	_ =	swait.ge [sflag:s25], $0x4000  }
0x241: {  	[sflag:s25] =	ssyncset.done $0x0  }
0x242: {  	s4 =	simm.s32 $0x2780;
	[sflag:s25] =	ssyncadd.s32 $0xFFFFC000  }
0x243: {  	[spmem:s31] =	stream.indirect.scatter.add.f32 [tilespmem:s29], [sflag:$0x3], $0x80, s4, s26, $0xb8;
	[tilespmem:$0x1F800] =	vst v63  }
0x244: {  	_ =	swait.ge [sflag:s24], $0x4000  }
0x245: {  	[sflag:s24] =	ssyncset.done $0x0  }
0x246: {  	s2 =	simm.s32 $0x0;
	s5 =	rddreg [dreg:$0xa];
	[sflag:s24] =	ssyncadd.s32 $0xFFFFC000  }
0x247: {  	[tilespmem:s2], [sflag:$0x3] =	stream.linear.gather [hbm4b:s5+s2], $0x1400, $0x38;
	[tilespmem:$0x1F800] =	vst v63  }
0x248: {  	_ =	swait.ge [sflag:s24], $0x1400  }
0x249: {  	[sflag:s24] =	ssyncset.done $0x0  }
0x24a: {  	s4 =	simm.s32 $0x1400;
	s6 =	rddreg [dreg:$0xb];
	[sflag:s24] =	ssyncadd.s32 $0xFFFFEC00  }
0x24b: {  	[tilespmem:s4], [sflag:$0x3] =	stream.linear.gather [hbm4b:s6+s2], $0x1400, $0x38;
	[tilespmem:$0x1F800] =	vst v63  }
0x24c: {  	_ =	swait.ge [sflag:s24], $0x1400  }
0x24d: {  	[sflag:s24] =	ssyncset.done $0x0  }
0x24e: {  	[sflag:s24] =	ssyncadd.s32 $0xFFFFEC00  }
0x24f: {  	[tilespmem:s28], [sflag:$0x1] =	stream.indirect.gather [hbm4b:s0+s26], $0x80, s2, s26, $0xb8;
	[tilespmem:$0x1F800] =	vst v63  }
0x250: {  	s3 =	simm.s32 $0x80  }
0x251: {  	[tilespmem:s29], [sflag:$0x2] =	stream.indirect.gather [hbm4b:s0+s26], $0x80, s3, s26, $0xb8;
	[tilespmem:$0x1F800] =	vst v63  }
0x252: {  	_ =	swait.ge [sflag:s30], $0x4000  }
0x253: {  	[sflag:s30] =	ssyncset.done $0x0  }
0x254: {  	s4 =	simm.s32 $0x1400;
	[sflag:s30] =	ssyncadd.s32 $0xFFFFC000  }
0x255: {  	[spmem:s31] =	stream.indirect.scatter.add.f32 [tilespmem:s28], [sflag:$0x3], $0x80, s4, s26, $0xb8;
	[tilespmem:$0x1F800] =	vst v63  }
0x256: {  	_ =	swait.ge [sflag:s24], $0x4000  }
0x257: {  	[sflag:s24] =	ssyncset.done $0x0  }
0x258: {  	s5 =	simm.s32 $0x100;
	[sflag:s24] =	ssyncadd.s32 $0xFFFFC000  }
0x259: {  	[tilespmem:s28], [sflag:$0x1] =	stream.indirect.gather [hbm4b:s0+s26], $0x80, s5, s26, $0xb8;
	[tilespmem:$0x1F800] =	vst v63  }
0x25a: {  	_ =	swait.ge [sflag:s25], $0x4000  }
0x25b: {  	[sflag:s25] =	ssyncset.done $0x0  }
0x25c: {  	s6 =	simm.s32 $0x1480;
	[sflag:s25] =	ssyncadd.s32 $0xFFFFC000  }
0x25d: {  	[spmem:s31] =	stream.indirect.scatter.add.f32 [tilespmem:s29], [sflag:$0x3], $0x80, s6, s26, $0xb8;
	[tilespmem:$0x1F800] =	vst v63  }
0x25e: {  	_ =	swait.ge [sflag:s24], $0x4000  }
0x25f: {  	s2 =	simm.s32 $0x100;
	s3 =	simm.s32 $0x800;
	[sflag:s24] =	ssyncset.done $0x0  }
.LBB2_11:
0x260: {  	s4 =	sadd.s32 $0x80, s2  }
0x261: {  	[sflag:s24] =	ssyncadd.s32 $0xFFFFC000;
	s5 =	smov.u32 s3;
	s6 =	sadd.s32 $0x400, s3  }
0x262: {  	[tilespmem:s29], [sflag:$0x2] =	stream.indirect.gather [hbm4b:s0+s26], $0x80, s4, s26, $0xb8;
	[tilespmem:$0x1F800] =	vst v63  }
0x263: {  	p1 =	sne.s32 s3, $0x4800;
	_ =	swait.ge [sflag:s30], $0x4000  }
0x264: {  	[sflag:s30] =	ssyncset.done $0x0  }
0x265: {  	s3 =	sadd.s32 $0x1400, s2;
	[sflag:s30] =	ssyncadd.s32 $0xFFFFC000  }
0x266: {  	[spmem:s31] =	stream.indirect.scatter.add.f32 [tilespmem:s28], [sflag:$0x3], $0x80, s3, s26, $0xb8;
	[tilespmem:$0x1F800] =	vst v63  }
0x267: {  	_ =	swait.ge [sflag:s24], $0x4000  }
0x268: {  	[sflag:s24] =	ssyncset.done $0x0  }
0x269: {  	s3 =	sadd.s32 $0x100, s2;
	[sflag:s24] =	ssyncadd.s32 $0xFFFFC000  }
0x26a: {  	[tilespmem:s28], [sflag:$0x1] =	stream.indirect.gather [hbm4b:s0+s26], $0x80, s3, s26, $0xb8;
	[tilespmem:$0x1F800] =	vst v63  }
0x26b: {  	_ =	swait.ge [sflag:s25], $0x4000  }
.Ltmp7:
0x26c: {  	[sflag:s25] =	ssyncset.done $0x0;
	(pc) =	sbr.rel @p1 .LBB2_11-.Ltmp7, $4  }
0x26d: {  	s2 =	sadd.s32 $0x1480, s2;
	[sflag:s25] =	ssyncadd.s32 $0xFFFFC000  }
0x26e: {  	[spmem:s31] =	stream.indirect.scatter.add.f32 [tilespmem:s29], [sflag:$0x3], $0x80, s2, s26, $0xb8;
	[tilespmem:$0x1F800] =	vst v63  }
0x26f: {  	_ =	swait.ge [sflag:s24], $0x4000  }
0x270: {  	s3 =	smov.u32 s6;
	s2 =	sshra.s32 s5, $0x2;
	[sflag:s24] =	ssyncset.done $0x0  }
.Ltmp8:
0x271: {  	_ = 	snop;
	(pc) =	sbr.rel .LBB2_12-.Ltmp8, $1  }
0x272: {  	_ =	sdelay $0x3  }
.LBB2_14:
0x273: {  	_ =	sfence.sel $0x180000  }
0x274: {  	[bflag:$0x0] =	sbarrier.arrive $0xFFFF  }
0x275: {  	_ =	strace $0x9000004A  }
0x276: {  	s0 =	stileid.u32;
	[bflag:$0x2] =	sbarrier.arrive $0xFFFF  }
0x277: {  	p0 =	sne.s32 s0, $0x0;
	s0 =	rddreg [dreg:$0x3]  }
0x278: {  	s0 =	sadd.s32 @!p0 $0x100000, s0  }
0x279: {  	[sflag:s0] =	ssyncadd.tile.s32 @!p0 $0x1;
	_ =	shalt  }
.Lfunc_end2:
_tile_overlayer_lowered:
.L_overlay_start_2:
0x27a: {  	(tag) =	ssettag $0x2  }
0x27b: {  	s0 =	rddreg [dreg:$0x0];
	s2 =	stileid.u32  }
0x27c: {  	s1 =	rddreg [dreg:$0x1];
	p0 =	sne.s32 s2, $0x0  }
0x27d: {  	s3 =	rddreg [dreg:$0x2];
	[bflag:$0x3] =	sbarrier.arrive $0xFFFF;
	s2 =	simm.s32 @!p0 $0x1C03  }
0x27e: {  	[timem:s3], [sflag:s2] =	dma.local @!p0 [hbm:s0], s1  }
0x27f: {  	s0 =	simm.s32 @!p0 $0x3  }
0x280: {  	_ =	swait.ge @!p0 [sflag:s0], s1  }
0x281: {  	s1 =	ssub.s32 @!p0 $0x0, s1;
	[sflag:s0] =	ssyncset.done @!p0 $0x0  }
0x282: {  	[sflag:s0] =	ssyncadd.s32 @!p0 s1  }
0x283: {  	[bflag:$0x3] =	sbarrier.arrive $0xFFFF  }
0x284: {  	_ =	shalt  }

</sc_bundles>
